<compile_context>
chip_gen: v7x
topology: tpu7x:2x2x1
jax: 0.10.2.dev20260603
libtpu: 0.0.44.dev20260713+nightly
codegen_flags: <defaults>
</compile_context>

<pallas_src>
import functools
import math

import jax
import jax.numpy as jnp
from jax import lax
from jax.experimental import pallas as pl
from jax.experimental.pallas import tpu as pltpu
from jax.experimental.pallas import tpu_sc as plsc

F32 = jnp.float32
EPS = 1e-5

_NC = 2
_NS = 16
_NW = _NC * _NS
_CHUNK = 128
_BLKN = 512
_BLKE = 8192


def _sc_mesh():
    return plsc.VectorSubcoreMesh(
        core_axis_name="c", subcore_axis_name="s",
        num_cores=_NC, num_subcores=_NS)


def _mm(a, b):
    return lax.dot_general(a, b, (((1,), (0,)), ((), ())),
                           preferred_element_type=F32)



@functools.lru_cache(maxsize=None)
def _gather_fn(e_pad, d):
    cpt = e_pad // (_NW * _CHUNK)
    per_tile = cpt * _CHUNK

    def body(a_hbm, b_hbm, dst_hbm, src_hbm, ga_hbm, gb_hbm,
             idxd, idxs, ra, rb, sema, semb):
        c = lax.axis_index("c")
        s = lax.axis_index("s")
        wid = s * _NC + c
        base = wid * per_tile
        pltpu.sync_copy(dst_hbm.at[wid], idxd)
        pltpu.sync_copy(src_hbm.at[wid], idxs)

        def step(j, carry):
            off = base + j * _CHUNK
            cpa = pltpu.async_copy(a_hbm.at[idxd.at[j]], ra, sema)
            cpb = pltpu.async_copy(b_hbm.at[idxs.at[j]], rb, semb)
            cpa.wait()
            cpb.wait()
            pltpu.sync_copy(ra, ga_hbm.at[pl.ds(off, _CHUNK)])
            pltpu.sync_copy(rb, gb_hbm.at[pl.ds(off, _CHUNK)])
            return carry

        lax.fori_loop(0, cpt, step, 0)

    return pl.kernel(
        body,
        out_type=[jax.ShapeDtypeStruct((e_pad, d), F32),
                  jax.ShapeDtypeStruct((e_pad, d), F32)],
        mesh=_sc_mesh(),
        scratch_types=[pltpu.VMEM((cpt, _CHUNK), jnp.int32),
                       pltpu.VMEM((cpt, _CHUNK), jnp.int32),
                       pltpu.VMEM((_CHUNK, d), F32),
                       pltpu.VMEM((_CHUNK, d), F32),
                       pltpu.SemaphoreType.DMA,
                       pltpu.SemaphoreType.DMA],
        compiler_params=pltpu.CompilerParams(use_tc_tiling_on_sc=False),
    )


@functools.lru_cache(maxsize=None)
def _scatter_fn(n_pad, e_pad, d):
    cpt = e_pad // (_NW * _CHUNK)
    per_tile = cpt * _CHUNK
    rpt = n_pad // _NS

    def body(m_hbm, dst_hbm, zeros_hbm, out_hbm, idxd, mbuf, zbuf, shared):
        c = lax.axis_index("c")
        s = lax.axis_index("s")
        wid = s * _NC + c
        base = wid * per_tile
        r0 = s * rpt
        pltpu.sync_copy(dst_hbm.at[wid], idxd)
        pltpu.sync_copy(zeros_hbm.at[pl.ds(r0, rpt)], zbuf)
        pltpu.sync_copy(zbuf, shared.at[pl.ds(r0, rpt)])
        plsc.subcore_barrier()

        def step(j, carry):
            off = base + j * _CHUNK
            pltpu.sync_copy(m_hbm.at[pl.ds(off, _CHUNK)], mbuf)
            pltpu.sync_copy(mbuf, shared.at[idxd.at[j]], add=True)
            return carry

        lax.fori_loop(0, cpt, step, 0)
        plsc.subcore_barrier()
        pltpu.sync_copy(shared.at[pl.ds(r0, rpt)], zbuf)
        pltpu.sync_copy(zbuf, out_hbm.at[c, pl.ds(r0, rpt)])

    return pl.kernel(
        body,
        out_type=jax.ShapeDtypeStruct((_NC, n_pad, d), F32),
        mesh=_sc_mesh(),
        scratch_types=[pltpu.VMEM((cpt, _CHUNK), jnp.int32),
                       pltpu.VMEM((_CHUNK, d), F32),
                       pltpu.VMEM((rpt, d), F32),
                       pltpu.VMEM_SHARED((n_pad, d), F32)],
        compiler_params=pltpu.CompilerParams(use_tc_tiling_on_sc=False),
    )



def _full(shape):
    nd = len(shape)
    return pl.BlockSpec(shape, lambda i, _nd=nd: (0,) * _nd)


def _tc_project(x_p, winT, b_in, waT, wbT):
    n_pad, d_in = x_p.shape
    hid = winT.shape[1]
    dh = waT.shape[1]

    def body(x_ref, winT_ref, bin_ref, waT_ref, wbT_ref, h_ref, a_ref, b_ref):
        h = _mm(x_ref[...], winT_ref[...]) + bin_ref[...]
        h_ref[...] = h
        a_ref[...] = _mm(h, waT_ref[...])
        b_ref[...] = _mm(h, wbT_ref[...])

    grid = (n_pad // _BLKN,)
    return pl.pallas_call(
        body,
        grid=grid,
        in_specs=[pl.BlockSpec((_BLKN, d_in), lambda i: (i, 0)),
                  _full(winT.shape), _full(b_in.shape),
                  _full(waT.shape), _full(wbT.shape)],
        out_specs=[pl.BlockSpec((_BLKN, hid), lambda i: (i, 0)),
                   pl.BlockSpec((_BLKN, dh), lambda i: (i, 0)),
                   pl.BlockSpec((_BLKN, dh), lambda i: (i, 0))],
        out_shape=[jax.ShapeDtypeStruct((n_pad, hid), F32),
                   jax.ShapeDtypeStruct((n_pad, dh), F32),
                   jax.ShapeDtypeStruct((n_pad, dh), F32)],
    )(x_p, winT, b_in, waT, wbT)


def _tc_edge(ga, gb, c1, w2T, b2, wzaT, cza):
    e_pad, dh = ga.shape
    hid = w2T.shape[1]

    def body(ga_ref, gb_ref, c1_ref, w2T_ref, b2_ref, wzaT_ref, cza_ref,
             m_ref):
        u = jnp.maximum(ga_ref[...] + gb_ref[...] + c1_ref[...], 0.0)
        y = jnp.maximum(_mm(u, w2T_ref[...]) + b2_ref[...], 0.0)
        m_ref[...] = _mm(y, wzaT_ref[...]) + cza_ref[...]

    grid = (e_pad // _BLKE,)
    return pl.pallas_call(
        body,
        grid=grid,
        in_specs=[pl.BlockSpec((_BLKE, dh), lambda i: (i, 0)),
                  pl.BlockSpec((_BLKE, dh), lambda i: (i, 0)),
                  _full(c1.shape), _full(w2T.shape), _full(b2.shape),
                  _full(wzaT.shape), _full(cza.shape)],
        out_specs=pl.BlockSpec((_BLKE, dh), lambda i: (i, 0)),
        out_shape=jax.ShapeDtypeStruct((e_pad, dh), F32),
    )(ga, gb, c1, w2T, b2, wzaT, cza)


def _tc_update(h, p, wuhT, c1u, w2uT, b2u, s2u, be2u, waT, wbT):
    n_pad, hid = h.shape
    dh = wuhT.shape[1]

    def body(h_ref, p0_ref, p1_ref, wuhT_ref, c1u_ref, w2uT_ref, b2u_ref,
             s2u_ref, be2u_ref, waT_ref, wbT_ref, hn_ref, a_ref, b_ref):
        hv = h_ref[...]
        t = jnp.maximum(_mm(hv, wuhT_ref[...]) + p0_ref[...] + p1_ref[...]
                        + c1u_ref[...], 0.0)
        o = jnp.maximum(_mm(t, w2uT_ref[...]) + b2u_ref[...], 0.0)
        hn = hv + o * s2u_ref[...] + be2u_ref[...]
        hn_ref[...] = hn
        a_ref[...] = _mm(hn, waT_ref[...])
        b_ref[...] = _mm(hn, wbT_ref[...])

    grid = (n_pad // _BLKN,)
    return pl.pallas_call(
        body,
        grid=grid,
        in_specs=[pl.BlockSpec((_BLKN, hid), lambda i: (i, 0)),
                  pl.BlockSpec((_BLKN, dh), lambda i: (i, 0)),
                  pl.BlockSpec((_BLKN, dh), lambda i: (i, 0)),
                  _full(wuhT.shape), _full(c1u.shape), _full(w2uT.shape),
                  _full(b2u.shape), _full(s2u.shape), _full(be2u.shape),
                  _full(waT.shape), _full(wbT.shape)],
        out_specs=[pl.BlockSpec((_BLKN, hid), lambda i: (i, 0)),
                   pl.BlockSpec((_BLKN, dh), lambda i: (i, 0)),
                   pl.BlockSpec((_BLKN, dh), lambda i: (i, 0))],
        out_shape=[jax.ShapeDtypeStruct((n_pad, hid), F32),
                   jax.ShapeDtypeStruct((n_pad, dh), F32),
                   jax.ShapeDtypeStruct((n_pad, dh), F32)],
    )(h, p[0], p[1], wuhT, c1u, w2uT, b2u, s2u, be2u, waT, wbT)


def _tc_out(h, woutT, b_out):
    n_pad, hid = h.shape
    d_out = woutT.shape[1]

    def body(h_ref, woutT_ref, bout_ref, o_ref):
        o_ref[...] = _mm(h_ref[...], woutT_ref[...]) + bout_ref[...]

    grid = (n_pad // _BLKN,)
    return pl.pallas_call(
        body,
        grid=grid,
        in_specs=[pl.BlockSpec((_BLKN, hid), lambda i: (i, 0)),
                  _full(woutT.shape), _full(b_out.shape)],
        out_specs=pl.BlockSpec((_BLKN, d_out), lambda i: (i, 0)),
        out_shape=jax.ShapeDtypeStruct((n_pad, d_out), F32),
    )(h, woutT, b_out)



def _fold_layer(p_msg, p_upd):
    inv = 1.0 / jnp.sqrt(1.0 + EPS)
    s1 = p_msg["g1"] * inv
    s2 = p_msg["g2"] * inv
    s1u = p_upd["g1"] * inv
    hid = p_msg["W1"].shape[1] // 2
    w1d = p_msg["W1"][:, :hid]
    w1s = p_msg["W1"][:, hid:]
    w1uh = p_upd["W1"][:, :hid]
    w1ua = p_upd["W1"][:, hid:]
    return {
        "waT": w1d.T * s1[None, :],
        "wbT": w1s.T * s1[None, :],
        "c1": (p_msg["b1"] * s1 + p_msg["be1"])[None, :],
        "w2T": p_msg["W2"].T,
        "b2": p_msg["b2"][None, :],
        "wzaT": (s2[:, None] * w1ua.T) * s1u[None, :],
        "cza": ((p_msg["be2"] @ w1ua.T) * s1u)[None, :],
        "wuhT": w1uh.T * s1u[None, :],
        "c1u": (p_upd["b1"] * s1u + p_upd["be1"])[None, :],
        "w2uT": p_upd["W2"].T,
        "b2u": p_upd["b2"][None, :],
        "s2u": (p_upd["g2"] * inv)[None, :],
        "be2u": p_upd["be2"][None, :],
    }


def kernel(x, edge_index, edge_attr, batch, params):
    n, d_in = x.shape
    e = edge_index.shape[1]
    hid = params["W_in"].shape[0]
    num_layers = len(params["msg"])
    dh = params["msg"][0]["W1"].shape[0]

    n_pad = -(-n // _BLKN) * _BLKN
    step = _NW * _CHUNK
    quantum = step * _BLKE // math.gcd(step, _BLKE)
    e_pad = -(-e // quantum) * quantum
    cpt = e_pad // step

    x_p = jnp.pad(x, ((0, n_pad - n), (0, 0)))
    src = jnp.pad(edge_index[0], (0, e_pad - e)).reshape(_NW, cpt, _CHUNK)
    dst = jnp.pad(edge_index[1], (0, e_pad - e),
                  constant_values=n).reshape(_NW, cpt, _CHUNK)
    zeros = jnp.zeros((n_pad, dh), F32)
    folds = [_fold_layer(params["msg"][l], params["upd"][l])
             for l in range(num_layers)]

    gather = _gather_fn(e_pad, dh)
    scatter = _scatter_fn(n_pad, e_pad, dh)

    f0 = folds[0]
    h, a, b = _tc_project(x_p, params["W_in"].T, params["b_in"][None, :],
                          f0["waT"], f0["wbT"])
    for l in range(num_layers):
        f = folds[l]
        fn = folds[min(l + 1, num_layers - 1)]
        ga, gb = gather(a, b, dst, src)
        m = _tc_edge(ga, gb, f["c1"], f["w2T"], f["b2"], f["wzaT"], f["cza"])
        p = scatter(m, dst, zeros)
        h, a, b = _tc_update(h, p, f["wuhT"], f["c1u"], f["w2uT"], f["b2u"],
                             f["s2u"], f["be2u"], fn["waT"], fn["wbT"])

    out = _tc_out(h, params["W_out"].T, params["b_out"][None, :])
    return out[:n]

# --- scband reference (transcript-rebuilt; emitter-appended) ---
"""Pipeline reference for scband-mpnnmodel-48498770706685 (READ-ONLY COPY).

The authoritative reference and input builder live on the scoring server;
editing this copy changes nothing except your own understanding.
"""

import jax, jax.numpy as jnp
import numpy as np

N = 10000
E = 320000
D_IN = 128
HID = 64
HL = 32
EDGE_DIM = 0
OUT = 7
NUM_LAYERS = 3
EPS = 1e-5


def _mlp_params(key, in_d, hid, out_d):
    k1, k2 = jax.random.split(key)
    return {
        "W1": jax.random.normal(k1, (hid, in_d), jnp.float32) * 0.05,
        "b1": jnp.zeros((hid,), jnp.float32),
        "g1": jnp.ones((hid,), jnp.float32),
        "be1": jnp.zeros((hid,), jnp.float32),
        "W2": jax.random.normal(k2, (out_d, hid), jnp.float32) * 0.05,
        "b2": jnp.zeros((out_d,), jnp.float32),
        "g2": jnp.ones((out_d,), jnp.float32),
        "be2": jnp.zeros((out_d,), jnp.float32),
    }


def setup_inputs(seed: int = 0) -> dict:
    key = jax.random.key(seed)
    ks = jax.random.split(key, 16)
    x = jax.random.normal(ks[0], (N, D_IN), jnp.float32)
    edge_index = jax.random.randint(ks[1], (2, E), 0, N, dtype=jnp.int32)
    edge_attr = jnp.zeros((E, EDGE_DIM), jnp.float32)
    batch = jnp.zeros((N,), jnp.int32)
    params = {
        "W_in": jax.random.normal(ks[2], (HID, D_IN), jnp.float32) * 0.05,
        "b_in": jnp.zeros((HID,), jnp.float32),
        "W_out": jax.random.normal(ks[3], (OUT, HID), jnp.float32) * 0.05,
        "b_out": jnp.zeros((OUT,), jnp.float32),
        "msg": [_mlp_params(ks[4 + l], 2 * HID + EDGE_DIM, HL, HID) for l in range(NUM_LAYERS)],
        "upd": [_mlp_params(ks[8 + l], 2 * HID + EDGE_DIM, HL, HID) for l in range(NUM_LAYERS)],
    }
    return {"x": x, "edge_index": edge_index, "edge_attr": edge_attr, "batch": batch, "params": params}


def _bn_eval(h, g, b):
    # BatchNorm1d in eval mode with freshly-initialized running stats (mean=0, var=1)
    return h / jnp.sqrt(1.0 + EPS) * g + b


def _mlp(h, p):
    # Linear -> BN -> ReLU -> (Dropout=id in eval) -> Linear -> ReLU -> (Dropout) -> BN
    h = h @ p["W1"].T + p["b1"]
    h = _bn_eval(h, p["g1"], p["be1"])
    h = jax.nn.relu(h)
    h = h @ p["W2"].T + p["b2"]
    h = jax.nn.relu(h)
    h = _bn_eval(h, p["g2"], p["be2"])
    return h


def _conv(x, edge_index, edge_attr, p_msg, p_upd):
    src = edge_index[0]
    dst = edge_index[1]
    # message: x_i = x[dst] (target), x_j = x[src] (source)
    msg_in = jnp.concatenate([x[dst], x[src], edge_attr], axis=1)
    msg = _mlp(msg_in, p_msg)
    # aggregate: scatter-add over destination nodes
    aggr = jax.ops.segment_sum(msg, dst, num_segments=x.shape[0])
    # update
    upd_in = jnp.concatenate([x, aggr], axis=1)
    return _mlp(upd_in, p_upd)


def reference(x, edge_index, edge_attr, batch, params):
    h = x @ params["W_in"].T + params["b_in"]
    for l in range(NUM_LAYERS):
        h = h + _conv(h, edge_index, edge_attr, params["msg"][l], params["upd"][l])
    return h @ params["W_out"].T + params["b_out"]

if __name__ == "__main__":
    import jax
    _d = setup_inputs()
    print(jax.jit(kernel)(*tuple(_d.values())))

</pallas_src>

<mosaic_0001>
#map = affine_map<(d0, d1) -> (0, 0)>
#map1 = affine_map<(d0, d1) -> (0, 0, 0)>
module attributes {stable_mosaic.version = 14 : i64} {
  func.func @body(%arg0: i32, %arg1: i32, %arg2: memref<10240x32xf32, #tpu.memory_space<hbm>>, %arg3: memref<10240x32xf32, #tpu.memory_space<hbm>>, %arg4: memref<32x80x128xi32, #tpu.memory_space<hbm>>, %arg5: memref<32x80x128xi32, #tpu.memory_space<hbm>>, %arg6: memref<327680x32xf32, #tpu.memory_space<hbm>>, %arg7: memref<327680x32xf32, #tpu.memory_space<hbm>>, %arg8: memref<80x128xi32, #tpu.memory_space<vmem>>, %arg9: memref<80x128xi32, #tpu.memory_space<vmem>>, %arg10: memref<128x32xf32, #tpu.memory_space<vmem>>, %arg11: memref<128x32xf32, #tpu.memory_space<vmem>>, %arg12: memref<!tpu.dma_semaphore, #tpu.memory_space<semaphore_mem>>, %arg13: memref<!tpu.dma_semaphore, #tpu.memory_space<semaphore_mem>>) attributes {dimension_semantics = [#tpu.dimension_semantics<core_parallel>, #tpu.dimension_semantics<subcore_parallel>], iteration_bounds = array<i64: 2, 16>, scalar_prefetch = 0 : i64, scratch_operands = 6 : i64, tpu.core_type = #tpu.core_type<sc_vector_subcore>, window_params = [{transform_indices = #map}, {transform_indices = #map}, {transform_indices = #map1}, {transform_indices = #map1}, {transform_indices = #map}, {transform_indices = #map}]} {
    %mul3A = arith.constant 2 : i32
    %mul3A_0 = arith.muli %arg1, %mul3A : i32
    %add3A = arith.addi %mul3A_0, %arg0 : i32
    %mul3A_1 = arith.constant 10240 : i32
    %mul3A_2 = arith.muli %add3A, %mul3A_1 : i32
    "tpu.region"() ({
      %run_scoped3A = tpu.sem_alloc : memref<!tpu.dma_semaphore, #tpu.memory_space<semaphore_mem>>
      %dma_start3A = arith.constant 0 : i32
      %dma_start3A_8 = arith.constant 0 : i32
      %dma_start3A_9 = tpu.memref_slice %arg4[%add3A, %dma_start3A, %dma_start3A_8] : memref<32x80x128xi32, #tpu.memory_space<hbm>> -> memref<1x80x128xi32, #tpu.memory_space<hbm>>
      %dma_start3A_10 = tpu.memref_squeeze %dma_start3A_9 : memref<1x80x128xi32, #tpu.memory_space<hbm>> -> memref<80x128xi32, #tpu.memory_space<hbm>>
      %dma_start3A_11 = arith.constant 0 : i32
      %dma_start3A_12 = arith.constant 0 : i32
      %dma_start3A_13 = tpu.memref_slice %arg4[%add3A, %dma_start3A_11, %dma_start3A_12] : memref<32x80x128xi32, #tpu.memory_space<hbm>> -> memref<1x80x128xi32, #tpu.memory_space<hbm>>
      %dma_start3A_14 = tpu.memref_squeeze %dma_start3A_13 : memref<1x80x128xi32, #tpu.memory_space<hbm>> -> memref<80x128xi32, #tpu.memory_space<hbm>>
      tpu.enqueue_dma source(%dma_start3A_14 : memref<80x128xi32, #tpu.memory_space<hbm>>) target(%arg8 : memref<80x128xi32, #tpu.memory_space<vmem>>) target_semaphore(%run_scoped3A : memref<!tpu.dma_semaphore, #tpu.memory_space<semaphore_mem>>)
      %dma_wait3A = arith.constant 0 : i32
      %dma_wait3A_15 = arith.constant 0 : i32
      %dma_wait3A_16 = tpu.memref_slice %arg4[%add3A, %dma_wait3A, %dma_wait3A_15] : memref<32x80x128xi32, #tpu.memory_space<hbm>> -> memref<1x80x128xi32, #tpu.memory_space<hbm>>
      %dma_wait3A_17 = tpu.memref_squeeze %dma_wait3A_16 : memref<1x80x128xi32, #tpu.memory_space<hbm>> -> memref<80x128xi32, #tpu.memory_space<hbm>>
      %dma_wait3A_18 = arith.constant 0 : i32
      %dma_wait3A_19 = arith.constant 0 : i32
      %dma_wait3A_20 = tpu.memref_slice %arg4[%add3A, %dma_wait3A_18, %dma_wait3A_19] : memref<32x80x128xi32, #tpu.memory_space<hbm>> -> memref<1x80x128xi32, #tpu.memory_space<hbm>>
      %dma_wait3A_21 = tpu.memref_squeeze %dma_wait3A_20 : memref<1x80x128xi32, #tpu.memory_space<hbm>> -> memref<80x128xi32, #tpu.memory_space<hbm>>
      tpu.wait_dma2 semaphore(%run_scoped3A : memref<!tpu.dma_semaphore, #tpu.memory_space<semaphore_mem>>) src(%dma_wait3A_21 : memref<80x128xi32, #tpu.memory_space<hbm>>) dst(%arg8 : memref<80x128xi32, #tpu.memory_space<vmem>>)
      tpu.yield
    }) : () -> ()
    "tpu.region"() ({
      %run_scoped3A = tpu.sem_alloc : memref<!tpu.dma_semaphore, #tpu.memory_space<semaphore_mem>>
      %dma_start3A = arith.constant 0 : i32
      %dma_start3A_8 = arith.constant 0 : i32
      %dma_start3A_9 = tpu.memref_slice %arg5[%add3A, %dma_start3A, %dma_start3A_8] : memref<32x80x128xi32, #tpu.memory_space<hbm>> -> memref<1x80x128xi32, #tpu.memory_space<hbm>>
      %dma_start3A_10 = tpu.memref_squeeze %dma_start3A_9 : memref<1x80x128xi32, #tpu.memory_space<hbm>> -> memref<80x128xi32, #tpu.memory_space<hbm>>
      %dma_start3A_11 = arith.constant 0 : i32
      %dma_start3A_12 = arith.constant 0 : i32
      %dma_start3A_13 = tpu.memref_slice %arg5[%add3A, %dma_start3A_11, %dma_start3A_12] : memref<32x80x128xi32, #tpu.memory_space<hbm>> -> memref<1x80x128xi32, #tpu.memory_space<hbm>>
      %dma_start3A_14 = tpu.memref_squeeze %dma_start3A_13 : memref<1x80x128xi32, #tpu.memory_space<hbm>> -> memref<80x128xi32, #tpu.memory_space<hbm>>
      tpu.enqueue_dma source(%dma_start3A_14 : memref<80x128xi32, #tpu.memory_space<hbm>>) target(%arg9 : memref<80x128xi32, #tpu.memory_space<vmem>>) target_semaphore(%run_scoped3A : memref<!tpu.dma_semaphore, #tpu.memory_space<semaphore_mem>>)
      %dma_wait3A = arith.constant 0 : i32
      %dma_wait3A_15 = arith.constant 0 : i32
      %dma_wait3A_16 = tpu.memref_slice %arg5[%add3A, %dma_wait3A, %dma_wait3A_15] : memref<32x80x128xi32, #tpu.memory_space<hbm>> -> memref<1x80x128xi32, #tpu.memory_space<hbm>>
      %dma_wait3A_17 = tpu.memref_squeeze %dma_wait3A_16 : memref<1x80x128xi32, #tpu.memory_space<hbm>> -> memref<80x128xi32, #tpu.memory_space<hbm>>
      %dma_wait3A_18 = arith.constant 0 : i32
      %dma_wait3A_19 = arith.constant 0 : i32
      %dma_wait3A_20 = tpu.memref_slice %arg5[%add3A, %dma_wait3A_18, %dma_wait3A_19] : memref<32x80x128xi32, #tpu.memory_space<hbm>> -> memref<1x80x128xi32, #tpu.memory_space<hbm>>
      %dma_wait3A_21 = tpu.memref_squeeze %dma_wait3A_20 : memref<1x80x128xi32, #tpu.memory_space<hbm>> -> memref<80x128xi32, #tpu.memory_space<hbm>>
      tpu.wait_dma2 semaphore(%run_scoped3A : memref<!tpu.dma_semaphore, #tpu.memory_space<semaphore_mem>>) src(%dma_wait3A_21 : memref<80x128xi32, #tpu.memory_space<hbm>>) dst(%arg9 : memref<80x128xi32, #tpu.memory_space<vmem>>)
      tpu.yield
    }) : () -> ()
    %scan3A = arith.constant 0 : i32
    %scan3A_3 = arith.constant 0 : i32
    %scan3A_4 = arith.constant 80 : i32
    %scan3A_5 = arith.addi %scan3A_3, %scan3A_4 : i32
    %scan3A_6 = arith.constant 1 : i32
    scf.for %scan3A_8 = %scan3A_3 to %scan3A_5 step %scan3A_6  : i32 {
      %mul3A_9 = arith.constant 128 : i32
      %mul3A_10 = arith.muli %scan3A_8, %mul3A_9 : i32
      %add3A_11 = arith.addi %mul3A_2, %mul3A_10 : i32
      %dma_start3A = arith.constant 0 : i32
      %dma_start3A_12 = tpu.memref_slice %arg8[%scan3A_8, %dma_start3A] : memref<80x128xi32, #tpu.memory_space<vmem>> -> memref<1x128xi32, #tpu.memory_space<vmem>>
      %dma_start3A_13 = tpu.memref_squeeze %dma_start3A_12 : memref<1x128xi32, #tpu.memory_space<vmem>> -> memref<128xi32, #tpu.memory_space<vmem>>
      %dma_start3A_14 = arith.constant 0 : i32
      %dma_start3A_15 = arith.constant 0 : i32
      %dma_start3A_16 = tpu.memref_slice %arg2[%dma_start3A_14, %dma_start3A_15] : memref<10240x32xf32, #tpu.memory_space<hbm>> -> memref<10240x32xf32, #tpu.memory_space<hbm>>
      tpu.enqueue_indirect_dma source(%dma_start3A_16 : memref<10240x32xf32, #tpu.memory_space<hbm>>) target(%arg10 : memref<128x32xf32, #tpu.memory_space<vmem>>) offsets(%dma_start3A_13 : memref<128xi32, #tpu.memory_space<vmem>>) semaphore(%arg12 : memref<!tpu.dma_semaphore, #tpu.memory_space<semaphore_mem>>)
      %dma_start3A_17 = arith.constant 0 : i32
      %dma_start3A_18 = tpu.memref_slice %arg9[%scan3A_8, %dma_start3A_17] : memref<80x128xi32, #tpu.memory_space<vmem>> -> memref<1x128xi32, #tpu.memory_space<vmem>>
      %dma_start3A_19 = tpu.memref_squeeze %dma_start3A_18 : memref<1x128xi32, #tpu.memory_space<vmem>> -> memref<128xi32, #tpu.memory_space<vmem>>
      %dma_start3A_20 = arith.constant 0 : i32
      %dma_start3A_21 = arith.constant 0 : i32
      %dma_start3A_22 = tpu.memref_slice %arg3[%dma_start3A_20, %dma_start3A_21] : memref<10240x32xf32, #tpu.memory_space<hbm>> -> memref<10240x32xf32, #tpu.memory_space<hbm>>
      tpu.enqueue_indirect_dma source(%dma_start3A_22 : memref<10240x32xf32, #tpu.memory_space<hbm>>) target(%arg11 : memref<128x32xf32, #tpu.memory_space<vmem>>) offsets(%dma_start3A_19 : memref<128xi32, #tpu.memory_space<vmem>>) semaphore(%arg13 : memref<!tpu.dma_semaphore, #tpu.memory_space<semaphore_mem>>)
      %dma_wait3A = arith.constant 0 : i32
      %dma_wait3A_23 = tpu.memref_slice %arg8[%scan3A_8, %dma_wait3A] : memref<80x128xi32, #tpu.memory_space<vmem>> -> memref<1x128xi32, #tpu.memory_space<vmem>>
      %dma_wait3A_24 = tpu.memref_squeeze %dma_wait3A_23 : memref<1x128xi32, #tpu.memory_space<vmem>> -> memref<128xi32, #tpu.memory_space<vmem>>
      %dma_wait3A_25 = arith.constant 0 : i32
      %dma_wait3A_26 = arith.constant 0 : i32
      %dma_wait3A_27 = tpu.memref_slice %arg2[%dma_wait3A_25, %dma_wait3A_26] : memref<10240x32xf32, #tpu.memory_space<hbm>> -> memref<10240x32xf32, #tpu.memory_space<hbm>>
      tpu.wait_indirect_dma semaphore(%arg12 : memref<!tpu.dma_semaphore, #tpu.memory_space<semaphore_mem>>) src(%dma_wait3A_27 : memref<10240x32xf32, #tpu.memory_space<hbm>>) dst(%arg10 : memref<128x32xf32, #tpu.memory_space<vmem>>)
      %dma_wait3A_28 = arith.constant 0 : i32
      %dma_wait3A_29 = tpu.memref_slice %arg9[%scan3A_8, %dma_wait3A_28] : memref<80x128xi32, #tpu.memory_space<vmem>> -> memref<1x128xi32, #tpu.memory_space<vmem>>
      %dma_wait3A_30 = tpu.memref_squeeze %dma_wait3A_29 : memref<1x128xi32, #tpu.memory_space<vmem>> -> memref<128xi32, #tpu.memory_space<vmem>>
      %dma_wait3A_31 = arith.constant 0 : i32
      %dma_wait3A_32 = arith.constant 0 : i32
      %dma_wait3A_33 = tpu.memref_slice %arg3[%dma_wait3A_31, %dma_wait3A_32] : memref<10240x32xf32, #tpu.memory_space<hbm>> -> memref<10240x32xf32, #tpu.memory_space<hbm>>
      tpu.wait_indirect_dma semaphore(%arg13 : memref<!tpu.dma_semaphore, #tpu.memory_space<semaphore_mem>>) src(%dma_wait3A_33 : memref<10240x32xf32, #tpu.memory_space<hbm>>) dst(%arg11 : memref<128x32xf32, #tpu.memory_space<vmem>>)
      "tpu.region"() ({
        %run_scoped3A = tpu.sem_alloc : memref<!tpu.dma_semaphore, #tpu.memory_space<semaphore_mem>>
        %dma_start3A_34 = arith.constant 0 : i32
        %dma_start3A_35 = tpu.memref_slice %arg6[%add3A_11, %dma_start3A_34] : memref<327680x32xf32, #tpu.memory_space<hbm>> -> memref<128x32xf32, #tpu.memory_space<hbm>>
        %dma_start3A_36 = arith.constant 0 : i32
        %dma_start3A_37 = tpu.memref_slice %arg6[%add3A_11, %dma_start3A_36] : memref<327680x32xf32, #tpu.memory_space<hbm>> -> memref<128x32xf32, #tpu.memory_space<hbm>>
        tpu.enqueue_dma source(%arg10 : memref<128x32xf32, #tpu.memory_space<vmem>>) target(%dma_start3A_37 : memref<128x32xf32, #tpu.memory_space<hbm>>) target_semaphore(%run_scoped3A : memref<!tpu.dma_semaphore, #tpu.memory_space<semaphore_mem>>)
        %dma_wait3A_38 = arith.constant 0 : i32
        %dma_wait3A_39 = tpu.memref_slice %arg6[%add3A_11, %dma_wait3A_38] : memref<327680x32xf32, #tpu.memory_space<hbm>> -> memref<128x32xf32, #tpu.memory_space<hbm>>
        %dma_wait3A_40 = arith.constant 0 : i32
        %dma_wait3A_41 = tpu.memref_slice %arg6[%add3A_11, %dma_wait3A_40] : memref<327680x32xf32, #tpu.memory_space<hbm>> -> memref<128x32xf32, #tpu.memory_space<hbm>>
        tpu.wait_dma2 semaphore(%run_scoped3A : memref<!tpu.dma_semaphore, #tpu.memory_space<semaphore_mem>>) src(%arg10 : memref<128x32xf32, #tpu.memory_space<vmem>>) dst(%dma_wait3A_41 : memref<128x32xf32, #tpu.memory_space<hbm>>)
        tpu.yield
      }) : () -> ()
      "tpu.region"() ({
        %run_scoped3A = tpu.sem_alloc : memref<!tpu.dma_semaphore, #tpu.memory_space<semaphore_mem>>
        %dma_start3A_34 = arith.constant 0 : i32
        %dma_start3A_35 = tpu.memref_slice %arg7[%add3A_11, %dma_start3A_34] : memref<327680x32xf32, #tpu.memory_space<hbm>> -> memref<128x32xf32, #tpu.memory_space<hbm>>
        %dma_start3A_36 = arith.constant 0 : i32
        %dma_start3A_37 = tpu.memref_slice %arg7[%add3A_11, %dma_start3A_36] : memref<327680x32xf32, #tpu.memory_space<hbm>> -> memref<128x32xf32, #tpu.memory_space<hbm>>
        tpu.enqueue_dma source(%arg11 : memref<128x32xf32, #tpu.memory_space<vmem>>) target(%dma_start3A_37 : memref<128x32xf32, #tpu.memory_space<hbm>>) target_semaphore(%run_scoped3A : memref<!tpu.dma_semaphore, #tpu.memory_space<semaphore_mem>>)
        %dma_wait3A_38 = arith.constant 0 : i32
        %dma_wait3A_39 = tpu.memref_slice %arg7[%add3A_11, %dma_wait3A_38] : memref<327680x32xf32, #tpu.memory_space<hbm>> -> memref<128x32xf32, #tpu.memory_space<hbm>>
        %dma_wait3A_40 = arith.constant 0 : i32
        %dma_wait3A_41 = tpu.memref_slice %arg7[%add3A_11, %dma_wait3A_40] : memref<327680x32xf32, #tpu.memory_space<hbm>> -> memref<128x32xf32, #tpu.memory_space<hbm>>
        tpu.wait_dma2 semaphore(%run_scoped3A : memref<!tpu.dma_semaphore, #tpu.memory_space<semaphore_mem>>) src(%arg11 : memref<128x32xf32, #tpu.memory_space<vmem>>) dst(%dma_wait3A_41 : memref<128x32xf32, #tpu.memory_space<hbm>>)
        tpu.yield
      }) : () -> ()
    }
    %scan3A_7 = arith.constant 80 : i32
    return
  }
}

#map = affine_map<(d0, d1) -> (0, 0)>
#map1 = affine_map<(d0, d1) -> (0, 0, 0)>
module attributes {stable_mosaic.version = 14 : i64} {
  func.func @body(%arg0: i32, %arg1: i32, %arg2: memref<327680x32xf32, #tpu.memory_space<hbm>>, %arg3: memref<32x80x128xi32, #tpu.memory_space<hbm>>, %arg4: memref<10240x32xf32, #tpu.memory_space<hbm>>, %arg5: memref<2x10240x32xf32, #tpu.memory_space<hbm>>, %arg6: memref<80x128xi32, #tpu.memory_space<vmem>>, %arg7: memref<128x32xf32, #tpu.memory_space<vmem>>, %arg8: memref<640x32xf32, #tpu.memory_space<vmem>>, %arg9: memref<10240x32xf32, #tpu.memory_space<vmem_shared>>) attributes {dimension_semantics = [#tpu.dimension_semantics<core_parallel>, #tpu.dimension_semantics<subcore_parallel>], iteration_bounds = array<i64: 2, 16>, scalar_prefetch = 0 : i64, scratch_operands = 4 : i64, tpu.core_type = #tpu.core_type<sc_vector_subcore>, window_params = [{transform_indices = #map}, {transform_indices = #map1}, {transform_indices = #map}, {transform_indices = #map1}]} {
    %mul3A = arith.constant 2 : i32
    %mul3A_0 = arith.muli %arg1, %mul3A : i32
    %add3A = arith.addi %mul3A_0, %arg0 : i32
    %mul3A_1 = arith.constant 10240 : i32
    %mul3A_2 = arith.muli %add3A, %mul3A_1 : i32
    %mul3A_3 = arith.constant 640 : i32
    %mul3A_4 = arith.muli %arg1, %mul3A_3 : i32
    "tpu.region"() ({
      %run_scoped3A = tpu.sem_alloc : memref<!tpu.dma_semaphore, #tpu.memory_space<semaphore_mem>>
      %dma_start3A = arith.constant 0 : i32
      %dma_start3A_11 = arith.constant 0 : i32
      %dma_start3A_12 = tpu.memref_slice %arg3[%add3A, %dma_start3A, %dma_start3A_11] : memref<32x80x128xi32, #tpu.memory_space<hbm>> -> memref<1x80x128xi32, #tpu.memory_space<hbm>>
      %dma_start3A_13 = tpu.memref_squeeze %dma_start3A_12 : memref<1x80x128xi32, #tpu.memory_space<hbm>> -> memref<80x128xi32, #tpu.memory_space<hbm>>
      %dma_start3A_14 = arith.constant 0 : i32
      %dma_start3A_15 = arith.constant 0 : i32
      %dma_start3A_16 = tpu.memref_slice %arg3[%add3A, %dma_start3A_14, %dma_start3A_15] : memref<32x80x128xi32, #tpu.memory_space<hbm>> -> memref<1x80x128xi32, #tpu.memory_space<hbm>>
      %dma_start3A_17 = tpu.memref_squeeze %dma_start3A_16 : memref<1x80x128xi32, #tpu.memory_space<hbm>> -> memref<80x128xi32, #tpu.memory_space<hbm>>
      tpu.enqueue_dma source(%dma_start3A_17 : memref<80x128xi32, #tpu.memory_space<hbm>>) target(%arg6 : memref<80x128xi32, #tpu.memory_space<vmem>>) target_semaphore(%run_scoped3A : memref<!tpu.dma_semaphore, #tpu.memory_space<semaphore_mem>>)
      %dma_wait3A = arith.constant 0 : i32
      %dma_wait3A_18 = arith.constant 0 : i32
      %dma_wait3A_19 = tpu.memref_slice %arg3[%add3A, %dma_wait3A, %dma_wait3A_18] : memref<32x80x128xi32, #tpu.memory_space<hbm>> -> memref<1x80x128xi32, #tpu.memory_space<hbm>>
      %dma_wait3A_20 = tpu.memref_squeeze %dma_wait3A_19 : memref<1x80x128xi32, #tpu.memory_space<hbm>> -> memref<80x128xi32, #tpu.memory_space<hbm>>
      %dma_wait3A_21 = arith.constant 0 : i32
      %dma_wait3A_22 = arith.constant 0 : i32
      %dma_wait3A_23 = tpu.memref_slice %arg3[%add3A, %dma_wait3A_21, %dma_wait3A_22] : memref<32x80x128xi32, #tpu.memory_space<hbm>> -> memref<1x80x128xi32, #tpu.memory_space<hbm>>
      %dma_wait3A_24 = tpu.memref_squeeze %dma_wait3A_23 : memref<1x80x128xi32, #tpu.memory_space<hbm>> -> memref<80x128xi32, #tpu.memory_space<hbm>>
      tpu.wait_dma2 semaphore(%run_scoped3A : memref<!tpu.dma_semaphore, #tpu.memory_space<semaphore_mem>>) src(%dma_wait3A_24 : memref<80x128xi32, #tpu.memory_space<hbm>>) dst(%arg6 : memref<80x128xi32, #tpu.memory_space<vmem>>)
      tpu.yield
    }) : () -> ()
    "tpu.region"() ({
      %run_scoped3A = tpu.sem_alloc : memref<!tpu.dma_semaphore, #tpu.memory_space<semaphore_mem>>
      %dma_start3A = arith.constant 0 : i32
      %dma_start3A_11 = tpu.memref_slice %arg4[%mul3A_4, %dma_start3A] : memref<10240x32xf32, #tpu.memory_space<hbm>> -> memref<640x32xf32, #tpu.memory_space<hbm>>
      %dma_start3A_12 = arith.constant 0 : i32
      %dma_start3A_13 = tpu.memref_slice %arg4[%mul3A_4, %dma_start3A_12] : memref<10240x32xf32, #tpu.memory_space<hbm>> -> memref<640x32xf32, #tpu.memory_space<hbm>>
      tpu.enqueue_dma source(%dma_start3A_13 : memref<640x32xf32, #tpu.memory_space<hbm>>) target(%arg8 : memref<640x32xf32, #tpu.memory_space<vmem>>) target_semaphore(%run_scoped3A : memref<!tpu.dma_semaphore, #tpu.memory_space<semaphore_mem>>)
      %dma_wait3A = arith.constant 0 : i32
      %dma_wait3A_14 = tpu.memref_slice %arg4[%mul3A_4, %dma_wait3A] : memref<10240x32xf32, #tpu.memory_space<hbm>> -> memref<640x32xf32, #tpu.memory_space<hbm>>
      %dma_wait3A_15 = arith.constant 0 : i32
      %dma_wait3A_16 = tpu.memref_slice %arg4[%mul3A_4, %dma_wait3A_15] : memref<10240x32xf32, #tpu.memory_space<hbm>> -> memref<640x32xf32, #tpu.memory_space<hbm>>
      tpu.wait_dma2 semaphore(%run_scoped3A : memref<!tpu.dma_semaphore, #tpu.memory_space<semaphore_mem>>) src(%dma_wait3A_16 : memref<640x32xf32, #tpu.memory_space<hbm>>) dst(%arg8 : memref<640x32xf32, #tpu.memory_space<vmem>>)
      tpu.yield
    }) : () -> ()
    "tpu.region"() ({
      %run_scoped3A = tpu.sem_alloc : memref<!tpu.dma_semaphore, #tpu.memory_space<semaphore_mem>>
      %dma_start3A = arith.constant 0 : i32
      %dma_start3A_11 = tpu.memref_slice %arg9[%mul3A_4, %dma_start3A] : memref<10240x32xf32, #tpu.memory_space<vmem_shared>> -> memref<640x32xf32, #tpu.memory_space<vmem_shared>>
      %dma_start3A_12 = arith.constant 0 : i32
      %dma_start3A_13 = tpu.memref_slice %arg9[%mul3A_4, %dma_start3A_12] : memref<10240x32xf32, #tpu.memory_space<vmem_shared>> -> memref<640x32xf32, #tpu.memory_space<vmem_shared>>
      tpu.enqueue_dma source(%arg8 : memref<640x32xf32, #tpu.memory_space<vmem>>) target(%dma_start3A_13 : memref<640x32xf32, #tpu.memory_space<vmem_shared>>) target_semaphore(%run_scoped3A : memref<!tpu.dma_semaphore, #tpu.memory_space<semaphore_mem>>)
      %dma_wait3A = arith.constant 0 : i32
      %dma_wait3A_14 = tpu.memref_slice %arg9[%mul3A_4, %dma_wait3A] : memref<10240x32xf32, #tpu.memory_space<vmem_shared>> -> memref<640x32xf32, #tpu.memory_space<vmem_shared>>
      %dma_wait3A_15 = arith.constant 0 : i32
      %dma_wait3A_16 = tpu.memref_slice %arg9[%mul3A_4, %dma_wait3A_15] : memref<10240x32xf32, #tpu.memory_space<vmem_shared>> -> memref<640x32xf32, #tpu.memory_space<vmem_shared>>
      tpu.wait_dma2 semaphore(%run_scoped3A : memref<!tpu.dma_semaphore, #tpu.memory_space<semaphore_mem>>) src(%arg8 : memref<640x32xf32, #tpu.memory_space<vmem>>) dst(%dma_wait3A_16 : memref<640x32xf32, #tpu.memory_space<vmem_shared>>)
      tpu.yield
    }) : () -> ()
    %barrier3A = arith.constant 0 : index
    tpu.barrier barrier_id(%barrier3A)
    %scan3A = arith.constant 0 : i32
    %scan3A_5 = arith.constant 0 : i32
    %scan3A_6 = arith.constant 80 : i32
    %scan3A_7 = arith.addi %scan3A_5, %scan3A_6 : i32
    %scan3A_8 = arith.constant 1 : i32
    scf.for %scan3A_11 = %scan3A_5 to %scan3A_7 step %scan3A_8  : i32 {
      %mul3A_12 = arith.constant 128 : i32
      %mul3A_13 = arith.muli %scan3A_11, %mul3A_12 : i32
      %add3A_14 = arith.addi %mul3A_2, %mul3A_13 : i32
      "tpu.region"() ({
        %run_scoped3A = tpu.sem_alloc : memref<!tpu.dma_semaphore, #tpu.memory_space<semaphore_mem>>
        %dma_start3A = arith.constant 0 : i32
        %dma_start3A_15 = tpu.memref_slice %arg2[%add3A_14, %dma_start3A] : memref<327680x32xf32, #tpu.memory_space<hbm>> -> memref<128x32xf32, #tpu.memory_space<hbm>>
        %dma_start3A_16 = arith.constant 0 : i32
        %dma_start3A_17 = tpu.memref_slice %arg2[%add3A_14, %dma_start3A_16] : memref<327680x32xf32, #tpu.memory_space<hbm>> -> memref<128x32xf32, #tpu.memory_space<hbm>>
        tpu.enqueue_dma source(%dma_start3A_17 : memref<128x32xf32, #tpu.memory_space<hbm>>) target(%arg7 : memref<128x32xf32, #tpu.memory_space<vmem>>) target_semaphore(%run_scoped3A : memref<!tpu.dma_semaphore, #tpu.memory_space<semaphore_mem>>)
        %dma_wait3A = arith.constant 0 : i32
        %dma_wait3A_18 = tpu.memref_slice %arg2[%add3A_14, %dma_wait3A] : memref<327680x32xf32, #tpu.memory_space<hbm>> -> memref<128x32xf32, #tpu.memory_space<hbm>>
        %dma_wait3A_19 = arith.constant 0 : i32
        %dma_wait3A_20 = tpu.memref_slice %arg2[%add3A_14, %dma_wait3A_19] : memref<327680x32xf32, #tpu.memory_space<hbm>> -> memref<128x32xf32, #tpu.memory_space<hbm>>
        tpu.wait_dma2 semaphore(%run_scoped3A : memref<!tpu.dma_semaphore, #tpu.memory_space<semaphore_mem>>) src(%dma_wait3A_20 : memref<128x32xf32, #tpu.memory_space<hbm>>) dst(%arg7 : memref<128x32xf32, #tpu.memory_space<vmem>>)
        tpu.yield
      }) : () -> ()
      "tpu.region"() ({
        %run_scoped3A = tpu.sem_alloc : memref<!tpu.dma_semaphore, #tpu.memory_space<semaphore_mem>>
        %dma_start3A = arith.constant 0 : i32
        %dma_start3A_15 = tpu.memref_slice %arg6[%scan3A_11, %dma_start3A] : memref<80x128xi32, #tpu.memory_space<vmem>> -> memref<1x128xi32, #tpu.memory_space<vmem>>
        %dma_start3A_16 = tpu.memref_squeeze %dma_start3A_15 : memref<1x128xi32, #tpu.memory_space<vmem>> -> memref<128xi32, #tpu.memory_space<vmem>>
        %dma_start3A_17 = arith.constant 0 : i32
        %dma_start3A_18 = arith.constant 0 : i32
        %dma_start3A_19 = tpu.memref_slice %arg9[%dma_start3A_17, %dma_start3A_18] : memref<10240x32xf32, #tpu.memory_space<vmem_shared>> -> memref<10240x32xf32, #tpu.memory_space<vmem_shared>>
        tpu.enqueue_indirect_dma source(%arg7 : memref<128x32xf32, #tpu.memory_space<vmem>>) target(%dma_start3A_19 : memref<10240x32xf32, #tpu.memory_space<vmem_shared>>) offsets(%dma_start3A_16 : memref<128xi32, #tpu.memory_space<vmem>>) semaphore(%run_scoped3A : memref<!tpu.dma_semaphore, #tpu.memory_space<semaphore_mem>>) {add = true}
        %dma_wait3A = arith.constant 0 : i32
        %dma_wait3A_20 = tpu.memref_slice %arg6[%scan3A_11, %dma_wait3A] : memref<80x128xi32, #tpu.memory_space<vmem>> -> memref<1x128xi32, #tpu.memory_space<vmem>>
        %dma_wait3A_21 = tpu.memref_squeeze %dma_wait3A_20 : memref<1x128xi32, #tpu.memory_space<vmem>> -> memref<128xi32, #tpu.memory_space<vmem>>
        %dma_wait3A_22 = arith.constant 0 : i32
        %dma_wait3A_23 = arith.constant 0 : i32
        %dma_wait3A_24 = tpu.memref_slice %arg9[%dma_wait3A_22, %dma_wait3A_23] : memref<10240x32xf32, #tpu.memory_space<vmem_shared>> -> memref<10240x32xf32, #tpu.memory_space<vmem_shared>>
        tpu.wait_indirect_dma semaphore(%run_scoped3A : memref<!tpu.dma_semaphore, #tpu.memory_space<semaphore_mem>>) src(%arg7 : memref<128x32xf32, #tpu.memory_space<vmem>>) dst(%dma_wait3A_24 : memref<10240x32xf32, #tpu.memory_space<vmem_shared>>)
        tpu.yield
      }) : () -> ()
    }
    %scan3A_9 = arith.constant 80 : i32
    %barrier3A_10 = arith.constant 0 : index
    tpu.barrier barrier_id(%barrier3A_10)
    "tpu.region"() ({
      %run_scoped3A = tpu.sem_alloc : memref<!tpu.dma_semaphore, #tpu.memory_space<semaphore_mem>>
      %dma_start3A = arith.constant 0 : i32
      %dma_start3A_11 = tpu.memref_slice %arg9[%mul3A_4, %dma_start3A] : memref<10240x32xf32, #tpu.memory_space<vmem_shared>> -> memref<640x32xf32, #tpu.memory_space<vmem_shared>>
      %dma_start3A_12 = arith.constant 0 : i32
      %dma_start3A_13 = tpu.memref_slice %arg9[%mul3A_4, %dma_start3A_12] : memref<10240x32xf32, #tpu.memory_space<vmem_shared>> -> memref<640x32xf32, #tpu.memory_space<vmem_shared>>
      tpu.enqueue_dma source(%dma_start3A_13 : memref<640x32xf32, #tpu.memory_space<vmem_shared>>) target(%arg8 : memref<640x32xf32, #tpu.memory_space<vmem>>) target_semaphore(%run_scoped3A : memref<!tpu.dma_semaphore, #tpu.memory_space<semaphore_mem>>)
      %dma_wait3A = arith.constant 0 : i32
      %dma_wait3A_14 = tpu.memref_slice %arg9[%mul3A_4, %dma_wait3A] : memref<10240x32xf32, #tpu.memory_space<vmem_shared>> -> memref<640x32xf32, #tpu.memory_space<vmem_shared>>
      %dma_wait3A_15 = arith.constant 0 : i32
      %dma_wait3A_16 = tpu.memref_slice %arg9[%mul3A_4, %dma_wait3A_15] : memref<10240x32xf32, #tpu.memory_space<vmem_shared>> -> memref<640x32xf32, #tpu.memory_space<vmem_shared>>
      tpu.wait_dma2 semaphore(%run_scoped3A : memref<!tpu.dma_semaphore, #tpu.memory_space<semaphore_mem>>) src(%dma_wait3A_16 : memref<640x32xf32, #tpu.memory_space<vmem_shared>>) dst(%arg8 : memref<640x32xf32, #tpu.memory_space<vmem>>)
      tpu.yield
    }) : () -> ()
    "tpu.region"() ({
      %run_scoped3A = tpu.sem_alloc : memref<!tpu.dma_semaphore, #tpu.memory_space<semaphore_mem>>
      %dma_start3A = arith.constant 0 : i32
      %dma_start3A_11 = tpu.memref_slice %arg5[%arg0, %mul3A_4, %dma_start3A] : memref<2x10240x32xf32, #tpu.memory_space<hbm>> -> memref<1x640x32xf32, #tpu.memory_space<hbm>>
      %dma_start3A_12 = tpu.memref_squeeze %dma_start3A_11 : memref<1x640x32xf32, #tpu.memory_space<hbm>> -> memref<640x32xf32, #tpu.memory_space<hbm>>
      %dma_start3A_13 = arith.constant 0 : i32
      %dma_start3A_14 = tpu.memref_slice %arg5[%arg0, %mul3A_4, %dma_start3A_13] : memref<2x10240x32xf32, #tpu.memory_space<hbm>> -> memref<1x640x32xf32, #tpu.memory_space<hbm>>
      %dma_start3A_15 = tpu.memref_squeeze %dma_start3A_14 : memref<1x640x32xf32, #tpu.memory_space<hbm>> -> memref<640x32xf32, #tpu.memory_space<hbm>>
      tpu.enqueue_dma source(%arg8 : memref<640x32xf32, #tpu.memory_space<vmem>>) target(%dma_start3A_15 : memref<640x32xf32, #tpu.memory_space<hbm>>) target_semaphore(%run_scoped3A : memref<!tpu.dma_semaphore, #tpu.memory_space<semaphore_mem>>)
      %dma_wait3A = arith.constant 0 : i32
      %dma_wait3A_16 = tpu.memref_slice %arg5[%arg0, %mul3A_4, %dma_wait3A] : memref<2x10240x32xf32, #tpu.memory_space<hbm>> -> memref<1x640x32xf32, #tpu.memory_space<hbm>>
      %dma_wait3A_17 = tpu.memref_squeeze %dma_wait3A_16 : memref<1x640x32xf32, #tpu.memory_space<hbm>> -> memref<640x32xf32, #tpu.memory_space<hbm>>
      %dma_wait3A_18 = arith.constant 0 : i32
      %dma_wait3A_19 = tpu.memref_slice %arg5[%arg0, %mul3A_4, %dma_wait3A_18] : memref<2x10240x32xf32, #tpu.memory_space<hbm>> -> memref<1x640x32xf32, #tpu.memory_space<hbm>>
      %dma_wait3A_20 = tpu.memref_squeeze %dma_wait3A_19 : memref<1x640x32xf32, #tpu.memory_space<hbm>> -> memref<640x32xf32, #tpu.memory_space<hbm>>
      tpu.wait_dma2 semaphore(%run_scoped3A : memref<!tpu.dma_semaphore, #tpu.memory_space<semaphore_mem>>) src(%arg8 : memref<640x32xf32, #tpu.memory_space<vmem>>) dst(%dma_wait3A_20 : memref<640x32xf32, #tpu.memory_space<hbm>>)
      tpu.yield
    }) : () -> ()
    return
  }
}

#map = affine_map<(d0, d1) -> (0, 0)>
#map1 = affine_map<(d0, d1) -> (0, 0, 0)>
module attributes {stable_mosaic.version = 14 : i64} {
  func.func @body(%arg0: i32, %arg1: i32, %arg2: memref<10240x32xf32, #tpu.memory_space<hbm>>, %arg3: memref<10240x32xf32, #tpu.memory_space<hbm>>, %arg4: memref<32x80x128xi32, #tpu.memory_space<hbm>>, %arg5: memref<32x80x128xi32, #tpu.memory_space<hbm>>, %arg6: memref<327680x32xf32, #tpu.memory_space<hbm>>, %arg7: memref<327680x32xf32, #tpu.memory_space<hbm>>, %arg8: memref<80x128xi32, #tpu.memory_space<vmem>>, %arg9: memref<80x128xi32, #tpu.memory_space<vmem>>, %arg10: memref<128x32xf32, #tpu.memory_space<vmem>>, %arg11: memref<128x32xf32, #tpu.memory_space<vmem>>, %arg12: memref<!tpu.dma_semaphore, #tpu.memory_space<semaphore_mem>>, %arg13: memref<!tpu.dma_semaphore, #tpu.memory_space<semaphore_mem>>) attributes {dimension_semantics = [#tpu.dimension_semantics<core_parallel>, #tpu.dimension_semantics<subcore_parallel>], iteration_bounds = array<i64: 2, 16>, scalar_prefetch = 0 : i64, scratch_operands = 6 : i64, tpu.core_type = #tpu.core_type<sc_vector_subcore>, window_params = [{transform_indices = #map}, {transform_indices = #map}, {transform_indices = #map1}, {transform_indices = #map1}, {transform_indices = #map}, {transform_indices = #map}]} {
    %mul3A = arith.constant 2 : i32
    %mul3A_0 = arith.muli %arg1, %mul3A : i32
    %add3A = arith.addi %mul3A_0, %arg0 : i32
    %mul3A_1 = arith.constant 10240 : i32
    %mul3A_2 = arith.muli %add3A, %mul3A_1 : i32
    "tpu.region"() ({
      %run_scoped3A = tpu.sem_alloc : memref<!tpu.dma_semaphore, #tpu.memory_space<semaphore_mem>>
      %dma_start3A = arith.constant 0 : i32
      %dma_start3A_8 = arith.constant 0 : i32
      %dma_start3A_9 = tpu.memref_slice %arg4[%add3A, %dma_start3A, %dma_start3A_8] : memref<32x80x128xi32, #tpu.memory_space<hbm>> -> memref<1x80x128xi32, #tpu.memory_space<hbm>>
      %dma_start3A_10 = tpu.memref_squeeze %dma_start3A_9 : memref<1x80x128xi32, #tpu.memory_space<hbm>> -> memref<80x128xi32, #tpu.memory_space<hbm>>
      %dma_start3A_11 = arith.constant 0 : i32
      %dma_start3A_12 = arith.constant 0 : i32
      %dma_start3A_13 = tpu.memref_slice %arg4[%add3A, %dma_start3A_11, %dma_start3A_12] : memref<32x80x128xi32, #tpu.memory_space<hbm>> -> memref<1x80x128xi32, #tpu.memory_space<hbm>>
      %dma_start3A_14 = tpu.memref_squeeze %dma_start3A_13 : memref<1x80x128xi32, #tpu.memory_space<hbm>> -> memref<80x128xi32, #tpu.memory_space<hbm>>
      tpu.enqueue_dma source(%dma_start3A_14 : memref<80x128xi32, #tpu.memory_space<hbm>>) target(%arg8 : memref<80x128xi32, #tpu.memory_space<vmem>>) target_semaphore(%run_scoped3A : memref<!tpu.dma_semaphore, #tpu.memory_space<semaphore_mem>>)
      %dma_wait3A = arith.constant 0 : i32
      %dma_wait3A_15 = arith.constant 0 : i32
      %dma_wait3A_16 = tpu.memref_slice %arg4[%add3A, %dma_wait3A, %dma_wait3A_15] : memref<32x80x128xi32, #tpu.memory_space<hbm>> -> memref<1x80x128xi32, #tpu.memory_space<hbm>>
      %dma_wait3A_17 = tpu.memref_squeeze %dma_wait3A_16 : memref<1x80x128xi32, #tpu.memory_space<hbm>> -> memref<80x128xi32, #tpu.memory_space<hbm>>
      %dma_wait3A_18 = arith.constant 0 : i32
      %dma_wait3A_19 = arith.constant 0 : i32
      %dma_wait3A_20 = tpu.memref_slice %arg4[%add3A, %dma_wait3A_18, %dma_wait3A_19] : memref<32x80x128xi32, #tpu.memory_space<hbm>> -> memref<1x80x128xi32, #tpu.memory_space<hbm>>
      %dma_wait3A_21 = tpu.memref_squeeze %dma_wait3A_20 : memref<1x80x128xi32, #tpu.memory_space<hbm>> -> memref<80x128xi32, #tpu.memory_space<hbm>>
      tpu.wait_dma2 semaphore(%run_scoped3A : memref<!tpu.dma_semaphore, #tpu.memory_space<semaphore_mem>>) src(%dma_wait3A_21 : memref<80x128xi32, #tpu.memory_space<hbm>>) dst(%arg8 : memref<80x128xi32, #tpu.memory_space<vmem>>)
      tpu.yield
    }) : () -> ()
    "tpu.region"() ({
      %run_scoped3A = tpu.sem_alloc : memref<!tpu.dma_semaphore, #tpu.memory_space<semaphore_mem>>
      %dma_start3A = arith.constant 0 : i32
      %dma_start3A_8 = arith.constant 0 : i32
      %dma_start3A_9 = tpu.memref_slice %arg5[%add3A, %dma_start3A, %dma_start3A_8] : memref<32x80x128xi32, #tpu.memory_space<hbm>> -> memref<1x80x128xi32, #tpu.memory_space<hbm>>
      %dma_start3A_10 = tpu.memref_squeeze %dma_start3A_9 : memref<1x80x128xi32, #tpu.memory_space<hbm>> -> memref<80x128xi32, #tpu.memory_space<hbm>>
      %dma_start3A_11 = arith.constant 0 : i32
      %dma_start3A_12 = arith.constant 0 : i32
      %dma_start3A_13 = tpu.memref_slice %arg5[%add3A, %dma_start3A_11, %dma_start3A_12] : memref<32x80x128xi32, #tpu.memory_space<hbm>> -> memref<1x80x128xi32, #tpu.memory_space<hbm>>
      %dma_start3A_14 = tpu.memref_squeeze %dma_start3A_13 : memref<1x80x128xi32, #tpu.memory_space<hbm>> -> memref<80x128xi32, #tpu.memory_space<hbm>>
      tpu.enqueue_dma source(%dma_start3A_14 : memref<80x128xi32, #tpu.memory_space<hbm>>) target(%arg9 : memref<80x128xi32, #tpu.memory_space<vmem>>) target_semaphore(%run_scoped3A : memref<!tpu.dma_semaphore, #tpu.memory_space<semaphore_mem>>)
      %dma_wait3A = arith.constant 0 : i32
      %dma_wait3A_15 = arith.constant 0 : i32
      %dma_wait3A_16 = tpu.memref_slice %arg5[%add3A, %dma_wait3A, %dma_wait3A_15] : memref<32x80x128xi32, #tpu.memory_space<hbm>> -> memref<1x80x128xi32, #tpu.memory_space<hbm>>
      %dma_wait3A_17 = tpu.memref_squeeze %dma_wait3A_16 : memref<1x80x128xi32, #tpu.memory_space<hbm>> -> memref<80x128xi32, #tpu.memory_space<hbm>>
      %dma_wait3A_18 = arith.constant 0 : i32
      %dma_wait3A_19 = arith.constant 0 : i32
      %dma_wait3A_20 = tpu.memref_slice %arg5[%add3A, %dma_wait3A_18, %dma_wait3A_19] : memref<32x80x128xi32, #tpu.memory_space<hbm>> -> memref<1x80x128xi32, #tpu.memory_space<hbm>>
      %dma_wait3A_21 = tpu.memref_squeeze %dma_wait3A_20 : memref<1x80x128xi32, #tpu.memory_space<hbm>> -> memref<80x128xi32, #tpu.memory_space<hbm>>
      tpu.wait_dma2 semaphore(%run_scoped3A : memref<!tpu.dma_semaphore, #tpu.memory_space<semaphore_mem>>) src(%dma_wait3A_21 : memref<80x128xi32, #tpu.memory_space<hbm>>) dst(%arg9 : memref<80x128xi32, #tpu.memory_space<vmem>>)
      tpu.yield
    }) : () -> ()
    %scan3A = arith.constant 0 : i32
    %scan3A_3 = arith.constant 0 : i32
    %scan3A_4 = arith.constant 80 : i32
    %scan3A_5 = arith.addi %scan3A_3, %scan3A_4 : i32
    %scan3A_6 = arith.constant 1 : i32
    scf.for %scan3A_8 = %scan3A_3 to %scan3A_5 step %scan3A_6  : i32 {
      %mul3A_9 = arith.constant 128 : i32
      %mul3A_10 = arith.muli %scan3A_8, %mul3A_9 : i32
      %add3A_11 = arith.addi %mul3A_2, %mul3A_10 : i32
      %dma_start3A = arith.constant 0 : i32
      %dma_start3A_12 = tpu.memref_slice %arg8[%scan3A_8, %dma_start3A] : memref<80x128xi32, #tpu.memory_space<vmem>> -> memref<1x128xi32, #tpu.memory_space<vmem>>
      %dma_start3A_13 = tpu.memref_squeeze %dma_start3A_12 : memref<1x128xi32, #tpu.memory_space<vmem>> -> memref<128xi32, #tpu.memory_space<vmem>>
      %dma_start3A_14 = arith.constant 0 : i32
      %dma_start3A_15 = arith.constant 0 : i32
      %dma_start3A_16 = tpu.memref_slice %arg2[%dma_start3A_14, %dma_start3A_15] : memref<10240x32xf32, #tpu.memory_space<hbm>> -> memref<10240x32xf32, #tpu.memory_space<hbm>>
      tpu.enqueue_indirect_dma source(%dma_start3A_16 : memref<10240x32xf32, #tpu.memory_space<hbm>>) target(%arg10 : memref<128x32xf32, #tpu.memory_space<vmem>>) offsets(%dma_start3A_13 : memref<128xi32, #tpu.memory_space<vmem>>) semaphore(%arg12 : memref<!tpu.dma_semaphore, #tpu.memory_space<semaphore_mem>>)
      %dma_start3A_17 = arith.constant 0 : i32
      %dma_start3A_18 = tpu.memref_slice %arg9[%scan3A_8, %dma_start3A_17] : memref<80x128xi32, #tpu.memory_space<vmem>> -> memref<1x128xi32, #tpu.memory_space<vmem>>
      %dma_start3A_19 = tpu.memref_squeeze %dma_start3A_18 : memref<1x128xi32, #tpu.memory_space<vmem>> -> memref<128xi32, #tpu.memory_space<vmem>>
      %dma_start3A_20 = arith.constant 0 : i32
      %dma_start3A_21 = arith.constant 0 : i32
      %dma_start3A_22 = tpu.memref_slice %arg3[%dma_start3A_20, %dma_start3A_21] : memref<10240x32xf32, #tpu.memory_space<hbm>> -> memref<10240x32xf32, #tpu.memory_space<hbm>>
      tpu.enqueue_indirect_dma source(%dma_start3A_22 : memref<10240x32xf32, #tpu.memory_space<hbm>>) target(%arg11 : memref<128x32xf32, #tpu.memory_space<vmem>>) offsets(%dma_start3A_19 : memref<128xi32, #tpu.memory_space<vmem>>) semaphore(%arg13 : memref<!tpu.dma_semaphore, #tpu.memory_space<semaphore_mem>>)
      %dma_wait3A = arith.constant 0 : i32
      %dma_wait3A_23 = tpu.memref_slice %arg8[%scan3A_8, %dma_wait3A] : memref<80x128xi32, #tpu.memory_space<vmem>> -> memref<1x128xi32, #tpu.memory_space<vmem>>
      %dma_wait3A_24 = tpu.memref_squeeze %dma_wait3A_23 : memref<1x128xi32, #tpu.memory_space<vmem>> -> memref<128xi32, #tpu.memory_space<vmem>>
      %dma_wait3A_25 = arith.constant 0 : i32
      %dma_wait3A_26 = arith.constant 0 : i32
      %dma_wait3A_27 = tpu.memref_slice %arg2[%dma_wait3A_25, %dma_wait3A_26] : memref<10240x32xf32, #tpu.memory_space<hbm>> -> memref<10240x32xf32, #tpu.memory_space<hbm>>
      tpu.wait_indirect_dma semaphore(%arg12 : memref<!tpu.dma_semaphore, #tpu.memory_space<semaphore_mem>>) src(%dma_wait3A_27 : memref<10240x32xf32, #tpu.memory_space<hbm>>) dst(%arg10 : memref<128x32xf32, #tpu.memory_space<vmem>>)
      %dma_wait3A_28 = arith.constant 0 : i32
      %dma_wait3A_29 = tpu.memref_slice %arg9[%scan3A_8, %dma_wait3A_28] : memref<80x128xi32, #tpu.memory_space<vmem>> -> memref<1x128xi32, #tpu.memory_space<vmem>>
      %dma_wait3A_30 = tpu.memref_squeeze %dma_wait3A_29 : memref<1x128xi32, #tpu.memory_space<vmem>> -> memref<128xi32, #tpu.memory_space<vmem>>
      %dma_wait3A_31 = arith.constant 0 : i32
      %dma_wait3A_32 = arith.constant 0 : i32
      %dma_wait3A_33 = tpu.memref_slice %arg3[%dma_wait3A_31, %dma_wait3A_32] : memref<10240x32xf32, #tpu.memory_space<hbm>> -> memref<10240x32xf32, #tpu.memory_space<hbm>>
      tpu.wait_indirect_dma semaphore(%arg13 : memref<!tpu.dma_semaphore, #tpu.memory_space<semaphore_mem>>) src(%dma_wait3A_33 : memref<10240x32xf32, #tpu.memory_space<hbm>>) dst(%arg11 : memref<128x32xf32, #tpu.memory_space<vmem>>)
      "tpu.region"() ({
        %run_scoped3A = tpu.sem_alloc : memref<!tpu.dma_semaphore, #tpu.memory_space<semaphore_mem>>
        %dma_start3A_34 = arith.constant 0 : i32
        %dma_start3A_35 = tpu.memref_slice %arg6[%add3A_11, %dma_start3A_34] : memref<327680x32xf32, #tpu.memory_space<hbm>> -> memref<128x32xf32, #tpu.memory_space<hbm>>
        %dma_start3A_36 = arith.constant 0 : i32
        %dma_start3A_37 = tpu.memref_slice %arg6[%add3A_11, %dma_start3A_36] : memref<327680x32xf32, #tpu.memory_space<hbm>> -> memref<128x32xf32, #tpu.memory_space<hbm>>
        tpu.enqueue_dma source(%arg10 : memref<128x32xf32, #tpu.memory_space<vmem>>) target(%dma_start3A_37 : memref<128x32xf32, #tpu.memory_space<hbm>>) target_semaphore(%run_scoped3A : memref<!tpu.dma_semaphore, #tpu.memory_space<semaphore_mem>>)
        %dma_wait3A_38 = arith.constant 0 : i32
        %dma_wait3A_39 = tpu.memref_slice %arg6[%add3A_11, %dma_wait3A_38] : memref<327680x32xf32, #tpu.memory_space<hbm>> -> memref<128x32xf32, #tpu.memory_space<hbm>>
        %dma_wait3A_40 = arith.constant 0 : i32
        %dma_wait3A_41 = tpu.memref_slice %arg6[%add3A_11, %dma_wait3A_40] : memref<327680x32xf32, #tpu.memory_space<hbm>> -> memref<128x32xf32, #tpu.memory_space<hbm>>
        tpu.wait_dma2 semaphore(%run_scoped3A : memref<!tpu.dma_semaphore, #tpu.memory_space<semaphore_mem>>) src(%arg10 : memref<128x32xf32, #tpu.memory_space<vmem>>) dst(%dma_wait3A_41 : memref<128x32xf32, #tpu.memory_space<hbm>>)
        tpu.yield
      }) : () -> ()
      "tpu.region"() ({
        %run_scoped3A = tpu.sem_alloc : memref<!tpu.dma_semaphore, #tpu.memory_space<semaphore_mem>>
        %dma_start3A_34 = arith.constant 0 : i32
        %dma_start3A_35 = tpu.memref_slice %arg7[%add3A_11, %dma_start3A_34] : memref<327680x32xf32, #tpu.memory_space<hbm>> -> memref<128x32xf32, #tpu.memory_space<hbm>>
        %dma_start3A_36 = arith.constant 0 : i32
        %dma_start3A_37 = tpu.memref_slice %arg7[%add3A_11, %dma_start3A_36] : memref<327680x32xf32, #tpu.memory_space<hbm>> -> memref<128x32xf32, #tpu.memory_space<hbm>>
        tpu.enqueue_dma source(%arg11 : memref<128x32xf32, #tpu.memory_space<vmem>>) target(%dma_start3A_37 : memref<128x32xf32, #tpu.memory_space<hbm>>) target_semaphore(%run_scoped3A : memref<!tpu.dma_semaphore, #tpu.memory_space<semaphore_mem>>)
        %dma_wait3A_38 = arith.constant 0 : i32
        %dma_wait3A_39 = tpu.memref_slice %arg7[%add3A_11, %dma_wait3A_38] : memref<327680x32xf32, #tpu.memory_space<hbm>> -> memref<128x32xf32, #tpu.memory_space<hbm>>
        %dma_wait3A_40 = arith.constant 0 : i32
        %dma_wait3A_41 = tpu.memref_slice %arg7[%add3A_11, %dma_wait3A_40] : memref<327680x32xf32, #tpu.memory_space<hbm>> -> memref<128x32xf32, #tpu.memory_space<hbm>>
        tpu.wait_dma2 semaphore(%run_scoped3A : memref<!tpu.dma_semaphore, #tpu.memory_space<semaphore_mem>>) src(%arg11 : memref<128x32xf32, #tpu.memory_space<vmem>>) dst(%dma_wait3A_41 : memref<128x32xf32, #tpu.memory_space<hbm>>)
        tpu.yield
      }) : () -> ()
    }
    %scan3A_7 = arith.constant 80 : i32
    return
  }
}

#map = affine_map<(d0, d1) -> (0, 0)>
#map1 = affine_map<(d0, d1) -> (0, 0, 0)>
module attributes {stable_mosaic.version = 14 : i64} {
  func.func @body(%arg0: i32, %arg1: i32, %arg2: memref<327680x32xf32, #tpu.memory_space<hbm>>, %arg3: memref<32x80x128xi32, #tpu.memory_space<hbm>>, %arg4: memref<10240x32xf32, #tpu.memory_space<hbm>>, %arg5: memref<2x10240x32xf32, #tpu.memory_space<hbm>>, %arg6: memref<80x128xi32, #tpu.memory_space<vmem>>, %arg7: memref<128x32xf32, #tpu.memory_space<vmem>>, %arg8: memref<640x32xf32, #tpu.memory_space<vmem>>, %arg9: memref<10240x32xf32, #tpu.memory_space<vmem_shared>>) attributes {dimension_semantics = [#tpu.dimension_semantics<core_parallel>, #tpu.dimension_semantics<subcore_parallel>], iteration_bounds = array<i64: 2, 16>, scalar_prefetch = 0 : i64, scratch_operands = 4 : i64, tpu.core_type = #tpu.core_type<sc_vector_subcore>, window_params = [{transform_indices = #map}, {transform_indices = #map1}, {transform_indices = #map}, {transform_indices = #map1}]} {
    %mul3A = arith.constant 2 : i32
    %mul3A_0 = arith.muli %arg1, %mul3A : i32
    %add3A = arith.addi %mul3A_0, %arg0 : i32
    %mul3A_1 = arith.constant 10240 : i32
    %mul3A_2 = arith.muli %add3A, %mul3A_1 : i32
    %mul3A_3 = arith.constant 640 : i32
    %mul3A_4 = arith.muli %arg1, %mul3A_3 : i32
    "tpu.region"() ({
      %run_scoped3A = tpu.sem_alloc : memref<!tpu.dma_semaphore, #tpu.memory_space<semaphore_mem>>
      %dma_start3A = arith.constant 0 : i32
      %dma_start3A_11 = arith.constant 0 : i32
      %dma_start3A_12 = tpu.memref_slice %arg3[%add3A, %dma_start3A, %dma_start3A_11] : memref<32x80x128xi32, #tpu.memory_space<hbm>> -> memref<1x80x128xi32, #tpu.memory_space<hbm>>
      %dma_start3A_13 = tpu.memref_squeeze %dma_start3A_12 : memref<1x80x128xi32, #tpu.memory_space<hbm>> -> memref<80x128xi32, #tpu.memory_space<hbm>>
      %dma_start3A_14 = arith.constant 0 : i32
      %dma_start3A_15 = arith.constant 0 : i32
      %dma_start3A_16 = tpu.memref_slice %arg3[%add3A, %dma_start3A_14, %dma_start3A_15] : memref<32x80x128xi32, #tpu.memory_space<hbm>> -> memref<1x80x128xi32, #tpu.memory_space<hbm>>
      %dma_start3A_17 = tpu.memref_squeeze %dma_start3A_16 : memref<1x80x128xi32, #tpu.memory_space<hbm>> -> memref<80x128xi32, #tpu.memory_space<hbm>>
      tpu.enqueue_dma source(%dma_start3A_17 : memref<80x128xi32, #tpu.memory_space<hbm>>) target(%arg6 : memref<80x128xi32, #tpu.memory_space<vmem>>) target_semaphore(%run_scoped3A : memref<!tpu.dma_semaphore, #tpu.memory_space<semaphore_mem>>)
      %dma_wait3A = arith.constant 0 : i32
      %dma_wait3A_18 = arith.constant 0 : i32
      %dma_wait3A_19 = tpu.memref_slice %arg3[%add3A, %dma_wait3A, %dma_wait3A_18] : memref<32x80x128xi32, #tpu.memory_space<hbm>> -> memref<1x80x128xi32, #tpu.memory_space<hbm>>
      %dma_wait3A_20 = tpu.memref_squeeze %dma_wait3A_19 : memref<1x80x128xi32, #tpu.memory_space<hbm>> -> memref<80x128xi32, #tpu.memory_space<hbm>>
      %dma_wait3A_21 = arith.constant 0 : i32
      %dma_wait3A_22 = arith.constant 0 : i32
      %dma_wait3A_23 = tpu.memref_slice %arg3[%add3A, %dma_wait3A_21, %dma_wait3A_22] : memref<32x80x128xi32, #tpu.memory_space<hbm>> -> memref<1x80x128xi32, #tpu.memory_space<hbm>>
      %dma_wait3A_24 = tpu.memref_squeeze %dma_wait3A_23 : memref<1x80x128xi32, #tpu.memory_space<hbm>> -> memref<80x128xi32, #tpu.memory_space<hbm>>
      tpu.wait_dma2 semaphore(%run_scoped3A : memref<!tpu.dma_semaphore, #tpu.memory_space<semaphore_mem>>) src(%dma_wait3A_24 : memref<80x128xi32, #tpu.memory_space<hbm>>) dst(%arg6 : memref<80x128xi32, #tpu.memory_space<vmem>>)
      tpu.yield
    }) : () -> ()
    "tpu.region"() ({
      %run_scoped3A = tpu.sem_alloc : memref<!tpu.dma_semaphore, #tpu.memory_space<semaphore_mem>>
      %dma_start3A = arith.constant 0 : i32
      %dma_start3A_11 = tpu.memref_slice %arg4[%mul3A_4, %dma_start3A] : memref<10240x32xf32, #tpu.memory_space<hbm>> -> memref<640x32xf32, #tpu.memory_space<hbm>>
      %dma_start3A_12 = arith.constant 0 : i32
      %dma_start3A_13 = tpu.memref_slice %arg4[%mul3A_4, %dma_start3A_12] : memref<10240x32xf32, #tpu.memory_space<hbm>> -> memref<640x32xf32, #tpu.memory_space<hbm>>
      tpu.enqueue_dma source(%dma_start3A_13 : memref<640x32xf32, #tpu.memory_space<hbm>>) target(%arg8 : memref<640x32xf32, #tpu.memory_space<vmem>>) target_semaphore(%run_scoped3A : memref<!tpu.dma_semaphore, #tpu.memory_space<semaphore_mem>>)
      %dma_wait3A = arith.constant 0 : i32
      %dma_wait3A_14 = tpu.memref_slice %arg4[%mul3A_4, %dma_wait3A] : memref<10240x32xf32, #tpu.memory_space<hbm>> -> memref<640x32xf32, #tpu.memory_space<hbm>>
      %dma_wait3A_15 = arith.constant 0 : i32
      %dma_wait3A_16 = tpu.memref_slice %arg4[%mul3A_4, %dma_wait3A_15] : memref<10240x32xf32, #tpu.memory_space<hbm>> -> memref<640x32xf32, #tpu.memory_space<hbm>>
      tpu.wait_dma2 semaphore(%run_scoped3A : memref<!tpu.dma_semaphore, #tpu.memory_space<semaphore_mem>>) src(%dma_wait3A_16 : memref<640x32xf32, #tpu.memory_space<hbm>>) dst(%arg8 : memref<640x32xf32, #tpu.memory_space<vmem>>)
      tpu.yield
    }) : () -> ()
    "tpu.region"() ({
      %run_scoped3A = tpu.sem_alloc : memref<!tpu.dma_semaphore, #tpu.memory_space<semaphore_mem>>
      %dma_start3A = arith.constant 0 : i32
      %dma_start3A_11 = tpu.memref_slice %arg9[%mul3A_4, %dma_start3A] : memref<10240x32xf32, #tpu.memory_space<vmem_shared>> -> memref<640x32xf32, #tpu.memory_space<vmem_shared>>
      %dma_start3A_12 = arith.constant 0 : i32
      %dma_start3A_13 = tpu.memref_slice %arg9[%mul3A_4, %dma_start3A_12] : memref<10240x32xf32, #tpu.memory_space<vmem_shared>> -> memref<640x32xf32, #tpu.memory_space<vmem_shared>>
      tpu.enqueue_dma source(%arg8 : memref<640x32xf32, #tpu.memory_space<vmem>>) target(%dma_start3A_13 : memref<640x32xf32, #tpu.memory_space<vmem_shared>>) target_semaphore(%run_scoped3A : memref<!tpu.dma_semaphore, #tpu.memory_space<semaphore_mem>>)
      %dma_wait3A = arith.constant 0 : i32
      %dma_wait3A_14 = tpu.memref_slice %arg9[%mul3A_4, %dma_wait3A] : memref<10240x32xf32, #tpu.memory_space<vmem_shared>> -> memref<640x32xf32, #tpu.memory_space<vmem_shared>>
      %dma_wait3A_15 = arith.constant 0 : i32
      %dma_wait3A_16 = tpu.memref_slice %arg9[%mul3A_4, %dma_wait3A_15] : memref<10240x32xf32, #tpu.memory_space<vmem_shared>> -> memref<640x32xf32, #tpu.memory_space<vmem_shared>>
      tpu.wait_dma2 semaphore(%run_scoped3A : memref<!tpu.dma_semaphore, #tpu.memory_space<semaphore_mem>>) src(%arg8 : memref<640x32xf32, #tpu.memory_space<vmem>>) dst(%dma_wait3A_16 : memref<640x32xf32, #tpu.memory_space<vmem_shared>>)
      tpu.yield
    }) : () -> ()
    %barrier3A = arith.constant 0 : index
    tpu.barrier barrier_id(%barrier3A)
    %scan3A = arith.constant 0 : i32
    %scan3A_5 = arith.constant 0 : i32
    %scan3A_6 = arith.constant 80 : i32
    %scan3A_7 = arith.addi %scan3A_5, %scan3A_6 : i32
    %scan3A_8 = arith.constant 1 : i32
    scf.for %scan3A_11 = %scan3A_5 to %scan3A_7 step %scan3A_8  : i32 {
      %mul3A_12 = arith.constant 128 : i32
      %mul3A_13 = arith.muli %scan3A_11, %mul3A_12 : i32
      %add3A_14 = arith.addi %mul3A_2, %mul3A_13 : i32
      "tpu.region"() ({
        %run_scoped3A = tpu.sem_alloc : memref<!tpu.dma_semaphore, #tpu.memory_space<semaphore_mem>>
        %dma_start3A = arith.constant 0 : i32
        %dma_start3A_15 = tpu.memref_slice %arg2[%add3A_14, %dma_start3A] : memref<327680x32xf32, #tpu.memory_space<hbm>> -> memref<128x32xf32, #tpu.memory_space<hbm>>
        %dma_start3A_16 = arith.constant 0 : i32
        %dma_start3A_17 = tpu.memref_slice %arg2[%add3A_14, %dma_start3A_16] : memref<327680x32xf32, #tpu.memory_space<hbm>> -> memref<128x32xf32, #tpu.memory_space<hbm>>
        tpu.enqueue_dma source(%dma_start3A_17 : memref<128x32xf32, #tpu.memory_space<hbm>>) target(%arg7 : memref<128x32xf32, #tpu.memory_space<vmem>>) target_semaphore(%run_scoped3A : memref<!tpu.dma_semaphore, #tpu.memory_space<semaphore_mem>>)
        %dma_wait3A = arith.constant 0 : i32
        %dma_wait3A_18 = tpu.memref_slice %arg2[%add3A_14, %dma_wait3A] : memref<327680x32xf32, #tpu.memory_space<hbm>> -> memref<128x32xf32, #tpu.memory_space<hbm>>
        %dma_wait3A_19 = arith.constant 0 : i32
        %dma_wait3A_20 = tpu.memref_slice %arg2[%add3A_14, %dma_wait3A_19] : memref<327680x32xf32, #tpu.memory_space<hbm>> -> memref<128x32xf32, #tpu.memory_space<hbm>>
        tpu.wait_dma2 semaphore(%run_scoped3A : memref<!tpu.dma_semaphore, #tpu.memory_space<semaphore_mem>>) src(%dma_wait3A_20 : memref<128x32xf32, #tpu.memory_space<hbm>>) dst(%arg7 : memref<128x32xf32, #tpu.memory_space<vmem>>)
        tpu.yield
      }) : () -> ()
      "tpu.region"() ({
        %run_scoped3A = tpu.sem_alloc : memref<!tpu.dma_semaphore, #tpu.memory_space<semaphore_mem>>
        %dma_start3A = arith.constant 0 : i32
        %dma_start3A_15 = tpu.memref_slice %arg6[%scan3A_11, %dma_start3A] : memref<80x128xi32, #tpu.memory_space<vmem>> -> memref<1x128xi32, #tpu.memory_space<vmem>>
        %dma_start3A_16 = tpu.memref_squeeze %dma_start3A_15 : memref<1x128xi32, #tpu.memory_space<vmem>> -> memref<128xi32, #tpu.memory_space<vmem>>
        %dma_start3A_17 = arith.constant 0 : i32
        %dma_start3A_18 = arith.constant 0 : i32
        %dma_start3A_19 = tpu.memref_slice %arg9[%dma_start3A_17, %dma_start3A_18] : memref<10240x32xf32, #tpu.memory_space<vmem_shared>> -> memref<10240x32xf32, #tpu.memory_space<vmem_shared>>
        tpu.enqueue_indirect_dma source(%arg7 : memref<128x32xf32, #tpu.memory_space<vmem>>) target(%dma_start3A_19 : memref<10240x32xf32, #tpu.memory_space<vmem_shared>>) offsets(%dma_start3A_16 : memref<128xi32, #tpu.memory_space<vmem>>) semaphore(%run_scoped3A : memref<!tpu.dma_semaphore, #tpu.memory_space<semaphore_mem>>) {add = true}
        %dma_wait3A = arith.constant 0 : i32
        %dma_wait3A_20 = tpu.memref_slice %arg6[%scan3A_11, %dma_wait3A] : memref<80x128xi32, #tpu.memory_space<vmem>> -> memref<1x128xi32, #tpu.memory_space<vmem>>
        %dma_wait3A_21 = tpu.memref_squeeze %dma_wait3A_20 : memref<1x128xi32, #tpu.memory_space<vmem>> -> memref<128xi32, #tpu.memory_space<vmem>>
        %dma_wait3A_22 = arith.constant 0 : i32
        %dma_wait3A_23 = arith.constant 0 : i32
        %dma_wait3A_24 = tpu.memref_slice %arg9[%dma_wait3A_22, %dma_wait3A_23] : memref<10240x32xf32, #tpu.memory_space<vmem_shared>> -> memref<10240x32xf32, #tpu.memory_space<vmem_shared>>
        tpu.wait_indirect_dma semaphore(%run_scoped3A : memref<!tpu.dma_semaphore, #tpu.memory_space<semaphore_mem>>) src(%arg7 : memref<128x32xf32, #tpu.memory_space<vmem>>) dst(%dma_wait3A_24 : memref<10240x32xf32, #tpu.memory_space<vmem_shared>>)
        tpu.yield
      }) : () -> ()
    }
    %scan3A_9 = arith.constant 80 : i32
    %barrier3A_10 = arith.constant 0 : index
    tpu.barrier barrier_id(%barrier3A_10)
    "tpu.region"() ({
      %run_scoped3A = tpu.sem_alloc : memref<!tpu.dma_semaphore, #tpu.memory_space<semaphore_mem>>
      %dma_start3A = arith.constant 0 : i32
      %dma_start3A_11 = tpu.memref_slice %arg9[%mul3A_4, %dma_start3A] : memref<10240x32xf32, #tpu.memory_space<vmem_shared>> -> memref<640x32xf32, #tpu.memory_space<vmem_shared>>
      %dma_start3A_12 = arith.constant 0 : i32
      %dma_start3A_13 = tpu.memref_slice %arg9[%mul3A_4, %dma_start3A_12] : memref<10240x32xf32, #tpu.memory_space<vmem_shared>> -> memref<640x32xf32, #tpu.memory_space<vmem_shared>>
      tpu.enqueue_dma source(%dma_start3A_13 : memref<640x32xf32, #tpu.memory_space<vmem_shared>>) target(%arg8 : memref<640x32xf32, #tpu.memory_space<vmem>>) target_semaphore(%run_scoped3A : memref<!tpu.dma_semaphore, #tpu.memory_space<semaphore_mem>>)
      %dma_wait3A = arith.constant 0 : i32
      %dma_wait3A_14 = tpu.memref_slice %arg9[%mul3A_4, %dma_wait3A] : memref<10240x32xf32, #tpu.memory_space<vmem_shared>> -> memref<640x32xf32, #tpu.memory_space<vmem_shared>>
      %dma_wait3A_15 = arith.constant 0 : i32
      %dma_wait3A_16 = tpu.memref_slice %arg9[%mul3A_4, %dma_wait3A_15] : memref<10240x32xf32, #tpu.memory_space<vmem_shared>> -> memref<640x32xf32, #tpu.memory_space<vmem_shared>>
      tpu.wait_dma2 semaphore(%run_scoped3A : memref<!tpu.dma_semaphore, #tpu.memory_space<semaphore_mem>>) src(%dma_wait3A_16 : memref<640x32xf32, #tpu.memory_space<vmem_shared>>) dst(%arg8 : memref<640x32xf32, #tpu.memory_space<vmem>>)
      tpu.yield
    }) : () -> ()
    "tpu.region"() ({
      %run_scoped3A = tpu.sem_alloc : memref<!tpu.dma_semaphore, #tpu.memory_space<semaphore_mem>>
      %dma_start3A = arith.constant 0 : i32
      %dma_start3A_11 = tpu.memref_slice %arg5[%arg0, %mul3A_4, %dma_start3A] : memref<2x10240x32xf32, #tpu.memory_space<hbm>> -> memref<1x640x32xf32, #tpu.memory_space<hbm>>
      %dma_start3A_12 = tpu.memref_squeeze %dma_start3A_11 : memref<1x640x32xf32, #tpu.memory_space<hbm>> -> memref<640x32xf32, #tpu.memory_space<hbm>>
      %dma_start3A_13 = arith.constant 0 : i32
      %dma_start3A_14 = tpu.memref_slice %arg5[%arg0, %mul3A_4, %dma_start3A_13] : memref<2x10240x32xf32, #tpu.memory_space<hbm>> -> memref<1x640x32xf32, #tpu.memory_space<hbm>>
      %dma_start3A_15 = tpu.memref_squeeze %dma_start3A_14 : memref<1x640x32xf32, #tpu.memory_space<hbm>> -> memref<640x32xf32, #tpu.memory_space<hbm>>
      tpu.enqueue_dma source(%arg8 : memref<640x32xf32, #tpu.memory_space<vmem>>) target(%dma_start3A_15 : memref<640x32xf32, #tpu.memory_space<hbm>>) target_semaphore(%run_scoped3A : memref<!tpu.dma_semaphore, #tpu.memory_space<semaphore_mem>>)
      %dma_wait3A = arith.constant 0 : i32
      %dma_wait3A_16 = tpu.memref_slice %arg5[%arg0, %mul3A_4, %dma_wait3A] : memref<2x10240x32xf32, #tpu.memory_space<hbm>> -> memref<1x640x32xf32, #tpu.memory_space<hbm>>
      %dma_wait3A_17 = tpu.memref_squeeze %dma_wait3A_16 : memref<1x640x32xf32, #tpu.memory_space<hbm>> -> memref<640x32xf32, #tpu.memory_space<hbm>>
      %dma_wait3A_18 = arith.constant 0 : i32
      %dma_wait3A_19 = tpu.memref_slice %arg5[%arg0, %mul3A_4, %dma_wait3A_18] : memref<2x10240x32xf32, #tpu.memory_space<hbm>> -> memref<1x640x32xf32, #tpu.memory_space<hbm>>
      %dma_wait3A_20 = tpu.memref_squeeze %dma_wait3A_19 : memref<1x640x32xf32, #tpu.memory_space<hbm>> -> memref<640x32xf32, #tpu.memory_space<hbm>>
      tpu.wait_dma2 semaphore(%run_scoped3A : memref<!tpu.dma_semaphore, #tpu.memory_space<semaphore_mem>>) src(%arg8 : memref<640x32xf32, #tpu.memory_space<vmem>>) dst(%dma_wait3A_20 : memref<640x32xf32, #tpu.memory_space<hbm>>)
      tpu.yield
    }) : () -> ()
    return
  }
}

#map = affine_map<(d0, d1) -> (0, 0)>
#map1 = affine_map<(d0, d1) -> (0, 0, 0)>
module attributes {stable_mosaic.version = 14 : i64} {
  func.func @body(%arg0: i32, %arg1: i32, %arg2: memref<10240x32xf32, #tpu.memory_space<hbm>>, %arg3: memref<10240x32xf32, #tpu.memory_space<hbm>>, %arg4: memref<32x80x128xi32, #tpu.memory_space<hbm>>, %arg5: memref<32x80x128xi32, #tpu.memory_space<hbm>>, %arg6: memref<327680x32xf32, #tpu.memory_space<hbm>>, %arg7: memref<327680x32xf32, #tpu.memory_space<hbm>>, %arg8: memref<80x128xi32, #tpu.memory_space<vmem>>, %arg9: memref<80x128xi32, #tpu.memory_space<vmem>>, %arg10: memref<128x32xf32, #tpu.memory_space<vmem>>, %arg11: memref<128x32xf32, #tpu.memory_space<vmem>>, %arg12: memref<!tpu.dma_semaphore, #tpu.memory_space<semaphore_mem>>, %arg13: memref<!tpu.dma_semaphore, #tpu.memory_space<semaphore_mem>>) attributes {dimension_semantics = [#tpu.dimension_semantics<core_parallel>, #tpu.dimension_semantics<subcore_parallel>], iteration_bounds = array<i64: 2, 16>, scalar_prefetch = 0 : i64, scratch_operands = 6 : i64, tpu.core_type = #tpu.core_type<sc_vector_subcore>, window_params = [{transform_indices = #map}, {transform_indices = #map}, {transform_indices = #map1}, {transform_indices = #map1}, {transform_indices = #map}, {transform_indices = #map}]} {
    %mul3A = arith.constant 2 : i32
    %mul3A_0 = arith.muli %arg1, %mul3A : i32
    %add3A = arith.addi %mul3A_0, %arg0 : i32
    %mul3A_1 = arith.constant 10240 : i32
    %mul3A_2 = arith.muli %add3A, %mul3A_1 : i32
    "tpu.region"() ({
      %run_scoped3A = tpu.sem_alloc : memref<!tpu.dma_semaphore, #tpu.memory_space<semaphore_mem>>
      %dma_start3A = arith.constant 0 : i32
      %dma_start3A_8 = arith.constant 0 : i32
      %dma_start3A_9 = tpu.memref_slice %arg4[%add3A, %dma_start3A, %dma_start3A_8] : memref<32x80x128xi32, #tpu.memory_space<hbm>> -> memref<1x80x128xi32, #tpu.memory_space<hbm>>
      %dma_start3A_10 = tpu.memref_squeeze %dma_start3A_9 : memref<1x80x128xi32, #tpu.memory_space<hbm>> -> memref<80x128xi32, #tpu.memory_space<hbm>>
      %dma_start3A_11 = arith.constant 0 : i32
      %dma_start3A_12 = arith.constant 0 : i32
      %dma_start3A_13 = tpu.memref_slice %arg4[%add3A, %dma_start3A_11, %dma_start3A_12] : memref<32x80x128xi32, #tpu.memory_space<hbm>> -> memref<1x80x128xi32, #tpu.memory_space<hbm>>
      %dma_start3A_14 = tpu.memref_squeeze %dma_start3A_13 : memref<1x80x128xi32, #tpu.memory_space<hbm>> -> memref<80x128xi32, #tpu.memory_space<hbm>>
      tpu.enqueue_dma source(%dma_start3A_14 : memref<80x128xi32, #tpu.memory_space<hbm>>) target(%arg8 : memref<80x128xi32, #tpu.memory_space<vmem>>) target_semaphore(%run_scoped3A : memref<!tpu.dma_semaphore, #tpu.memory_space<semaphore_mem>>)
      %dma_wait3A = arith.constant 0 : i32
      %dma_wait3A_15 = arith.constant 0 : i32
      %dma_wait3A_16 = tpu.memref_slice %arg4[%add3A, %dma_wait3A, %dma_wait3A_15] : memref<32x80x128xi32, #tpu.memory_space<hbm>> -> memref<1x80x128xi32, #tpu.memory_space<hbm>>
      %dma_wait3A_17 = tpu.memref_squeeze %dma_wait3A_16 : memref<1x80x128xi32, #tpu.memory_space<hbm>> -> memref<80x128xi32, #tpu.memory_space<hbm>>
      %dma_wait3A_18 = arith.constant 0 : i32
      %dma_wait3A_19 = arith.constant 0 : i32
      %dma_wait3A_20 = tpu.memref_slice %arg4[%add3A, %dma_wait3A_18, %dma_wait3A_19] : memref<32x80x128xi32, #tpu.memory_space<hbm>> -> memref<1x80x128xi32, #tpu.memory_space<hbm>>
      %dma_wait3A_21 = tpu.memref_squeeze %dma_wait3A_20 : memref<1x80x128xi32, #tpu.memory_space<hbm>> -> memref<80x128xi32, #tpu.memory_space<hbm>>
      tpu.wait_dma2 semaphore(%run_scoped3A : memref<!tpu.dma_semaphore, #tpu.memory_space<semaphore_mem>>) src(%dma_wait3A_21 : memref<80x128xi32, #tpu.memory_space<hbm>>) dst(%arg8 : memref<80x128xi32, #tpu.memory_space<vmem>>)
      tpu.yield
    }) : () -> ()
    "tpu.region"() ({
      %run_scoped3A = tpu.sem_alloc : memref<!tpu.dma_semaphore, #tpu.memory_space<semaphore_mem>>
      %dma_start3A = arith.constant 0 : i32
      %dma_start3A_8 = arith.constant 0 : i32
      %dma_start3A_9 = tpu.memref_slice %arg5[%add3A, %dma_start3A, %dma_start3A_8] : memref<32x80x128xi32, #tpu.memory_space<hbm>> -> memref<1x80x128xi32, #tpu.memory_space<hbm>>
      %dma_start3A_10 = tpu.memref_squeeze %dma_start3A_9 : memref<1x80x128xi32, #tpu.memory_space<hbm>> -> memref<80x128xi32, #tpu.memory_space<hbm>>
      %dma_start3A_11 = arith.constant 0 : i32
      %dma_start3A_12 = arith.constant 0 : i32
      %dma_start3A_13 = tpu.memref_slice %arg5[%add3A, %dma_start3A_11, %dma_start3A_12] : memref<32x80x128xi32, #tpu.memory_space<hbm>> -> memref<1x80x128xi32, #tpu.memory_space<hbm>>
      %dma_start3A_14 = tpu.memref_squeeze %dma_start3A_13 : memref<1x80x128xi32, #tpu.memory_space<hbm>> -> memref<80x128xi32, #tpu.memory_space<hbm>>
      tpu.enqueue_dma source(%dma_start3A_14 : memref<80x128xi32, #tpu.memory_space<hbm>>) target(%arg9 : memref<80x128xi32, #tpu.memory_space<vmem>>) target_semaphore(%run_scoped3A : memref<!tpu.dma_semaphore, #tpu.memory_space<semaphore_mem>>)
      %dma_wait3A = arith.constant 0 : i32
      %dma_wait3A_15 = arith.constant 0 : i32
      %dma_wait3A_16 = tpu.memref_slice %arg5[%add3A, %dma_wait3A, %dma_wait3A_15] : memref<32x80x128xi32, #tpu.memory_space<hbm>> -> memref<1x80x128xi32, #tpu.memory_space<hbm>>
      %dma_wait3A_17 = tpu.memref_squeeze %dma_wait3A_16 : memref<1x80x128xi32, #tpu.memory_space<hbm>> -> memref<80x128xi32, #tpu.memory_space<hbm>>
      %dma_wait3A_18 = arith.constant 0 : i32
      %dma_wait3A_19 = arith.constant 0 : i32
      %dma_wait3A_20 = tpu.memref_slice %arg5[%add3A, %dma_wait3A_18, %dma_wait3A_19] : memref<32x80x128xi32, #tpu.memory_space<hbm>> -> memref<1x80x128xi32, #tpu.memory_space<hbm>>
      %dma_wait3A_21 = tpu.memref_squeeze %dma_wait3A_20 : memref<1x80x128xi32, #tpu.memory_space<hbm>> -> memref<80x128xi32, #tpu.memory_space<hbm>>
      tpu.wait_dma2 semaphore(%run_scoped3A : memref<!tpu.dma_semaphore, #tpu.memory_space<semaphore_mem>>) src(%dma_wait3A_21 : memref<80x128xi32, #tpu.memory_space<hbm>>) dst(%arg9 : memref<80x128xi32, #tpu.memory_space<vmem>>)
      tpu.yield
    }) : () -> ()
    %scan3A = arith.constant 0 : i32
    %scan3A_3 = arith.constant 0 : i32
    %scan3A_4 = arith.constant 80 : i32
    %scan3A_5 = arith.addi %scan3A_3, %scan3A_4 : i32
    %scan3A_6 = arith.constant 1 : i32
    scf.for %scan3A_8 = %scan3A_3 to %scan3A_5 step %scan3A_6  : i32 {
      %mul3A_9 = arith.constant 128 : i32
      %mul3A_10 = arith.muli %scan3A_8, %mul3A_9 : i32
      %add3A_11 = arith.addi %mul3A_2, %mul3A_10 : i32
      %dma_start3A = arith.constant 0 : i32
      %dma_start3A_12 = tpu.memref_slice %arg8[%scan3A_8, %dma_start3A] : memref<80x128xi32, #tpu.memory_space<vmem>> -> memref<1x128xi32, #tpu.memory_space<vmem>>
      %dma_start3A_13 = tpu.memref_squeeze %dma_start3A_12 : memref<1x128xi32, #tpu.memory_space<vmem>> -> memref<128xi32, #tpu.memory_space<vmem>>
      %dma_start3A_14 = arith.constant 0 : i32
      %dma_start3A_15 = arith.constant 0 : i32
      %dma_start3A_16 = tpu.memref_slice %arg2[%dma_start3A_14, %dma_start3A_15] : memref<10240x32xf32, #tpu.memory_space<hbm>> -> memref<10240x32xf32, #tpu.memory_space<hbm>>
      tpu.enqueue_indirect_dma source(%dma_start3A_16 : memref<10240x32xf32, #tpu.memory_space<hbm>>) target(%arg10 : memref<128x32xf32, #tpu.memory_space<vmem>>) offsets(%dma_start3A_13 : memref<128xi32, #tpu.memory_space<vmem>>) semaphore(%arg12 : memref<!tpu.dma_semaphore, #tpu.memory_space<semaphore_mem>>)
      %dma_start3A_17 = arith.constant 0 : i32
      %dma_start3A_18 = tpu.memref_slice %arg9[%scan3A_8, %dma_start3A_17] : memref<80x128xi32, #tpu.memory_space<vmem>> -> memref<1x128xi32, #tpu.memory_space<vmem>>
      %dma_start3A_19 = tpu.memref_squeeze %dma_start3A_18 : memref<1x128xi32, #tpu.memory_space<vmem>> -> memref<128xi32, #tpu.memory_space<vmem>>
      %dma_start3A_20 = arith.constant 0 : i32
      %dma_start3A_21 = arith.constant 0 : i32
      %dma_start3A_22 = tpu.memref_slice %arg3[%dma_start3A_20, %dma_start3A_21] : memref<10240x32xf32, #tpu.memory_space<hbm>> -> memref<10240x32xf32, #tpu.memory_space<hbm>>
      tpu.enqueue_indirect_dma source(%dma_start3A_22 : memref<10240x32xf32, #tpu.memory_space<hbm>>) target(%arg11 : memref<128x32xf32, #tpu.memory_space<vmem>>) offsets(%dma_start3A_19 : memref<128xi32, #tpu.memory_space<vmem>>) semaphore(%arg13 : memref<!tpu.dma_semaphore, #tpu.memory_space<semaphore_mem>>)
      %dma_wait3A = arith.constant 0 : i32
      %dma_wait3A_23 = tpu.memref_slice %arg8[%scan3A_8, %dma_wait3A] : memref<80x128xi32, #tpu.memory_space<vmem>> -> memref<1x128xi32, #tpu.memory_space<vmem>>
      %dma_wait3A_24 = tpu.memref_squeeze %dma_wait3A_23 : memref<1x128xi32, #tpu.memory_space<vmem>> -> memref<128xi32, #tpu.memory_space<vmem>>
      %dma_wait3A_25 = arith.constant 0 : i32
      %dma_wait3A_26 = arith.constant 0 : i32
      %dma_wait3A_27 = tpu.memref_slice %arg2[%dma_wait3A_25, %dma_wait3A_26] : memref<10240x32xf32, #tpu.memory_space<hbm>> -> memref<10240x32xf32, #tpu.memory_space<hbm>>
      tpu.wait_indirect_dma semaphore(%arg12 : memref<!tpu.dma_semaphore, #tpu.memory_space<semaphore_mem>>) src(%dma_wait3A_27 : memref<10240x32xf32, #tpu.memory_space<hbm>>) dst(%arg10 : memref<128x32xf32, #tpu.memory_space<vmem>>)
      %dma_wait3A_28 = arith.constant 0 : i32
      %dma_wait3A_29 = tpu.memref_slice %arg9[%scan3A_8, %dma_wait3A_28] : memref<80x128xi32, #tpu.memory_space<vmem>> -> memref<1x128xi32, #tpu.memory_space<vmem>>
      %dma_wait3A_30 = tpu.memref_squeeze %dma_wait3A_29 : memref<1x128xi32, #tpu.memory_space<vmem>> -> memref<128xi32, #tpu.memory_space<vmem>>
      %dma_wait3A_31 = arith.constant 0 : i32
      %dma_wait3A_32 = arith.constant 0 : i32
      %dma_wait3A_33 = tpu.memref_slice %arg3[%dma_wait3A_31, %dma_wait3A_32] : memref<10240x32xf32, #tpu.memory_space<hbm>> -> memref<10240x32xf32, #tpu.memory_space<hbm>>
      tpu.wait_indirect_dma semaphore(%arg13 : memref<!tpu.dma_semaphore, #tpu.memory_space<semaphore_mem>>) src(%dma_wait3A_33 : memref<10240x32xf32, #tpu.memory_space<hbm>>) dst(%arg11 : memref<128x32xf32, #tpu.memory_space<vmem>>)
      "tpu.region"() ({
        %run_scoped3A = tpu.sem_alloc : memref<!tpu.dma_semaphore, #tpu.memory_space<semaphore_mem>>
        %dma_start3A_34 = arith.constant 0 : i32
        %dma_start3A_35 = tpu.memref_slice %arg6[%add3A_11, %dma_start3A_34] : memref<327680x32xf32, #tpu.memory_space<hbm>> -> memref<128x32xf32, #tpu.memory_space<hbm>>
        %dma_start3A_36 = arith.constant 0 : i32
        %dma_start3A_37 = tpu.memref_slice %arg6[%add3A_11, %dma_start3A_36] : memref<327680x32xf32, #tpu.memory_space<hbm>> -> memref<128x32xf32, #tpu.memory_space<hbm>>
        tpu.enqueue_dma source(%arg10 : memref<128x32xf32, #tpu.memory_space<vmem>>) target(%dma_start3A_37 : memref<128x32xf32, #tpu.memory_space<hbm>>) target_semaphore(%run_scoped3A : memref<!tpu.dma_semaphore, #tpu.memory_space<semaphore_mem>>)
        %dma_wait3A_38 = arith.constant 0 : i32
        %dma_wait3A_39 = tpu.memref_slice %arg6[%add3A_11, %dma_wait3A_38] : memref<327680x32xf32, #tpu.memory_space<hbm>> -> memref<128x32xf32, #tpu.memory_space<hbm>>
        %dma_wait3A_40 = arith.constant 0 : i32
        %dma_wait3A_41 = tpu.memref_slice %arg6[%add3A_11, %dma_wait3A_40] : memref<327680x32xf32, #tpu.memory_space<hbm>> -> memref<128x32xf32, #tpu.memory_space<hbm>>
        tpu.wait_dma2 semaphore(%run_scoped3A : memref<!tpu.dma_semaphore, #tpu.memory_space<semaphore_mem>>) src(%arg10 : memref<128x32xf32, #tpu.memory_space<vmem>>) dst(%dma_wait3A_41 : memref<128x32xf32, #tpu.memory_space<hbm>>)
        tpu.yield
      }) : () -> ()
      "tpu.region"() ({
        %run_scoped3A = tpu.sem_alloc : memref<!tpu.dma_semaphore, #tpu.memory_space<semaphore_mem>>
        %dma_start3A_34 = arith.constant 0 : i32
        %dma_start3A_35 = tpu.memref_slice %arg7[%add3A_11, %dma_start3A_34] : memref<327680x32xf32, #tpu.memory_space<hbm>> -> memref<128x32xf32, #tpu.memory_space<hbm>>
        %dma_start3A_36 = arith.constant 0 : i32
        %dma_start3A_37 = tpu.memref_slice %arg7[%add3A_11, %dma_start3A_36] : memref<327680x32xf32, #tpu.memory_space<hbm>> -> memref<128x32xf32, #tpu.memory_space<hbm>>
        tpu.enqueue_dma source(%arg11 : memref<128x32xf32, #tpu.memory_space<vmem>>) target(%dma_start3A_37 : memref<128x32xf32, #tpu.memory_space<hbm>>) target_semaphore(%run_scoped3A : memref<!tpu.dma_semaphore, #tpu.memory_space<semaphore_mem>>)
        %dma_wait3A_38 = arith.constant 0 : i32
        %dma_wait3A_39 = tpu.memref_slice %arg7[%add3A_11, %dma_wait3A_38] : memref<327680x32xf32, #tpu.memory_space<hbm>> -> memref<128x32xf32, #tpu.memory_space<hbm>>
        %dma_wait3A_40 = arith.constant 0 : i32
        %dma_wait3A_41 = tpu.memref_slice %arg7[%add3A_11, %dma_wait3A_40] : memref<327680x32xf32, #tpu.memory_space<hbm>> -> memref<128x32xf32, #tpu.memory_space<hbm>>
        tpu.wait_dma2 semaphore(%run_scoped3A : memref<!tpu.dma_semaphore, #tpu.memory_space<semaphore_mem>>) src(%arg11 : memref<128x32xf32, #tpu.memory_space<vmem>>) dst(%dma_wait3A_41 : memref<128x32xf32, #tpu.memory_space<hbm>>)
        tpu.yield
      }) : () -> ()
    }
    %scan3A_7 = arith.constant 80 : i32
    return
  }
}

#map = affine_map<(d0, d1) -> (0, 0)>
#map1 = affine_map<(d0, d1) -> (0, 0, 0)>
module attributes {stable_mosaic.version = 14 : i64} {
  func.func @body(%arg0: i32, %arg1: i32, %arg2: memref<327680x32xf32, #tpu.memory_space<hbm>>, %arg3: memref<32x80x128xi32, #tpu.memory_space<hbm>>, %arg4: memref<10240x32xf32, #tpu.memory_space<hbm>>, %arg5: memref<2x10240x32xf32, #tpu.memory_space<hbm>>, %arg6: memref<80x128xi32, #tpu.memory_space<vmem>>, %arg7: memref<128x32xf32, #tpu.memory_space<vmem>>, %arg8: memref<640x32xf32, #tpu.memory_space<vmem>>, %arg9: memref<10240x32xf32, #tpu.memory_space<vmem_shared>>) attributes {dimension_semantics = [#tpu.dimension_semantics<core_parallel>, #tpu.dimension_semantics<subcore_parallel>], iteration_bounds = array<i64: 2, 16>, scalar_prefetch = 0 : i64, scratch_operands = 4 : i64, tpu.core_type = #tpu.core_type<sc_vector_subcore>, window_params = [{transform_indices = #map}, {transform_indices = #map1}, {transform_indices = #map}, {transform_indices = #map1}]} {
    %mul3A = arith.constant 2 : i32
    %mul3A_0 = arith.muli %arg1, %mul3A : i32
    %add3A = arith.addi %mul3A_0, %arg0 : i32
    %mul3A_1 = arith.constant 10240 : i32
    %mul3A_2 = arith.muli %add3A, %mul3A_1 : i32
    %mul3A_3 = arith.constant 640 : i32
    %mul3A_4 = arith.muli %arg1, %mul3A_3 : i32
    "tpu.region"() ({
      %run_scoped3A = tpu.sem_alloc : memref<!tpu.dma_semaphore, #tpu.memory_space<semaphore_mem>>
      %dma_start3A = arith.constant 0 : i32
      %dma_start3A_11 = arith.constant 0 : i32
      %dma_start3A_12 = tpu.memref_slice %arg3[%add3A, %dma_start3A, %dma_start3A_11] : memref<32x80x128xi32, #tpu.memory_space<hbm>> -> memref<1x80x128xi32, #tpu.memory_space<hbm>>
      %dma_start3A_13 = tpu.memref_squeeze %dma_start3A_12 : memref<1x80x128xi32, #tpu.memory_space<hbm>> -> memref<80x128xi32, #tpu.memory_space<hbm>>
      %dma_start3A_14 = arith.constant 0 : i32
      %dma_start3A_15 = arith.constant 0 : i32
      %dma_start3A_16 = tpu.memref_slice %arg3[%add3A, %dma_start3A_14, %dma_start3A_15] : memref<32x80x128xi32, #tpu.memory_space<hbm>> -> memref<1x80x128xi32, #tpu.memory_space<hbm>>
      %dma_start3A_17 = tpu.memref_squeeze %dma_start3A_16 : memref<1x80x128xi32, #tpu.memory_space<hbm>> -> memref<80x128xi32, #tpu.memory_space<hbm>>
      tpu.enqueue_dma source(%dma_start3A_17 : memref<80x128xi32, #tpu.memory_space<hbm>>) target(%arg6 : memref<80x128xi32, #tpu.memory_space<vmem>>) target_semaphore(%run_scoped3A : memref<!tpu.dma_semaphore, #tpu.memory_space<semaphore_mem>>)
      %dma_wait3A = arith.constant 0 : i32
      %dma_wait3A_18 = arith.constant 0 : i32
      %dma_wait3A_19 = tpu.memref_slice %arg3[%add3A, %dma_wait3A, %dma_wait3A_18] : memref<32x80x128xi32, #tpu.memory_space<hbm>> -> memref<1x80x128xi32, #tpu.memory_space<hbm>>
      %dma_wait3A_20 = tpu.memref_squeeze %dma_wait3A_19 : memref<1x80x128xi32, #tpu.memory_space<hbm>> -> memref<80x128xi32, #tpu.memory_space<hbm>>
      %dma_wait3A_21 = arith.constant 0 : i32
      %dma_wait3A_22 = arith.constant 0 : i32
      %dma_wait3A_23 = tpu.memref_slice %arg3[%add3A, %dma_wait3A_21, %dma_wait3A_22] : memref<32x80x128xi32, #tpu.memory_space<hbm>> -> memref<1x80x128xi32, #tpu.memory_space<hbm>>
      %dma_wait3A_24 = tpu.memref_squeeze %dma_wait3A_23 : memref<1x80x128xi32, #tpu.memory_space<hbm>> -> memref<80x128xi32, #tpu.memory_space<hbm>>
      tpu.wait_dma2 semaphore(%run_scoped3A : memref<!tpu.dma_semaphore, #tpu.memory_space<semaphore_mem>>) src(%dma_wait3A_24 : memref<80x128xi32, #tpu.memory_space<hbm>>) dst(%arg6 : memref<80x128xi32, #tpu.memory_space<vmem>>)
      tpu.yield
    }) : () -> ()
    "tpu.region"() ({
      %run_scoped3A = tpu.sem_alloc : memref<!tpu.dma_semaphore, #tpu.memory_space<semaphore_mem>>
      %dma_start3A = arith.constant 0 : i32
      %dma_start3A_11 = tpu.memref_slice %arg4[%mul3A_4, %dma_start3A] : memref<10240x32xf32, #tpu.memory_space<hbm>> -> memref<640x32xf32, #tpu.memory_space<hbm>>
      %dma_start3A_12 = arith.constant 0 : i32
      %dma_start3A_13 = tpu.memref_slice %arg4[%mul3A_4, %dma_start3A_12] : memref<10240x32xf32, #tpu.memory_space<hbm>> -> memref<640x32xf32, #tpu.memory_space<hbm>>
      tpu.enqueue_dma source(%dma_start3A_13 : memref<640x32xf32, #tpu.memory_space<hbm>>) target(%arg8 : memref<640x32xf32, #tpu.memory_space<vmem>>) target_semaphore(%run_scoped3A : memref<!tpu.dma_semaphore, #tpu.memory_space<semaphore_mem>>)
      %dma_wait3A = arith.constant 0 : i32
      %dma_wait3A_14 = tpu.memref_slice %arg4[%mul3A_4, %dma_wait3A] : memref<10240x32xf32, #tpu.memory_space<hbm>> -> memref<640x32xf32, #tpu.memory_space<hbm>>
      %dma_wait3A_15 = arith.constant 0 : i32
      %dma_wait3A_16 = tpu.memref_slice %arg4[%mul3A_4, %dma_wait3A_15] : memref<10240x32xf32, #tpu.memory_space<hbm>> -> memref<640x32xf32, #tpu.memory_space<hbm>>
      tpu.wait_dma2 semaphore(%run_scoped3A : memref<!tpu.dma_semaphore, #tpu.memory_space<semaphore_mem>>) src(%dma_wait3A_16 : memref<640x32xf32, #tpu.memory_space<hbm>>) dst(%arg8 : memref<640x32xf32, #tpu.memory_space<vmem>>)
      tpu.yield
    }) : () -> ()
    "tpu.region"() ({
      %run_scoped3A = tpu.sem_alloc : memref<!tpu.dma_semaphore, #tpu.memory_space<semaphore_mem>>
      %dma_start3A = arith.constant 0 : i32
      %dma_start3A_11 = tpu.memref_slice %arg9[%mul3A_4, %dma_start3A] : memref<10240x32xf32, #tpu.memory_space<vmem_shared>> -> memref<640x32xf32, #tpu.memory_space<vmem_shared>>
      %dma_start3A_12 = arith.constant 0 : i32
      %dma_start3A_13 = tpu.memref_slice %arg9[%mul3A_4, %dma_start3A_12] : memref<10240x32xf32, #tpu.memory_space<vmem_shared>> -> memref<640x32xf32, #tpu.memory_space<vmem_shared>>
      tpu.enqueue_dma source(%arg8 : memref<640x32xf32, #tpu.memory_space<vmem>>) target(%dma_start3A_13 : memref<640x32xf32, #tpu.memory_space<vmem_shared>>) target_semaphore(%run_scoped3A : memref<!tpu.dma_semaphore, #tpu.memory_space<semaphore_mem>>)
      %dma_wait3A = arith.constant 0 : i32
      %dma_wait3A_14 = tpu.memref_slice %arg9[%mul3A_4, %dma_wait3A] : memref<10240x32xf32, #tpu.memory_space<vmem_shared>> -> memref<640x32xf32, #tpu.memory_space<vmem_shared>>
      %dma_wait3A_15 = arith.constant 0 : i32
      %dma_wait3A_16 = tpu.memref_slice %arg9[%mul3A_4, %dma_wait3A_15] : memref<10240x32xf32, #tpu.memory_space<vmem_shared>> -> memref<640x32xf32, #tpu.memory_space<vmem_shared>>
      tpu.wait_dma2 semaphore(%run_scoped3A : memref<!tpu.dma_semaphore, #tpu.memory_space<semaphore_mem>>) src(%arg8 : memref<640x32xf32, #tpu.memory_space<vmem>>) dst(%dma_wait3A_16 : memref<640x32xf32, #tpu.memory_space<vmem_shared>>)
      tpu.yield
    }) : () -> ()
    %barrier3A = arith.constant 0 : index
    tpu.barrier barrier_id(%barrier3A)
    %scan3A = arith.constant 0 : i32
    %scan3A_5 = arith.constant 0 : i32
    %scan3A_6 = arith.constant 80 : i32
    %scan3A_7 = arith.addi %scan3A_5, %scan3A_6 : i32
    %scan3A_8 = arith.constant 1 : i32
    scf.for %scan3A_11 = %scan3A_5 to %scan3A_7 step %scan3A_8  : i32 {
      %mul3A_12 = arith.constant 128 : i32
      %mul3A_13 = arith.muli %scan3A_11, %mul3A_12 : i32
      %add3A_14 = arith.addi %mul3A_2, %mul3A_13 : i32
      "tpu.region"() ({
        %run_scoped3A = tpu.sem_alloc : memref<!tpu.dma_semaphore, #tpu.memory_space<semaphore_mem>>
        %dma_start3A = arith.constant 0 : i32
        %dma_start3A_15 = tpu.memref_slice %arg2[%add3A_14, %dma_start3A] : memref<327680x32xf32, #tpu.memory_space<hbm>> -> memref<128x32xf32, #tpu.memory_space<hbm>>
        %dma_start3A_16 = arith.constant 0 : i32
        %dma_start3A_17 = tpu.memref_slice %arg2[%add3A_14, %dma_start3A_16] : memref<327680x32xf32, #tpu.memory_space<hbm>> -> memref<128x32xf32, #tpu.memory_space<hbm>>
        tpu.enqueue_dma source(%dma_start3A_17 : memref<128x32xf32, #tpu.memory_space<hbm>>) target(%arg7 : memref<128x32xf32, #tpu.memory_space<vmem>>) target_semaphore(%run_scoped3A : memref<!tpu.dma_semaphore, #tpu.memory_space<semaphore_mem>>)
        %dma_wait3A = arith.constant 0 : i32
        %dma_wait3A_18 = tpu.memref_slice %arg2[%add3A_14, %dma_wait3A] : memref<327680x32xf32, #tpu.memory_space<hbm>> -> memref<128x32xf32, #tpu.memory_space<hbm>>
        %dma_wait3A_19 = arith.constant 0 : i32
        %dma_wait3A_20 = tpu.memref_slice %arg2[%add3A_14, %dma_wait3A_19] : memref<327680x32xf32, #tpu.memory_space<hbm>> -> memref<128x32xf32, #tpu.memory_space<hbm>>
        tpu.wait_dma2 semaphore(%run_scoped3A : memref<!tpu.dma_semaphore, #tpu.memory_space<semaphore_mem>>) src(%dma_wait3A_20 : memref<128x32xf32, #tpu.memory_space<hbm>>) dst(%arg7 : memref<128x32xf32, #tpu.memory_space<vmem>>)
        tpu.yield
      }) : () -> ()
      "tpu.region"() ({
        %run_scoped3A = tpu.sem_alloc : memref<!tpu.dma_semaphore, #tpu.memory_space<semaphore_mem>>
        %dma_start3A = arith.constant 0 : i32
        %dma_start3A_15 = tpu.memref_slice %arg6[%scan3A_11, %dma_start3A] : memref<80x128xi32, #tpu.memory_space<vmem>> -> memref<1x128xi32, #tpu.memory_space<vmem>>
        %dma_start3A_16 = tpu.memref_squeeze %dma_start3A_15 : memref<1x128xi32, #tpu.memory_space<vmem>> -> memref<128xi32, #tpu.memory_space<vmem>>
        %dma_start3A_17 = arith.constant 0 : i32
        %dma_start3A_18 = arith.constant 0 : i32
        %dma_start3A_19 = tpu.memref_slice %arg9[%dma_start3A_17, %dma_start3A_18] : memref<10240x32xf32, #tpu.memory_space<vmem_shared>> -> memref<10240x32xf32, #tpu.memory_space<vmem_shared>>
        tpu.enqueue_indirect_dma source(%arg7 : memref<128x32xf32, #tpu.memory_space<vmem>>) target(%dma_start3A_19 : memref<10240x32xf32, #tpu.memory_space<vmem_shared>>) offsets(%dma_start3A_16 : memref<128xi32, #tpu.memory_space<vmem>>) semaphore(%run_scoped3A : memref<!tpu.dma_semaphore, #tpu.memory_space<semaphore_mem>>) {add = true}
        %dma_wait3A = arith.constant 0 : i32
        %dma_wait3A_20 = tpu.memref_slice %arg6[%scan3A_11, %dma_wait3A] : memref<80x128xi32, #tpu.memory_space<vmem>> -> memref<1x128xi32, #tpu.memory_space<vmem>>
        %dma_wait3A_21 = tpu.memref_squeeze %dma_wait3A_20 : memref<1x128xi32, #tpu.memory_space<vmem>> -> memref<128xi32, #tpu.memory_space<vmem>>
        %dma_wait3A_22 = arith.constant 0 : i32
        %dma_wait3A_23 = arith.constant 0 : i32
        %dma_wait3A_24 = tpu.memref_slice %arg9[%dma_wait3A_22, %dma_wait3A_23] : memref<10240x32xf32, #tpu.memory_space<vmem_shared>> -> memref<10240x32xf32, #tpu.memory_space<vmem_shared>>
        tpu.wait_indirect_dma semaphore(%run_scoped3A : memref<!tpu.dma_semaphore, #tpu.memory_space<semaphore_mem>>) src(%arg7 : memref<128x32xf32, #tpu.memory_space<vmem>>) dst(%dma_wait3A_24 : memref<10240x32xf32, #tpu.memory_space<vmem_shared>>)
        tpu.yield
      }) : () -> ()
    }
    %scan3A_9 = arith.constant 80 : i32
    %barrier3A_10 = arith.constant 0 : index
    tpu.barrier barrier_id(%barrier3A_10)
    "tpu.region"() ({
      %run_scoped3A = tpu.sem_alloc : memref<!tpu.dma_semaphore, #tpu.memory_space<semaphore_mem>>
      %dma_start3A = arith.constant 0 : i32
      %dma_start3A_11 = tpu.memref_slice %arg9[%mul3A_4, %dma_start3A] : memref<10240x32xf32, #tpu.memory_space<vmem_shared>> -> memref<640x32xf32, #tpu.memory_space<vmem_shared>>
      %dma_start3A_12 = arith.constant 0 : i32
      %dma_start3A_13 = tpu.memref_slice %arg9[%mul3A_4, %dma_start3A_12] : memref<10240x32xf32, #tpu.memory_space<vmem_shared>> -> memref<640x32xf32, #tpu.memory_space<vmem_shared>>
      tpu.enqueue_dma source(%dma_start3A_13 : memref<640x32xf32, #tpu.memory_space<vmem_shared>>) target(%arg8 : memref<640x32xf32, #tpu.memory_space<vmem>>) target_semaphore(%run_scoped3A : memref<!tpu.dma_semaphore, #tpu.memory_space<semaphore_mem>>)
      %dma_wait3A = arith.constant 0 : i32
      %dma_wait3A_14 = tpu.memref_slice %arg9[%mul3A_4, %dma_wait3A] : memref<10240x32xf32, #tpu.memory_space<vmem_shared>> -> memref<640x32xf32, #tpu.memory_space<vmem_shared>>
      %dma_wait3A_15 = arith.constant 0 : i32
      %dma_wait3A_16 = tpu.memref_slice %arg9[%mul3A_4, %dma_wait3A_15] : memref<10240x32xf32, #tpu.memory_space<vmem_shared>> -> memref<640x32xf32, #tpu.memory_space<vmem_shared>>
      tpu.wait_dma2 semaphore(%run_scoped3A : memref<!tpu.dma_semaphore, #tpu.memory_space<semaphore_mem>>) src(%dma_wait3A_16 : memref<640x32xf32, #tpu.memory_space<vmem_shared>>) dst(%arg8 : memref<640x32xf32, #tpu.memory_space<vmem>>)
      tpu.yield
    }) : () -> ()
    "tpu.region"() ({
      %run_scoped3A = tpu.sem_alloc : memref<!tpu.dma_semaphore, #tpu.memory_space<semaphore_mem>>
      %dma_start3A = arith.constant 0 : i32
      %dma_start3A_11 = tpu.memref_slice %arg5[%arg0, %mul3A_4, %dma_start3A] : memref<2x10240x32xf32, #tpu.memory_space<hbm>> -> memref<1x640x32xf32, #tpu.memory_space<hbm>>
      %dma_start3A_12 = tpu.memref_squeeze %dma_start3A_11 : memref<1x640x32xf32, #tpu.memory_space<hbm>> -> memref<640x32xf32, #tpu.memory_space<hbm>>
      %dma_start3A_13 = arith.constant 0 : i32
      %dma_start3A_14 = tpu.memref_slice %arg5[%arg0, %mul3A_4, %dma_start3A_13] : memref<2x10240x32xf32, #tpu.memory_space<hbm>> -> memref<1x640x32xf32, #tpu.memory_space<hbm>>
      %dma_start3A_15 = tpu.memref_squeeze %dma_start3A_14 : memref<1x640x32xf32, #tpu.memory_space<hbm>> -> memref<640x32xf32, #tpu.memory_space<hbm>>
      tpu.enqueue_dma source(%arg8 : memref<640x32xf32, #tpu.memory_space<vmem>>) target(%dma_start3A_15 : memref<640x32xf32, #tpu.memory_space<hbm>>) target_semaphore(%run_scoped3A : memref<!tpu.dma_semaphore, #tpu.memory_space<semaphore_mem>>)
      %dma_wait3A = arith.constant 0 : i32
      %dma_wait3A_16 = tpu.memref_slice %arg5[%arg0, %mul3A_4, %dma_wait3A] : memref<2x10240x32xf32, #tpu.memory_space<hbm>> -> memref<1x640x32xf32, #tpu.memory_space<hbm>>
      %dma_wait3A_17 = tpu.memref_squeeze %dma_wait3A_16 : memref<1x640x32xf32, #tpu.memory_space<hbm>> -> memref<640x32xf32, #tpu.memory_space<hbm>>
      %dma_wait3A_18 = arith.constant 0 : i32
      %dma_wait3A_19 = tpu.memref_slice %arg5[%arg0, %mul3A_4, %dma_wait3A_18] : memref<2x10240x32xf32, #tpu.memory_space<hbm>> -> memref<1x640x32xf32, #tpu.memory_space<hbm>>
      %dma_wait3A_20 = tpu.memref_squeeze %dma_wait3A_19 : memref<1x640x32xf32, #tpu.memory_space<hbm>> -> memref<640x32xf32, #tpu.memory_space<hbm>>
      tpu.wait_dma2 semaphore(%run_scoped3A : memref<!tpu.dma_semaphore, #tpu.memory_space<semaphore_mem>>) src(%arg8 : memref<640x32xf32, #tpu.memory_space<vmem>>) dst(%dma_wait3A_20 : memref<640x32xf32, #tpu.memory_space<hbm>>)
      tpu.yield
    }) : () -> ()
    return
  }
}

module attributes {stable_mosaic.version = 14 : i64} {
  func.func @body(%arg0: i32, %arg1: memref<512x128xf32, #tpu.memory_space<vmem>>, %arg2: memref<128x64xf32, #tpu.memory_space<vmem>>, %arg3: memref<1x64xf32, #tpu.memory_space<vmem>>, %arg4: memref<64x32xf32, #tpu.memory_space<vmem>>, %arg5: memref<64x32xf32, #tpu.memory_space<vmem>>, %arg6: memref<512x64xf32, #tpu.memory_space<vmem>>, %arg7: memref<512x32xf32, #tpu.memory_space<vmem>>, %arg8: memref<512x32xf32, #tpu.memory_space<vmem>>) attributes {dimension_semantics = [#tpu.dimension_semantics<arbitrary>], iteration_bounds = array<i64: 20>, scalar_prefetch = 0 : i64, scratch_operands = 0 : i64, tpu.core_type = #tpu.core_type<tc>, window_params = [{transform_indices = @transform_0, window_bounds = array<i64: 512, 128>}, {pipeline_mode = #tpu.pipeline_mode<synchronous>, transform_indices = @transform_1, window_bounds = array<i64: 128, 64>}, {pipeline_mode = #tpu.pipeline_mode<synchronous>, transform_indices = @transform_2, window_bounds = array<i64: 1, 64>}, {pipeline_mode = #tpu.pipeline_mode<synchronous>, transform_indices = @transform_3, window_bounds = array<i64: 64, 32>}, {pipeline_mode = #tpu.pipeline_mode<synchronous>, transform_indices = @transform_4, window_bounds = array<i64: 64, 32>}, {transform_indices = @transform_5, window_bounds = array<i64: 512, 64>}, {transform_indices = @transform_6, window_bounds = array<i64: 512, 32>}, {transform_indices = @transform_7, window_bounds = array<i64: 512, 32>}]} {
    %get3A = arith.constant 0 : index
    %get3A_0 = arith.constant 0 : index
    %get3A_1 = vector.load %arg1[%get3A, %get3A_0] : memref<512x128xf32, #tpu.memory_space<vmem>>, vector<512x128xf32>
    %get3A_2 = arith.constant 0 : index
    %get3A_3 = arith.constant 0 : index
    %get3A_4 = vector.load %arg2[%get3A_2, %get3A_3] : memref<128x64xf32, #tpu.memory_space<vmem>>, vector<128x64xf32>
    %dot_general3A = arith.constant dense<0.000000e+00> : vector<512x64xf32>
    %dot_general3A_5 = tpu.matmul %get3A_1, %get3A_4, %dot_general3A {dimension_numbers = #tpu.dot_dimension_numbers<[1], [0], [0], [1], [0, 0, 1, 1], [], []>, transpose_lhs_hint = false} : vector<512x128xf32>, vector<128x64xf32>, vector<512x64xf32> -> vector<512x64xf32>
    %get3A_6 = arith.constant 0 : index
    %get3A_7 = arith.constant 0 : index
    %get3A_8 = vector.load %arg3[%get3A_6, %get3A_7] : memref<1x64xf32, #tpu.memory_space<vmem>>, vector<1x64xf32>
    %add3A = vector.broadcast %get3A_8 : vector<1x64xf32> to vector<512x64xf32>
    %add3A_9 = arith.addf %dot_general3A_5, %add3A : vector<512x64xf32>
    %swap3A = arith.constant 0 : index
    %swap3A_10 = arith.constant 0 : index
    %swap3A_11 = vector.load %arg6[%swap3A, %swap3A_10] : memref<512x64xf32, #tpu.memory_space<vmem>>, vector<512x64xf32>
    tpu.vector_store %arg6[%swap3A, %swap3A_10], %add3A_9 {strides = array<i32>} : memref<512x64xf32, #tpu.memory_space<vmem>>, vector<512x64xf32>,
    %get3A_12 = arith.constant 0 : index
    %get3A_13 = arith.constant 0 : index
    %get3A_14 = vector.load %arg4[%get3A_12, %get3A_13] : memref<64x32xf32, #tpu.memory_space<vmem>>, vector<64x32xf32>
    %dot_general3A_15 = arith.constant dense<0.000000e+00> : vector<512x32xf32>
    %dot_general3A_16 = tpu.matmul %add3A_9, %get3A_14, %dot_general3A_15 {dimension_numbers = #tpu.dot_dimension_numbers<[1], [0], [0], [1], [0, 0, 1, 1], [], []>, transpose_lhs_hint = false} : vector<512x64xf32>, vector<64x32xf32>, vector<512x32xf32> -> vector<512x32xf32>
    %swap3A_17 = arith.constant 0 : index
    %swap3A_18 = arith.constant 0 : index
    %swap3A_19 = vector.load %arg7[%swap3A_17, %swap3A_18] : memref<512x32xf32, #tpu.memory_space<vmem>>, vector<512x32xf32>
    tpu.vector_store %arg7[%swap3A_17, %swap3A_18], %dot_general3A_16 {strides = array<i32>} : memref<512x32xf32, #tpu.memory_space<vmem>>, vector<512x32xf32>,
    %get3A_20 = arith.constant 0 : index
    %get3A_21 = arith.constant 0 : index
    %get3A_22 = vector.load %arg5[%get3A_20, %get3A_21] : memref<64x32xf32, #tpu.memory_space<vmem>>, vector<64x32xf32>
    %dot_general3A_23 = arith.constant dense<0.000000e+00> : vector<512x32xf32>
    %dot_general3A_24 = tpu.matmul %add3A_9, %get3A_22, %dot_general3A_23 {dimension_numbers = #tpu.dot_dimension_numbers<[1], [0], [0], [1], [0, 0, 1, 1], [], []>, transpose_lhs_hint = false} : vector<512x64xf32>, vector<64x32xf32>, vector<512x32xf32> -> vector<512x32xf32>
    %swap3A_25 = arith.constant 0 : index
    %swap3A_26 = arith.constant 0 : index
    %swap3A_27 = vector.load %arg8[%swap3A_25, %swap3A_26] : memref<512x32xf32, #tpu.memory_space<vmem>>, vector<512x32xf32>
    tpu.vector_store %arg8[%swap3A_25, %swap3A_26], %dot_general3A_24 {strides = array<i32>} : memref<512x32xf32, #tpu.memory_space<vmem>>, vector<512x32xf32>,
    return
  }
  func.func @transform_0(%arg0: i32) -> (i32, i32) {
    %c0_i32 = arith.constant 0 : i32
    %c0_i32_0 = arith.constant 0 : i32
    return %arg0, %c0_i32 : i32, i32
  }
  func.func @transform_1(%arg0: i32) -> (i32, i32) {
    %c0_i32 = arith.constant 0 : i32
    %c0_i32_0 = arith.constant 0 : i32
    %c0_i32_1 = arith.constant 0 : i32
    return %c0_i32, %c0_i32_0 : i32, i32
  }
  func.func @transform_2(%arg0: i32) -> (i32, i32) {
    %c0_i32 = arith.constant 0 : i32
    %c0_i32_0 = arith.constant 0 : i32
    %c0_i32_1 = arith.constant 0 : i32
    return %c0_i32, %c0_i32_0 : i32, i32
  }
  func.func @transform_3(%arg0: i32) -> (i32, i32) {
    %c0_i32 = arith.constant 0 : i32
    %c0_i32_0 = arith.constant 0 : i32
    %c0_i32_1 = arith.constant 0 : i32
    return %c0_i32, %c0_i32_0 : i32, i32
  }
  func.func @transform_4(%arg0: i32) -> (i32, i32) {
    %c0_i32 = arith.constant 0 : i32
    %c0_i32_0 = arith.constant 0 : i32
    %c0_i32_1 = arith.constant 0 : i32
    return %c0_i32, %c0_i32_0 : i32, i32
  }
  func.func @transform_5(%arg0: i32) -> (i32, i32) {
    %c0_i32 = arith.constant 0 : i32
    %c0_i32_0 = arith.constant 0 : i32
    return %arg0, %c0_i32 : i32, i32
  }
  func.func @transform_6(%arg0: i32) -> (i32, i32) {
    %c0_i32 = arith.constant 0 : i32
    %c0_i32_0 = arith.constant 0 : i32
    return %arg0, %c0_i32 : i32, i32
  }
  func.func @transform_7(%arg0: i32) -> (i32, i32) {
    %c0_i32 = arith.constant 0 : i32
    %c0_i32_0 = arith.constant 0 : i32
    return %arg0, %c0_i32 : i32, i32
  }
}

module attributes {stable_mosaic.version = 14 : i64} {
  func.func @body(%arg0: i32, %arg1: memref<8192x32xf32, #tpu.memory_space<vmem>>, %arg2: memref<8192x32xf32, #tpu.memory_space<vmem>>, %arg3: memref<1x32xf32, #tpu.memory_space<vmem>>, %arg4: memref<32x64xf32, #tpu.memory_space<vmem>>, %arg5: memref<1x64xf32, #tpu.memory_space<vmem>>, %arg6: memref<64x32xf32, #tpu.memory_space<vmem>>, %arg7: memref<1x32xf32, #tpu.memory_space<vmem>>, %arg8: memref<8192x32xf32, #tpu.memory_space<vmem>>) attributes {dimension_semantics = [#tpu.dimension_semantics<arbitrary>], iteration_bounds = array<i64: 40>, scalar_prefetch = 0 : i64, scratch_operands = 0 : i64, tpu.core_type = #tpu.core_type<tc>, window_params = [{transform_indices = @transform_0, window_bounds = array<i64: 8192, 32>}, {transform_indices = @transform_1, window_bounds = array<i64: 8192, 32>}, {pipeline_mode = #tpu.pipeline_mode<synchronous>, transform_indices = @transform_2, window_bounds = array<i64: 1, 32>}, {pipeline_mode = #tpu.pipeline_mode<synchronous>, transform_indices = @transform_3, window_bounds = array<i64: 32, 64>}, {pipeline_mode = #tpu.pipeline_mode<synchronous>, transform_indices = @transform_4, window_bounds = array<i64: 1, 64>}, {pipeline_mode = #tpu.pipeline_mode<synchronous>, transform_indices = @transform_5, window_bounds = array<i64: 64, 32>}, {pipeline_mode = #tpu.pipeline_mode<synchronous>, transform_indices = @transform_6, window_bounds = array<i64: 1, 32>}, {transform_indices = @transform_7, window_bounds = array<i64: 8192, 32>}]} {
    %get3A = arith.constant 0 : index
    %get3A_0 = arith.constant 0 : index
    %get3A_1 = vector.load %arg1[%get3A, %get3A_0] : memref<8192x32xf32, #tpu.memory_space<vmem>>, vector<8192x32xf32>
    %get3A_2 = arith.constant 0 : index
    %get3A_3 = arith.constant 0 : index
    %get3A_4 = vector.load %arg2[%get3A_2, %get3A_3] : memref<8192x32xf32, #tpu.memory_space<vmem>>, vector<8192x32xf32>
    %add3A = arith.addf %get3A_1, %get3A_4 : vector<8192x32xf32>
    %get3A_5 = arith.constant 0 : index
    %get3A_6 = arith.constant 0 : index
    %get3A_7 = vector.load %arg3[%get3A_5, %get3A_6] : memref<1x32xf32, #tpu.memory_space<vmem>>, vector<1x32xf32>
    %add3A_8 = vector.broadcast %get3A_7 : vector<1x32xf32> to vector<8192x32xf32>
    %add3A_9 = arith.addf %add3A, %add3A_8 : vector<8192x32xf32>
    %max3A = arith.constant 0.000000e+00 : f32
    %max3A_10 = vector.broadcast %max3A : f32 to vector<8192x32xf32>
    %max3A_11 = arith.maximumf %add3A_9, %max3A_10 : vector<8192x32xf32>
    %get3A_12 = arith.constant 0 : index
    %get3A_13 = arith.constant 0 : index
    %get3A_14 = vector.load %arg4[%get3A_12, %get3A_13] : memref<32x64xf32, #tpu.memory_space<vmem>>, vector<32x64xf32>
    %dot_general3A = arith.constant dense<0.000000e+00> : vector<8192x64xf32>
    %dot_general3A_15 = tpu.matmul %max3A_11, %get3A_14, %dot_general3A {dimension_numbers = #tpu.dot_dimension_numbers<[1], [0], [0], [1], [0, 0, 1, 1], [], []>, transpose_lhs_hint = false} : vector<8192x32xf32>, vector<32x64xf32>, vector<8192x64xf32> -> vector<8192x64xf32>
    %get3A_16 = arith.constant 0 : index
    %get3A_17 = arith.constant 0 : index
    %get3A_18 = vector.load %arg5[%get3A_16, %get3A_17] : memref<1x64xf32, #tpu.memory_space<vmem>>, vector<1x64xf32>
    %add3A_19 = vector.broadcast %get3A_18 : vector<1x64xf32> to vector<8192x64xf32>
    %add3A_20 = arith.addf %dot_general3A_15, %add3A_19 : vector<8192x64xf32>
    %max3A_21 = arith.constant 0.000000e+00 : f32
    %max3A_22 = vector.broadcast %max3A_21 : f32 to vector<8192x64xf32>
    %max3A_23 = arith.maximumf %add3A_20, %max3A_22 : vector<8192x64xf32>
    %get3A_24 = arith.constant 0 : index
    %get3A_25 = arith.constant 0 : index
    %get3A_26 = vector.load %arg6[%get3A_24, %get3A_25] : memref<64x32xf32, #tpu.memory_space<vmem>>, vector<64x32xf32>
    %dot_general3A_27 = arith.constant dense<0.000000e+00> : vector<8192x32xf32>
    %dot_general3A_28 = tpu.matmul %max3A_23, %get3A_26, %dot_general3A_27 {dimension_numbers = #tpu.dot_dimension_numbers<[1], [0], [0], [1], [0, 0, 1, 1], [], []>, transpose_lhs_hint = false} : vector<8192x64xf32>, vector<64x32xf32>, vector<8192x32xf32> -> vector<8192x32xf32>
    %get3A_29 = arith.constant 0 : index
    %get3A_30 = arith.constant 0 : index
    %get3A_31 = vector.load %arg7[%get3A_29, %get3A_30] : memref<1x32xf32, #tpu.memory_space<vmem>>, vector<1x32xf32>
    %add3A_32 = vector.broadcast %get3A_31 : vector<1x32xf32> to vector<8192x32xf32>
    %add3A_33 = arith.addf %dot_general3A_28, %add3A_32 : vector<8192x32xf32>
    %swap3A = arith.constant 0 : index
    %swap3A_34 = arith.constant 0 : index
    %swap3A_35 = vector.load %arg8[%swap3A, %swap3A_34] : memref<8192x32xf32, #tpu.memory_space<vmem>>, vector<8192x32xf32>
    tpu.vector_store %arg8[%swap3A, %swap3A_34], %add3A_33 {strides = array<i32>} : memref<8192x32xf32, #tpu.memory_space<vmem>>, vector<8192x32xf32>,
    return
  }
  func.func @transform_0(%arg0: i32) -> (i32, i32) {
    %c0_i32 = arith.constant 0 : i32
    %c0_i32_0 = arith.constant 0 : i32
    return %arg0, %c0_i32 : i32, i32
  }
  func.func @transform_1(%arg0: i32) -> (i32, i32) {
    %c0_i32 = arith.constant 0 : i32
    %c0_i32_0 = arith.constant 0 : i32
    return %arg0, %c0_i32 : i32, i32
  }
  func.func @transform_2(%arg0: i32) -> (i32, i32) {
    %c0_i32 = arith.constant 0 : i32
    %c0_i32_0 = arith.constant 0 : i32
    %c0_i32_1 = arith.constant 0 : i32
    return %c0_i32, %c0_i32_0 : i32, i32
  }
  func.func @transform_3(%arg0: i32) -> (i32, i32) {
    %c0_i32 = arith.constant 0 : i32
    %c0_i32_0 = arith.constant 0 : i32
    %c0_i32_1 = arith.constant 0 : i32
    return %c0_i32, %c0_i32_0 : i32, i32
  }
  func.func @transform_4(%arg0: i32) -> (i32, i32) {
    %c0_i32 = arith.constant 0 : i32
    %c0_i32_0 = arith.constant 0 : i32
    %c0_i32_1 = arith.constant 0 : i32
    return %c0_i32, %c0_i32_0 : i32, i32
  }
  func.func @transform_5(%arg0: i32) -> (i32, i32) {
    %c0_i32 = arith.constant 0 : i32
    %c0_i32_0 = arith.constant 0 : i32
    %c0_i32_1 = arith.constant 0 : i32
    return %c0_i32, %c0_i32_0 : i32, i32
  }
  func.func @transform_6(%arg0: i32) -> (i32, i32) {
    %c0_i32 = arith.constant 0 : i32
    %c0_i32_0 = arith.constant 0 : i32
    %c0_i32_1 = arith.constant 0 : i32
    return %c0_i32, %c0_i32_0 : i32, i32
  }
  func.func @transform_7(%arg0: i32) -> (i32, i32) {
    %c0_i32 = arith.constant 0 : i32
    %c0_i32_0 = arith.constant 0 : i32
    return %arg0, %c0_i32 : i32, i32
  }
}

module attributes {stable_mosaic.version = 14 : i64} {
  func.func @body(%arg0: i32, %arg1: memref<512x64xf32, #tpu.memory_space<vmem>>, %arg2: memref<512x32xf32, #tpu.memory_space<vmem>>, %arg3: memref<512x32xf32, #tpu.memory_space<vmem>>, %arg4: memref<64x32xf32, #tpu.memory_space<vmem>>, %arg5: memref<1x32xf32, #tpu.memory_space<vmem>>, %arg6: memref<32x64xf32, #tpu.memory_space<vmem>>, %arg7: memref<1x64xf32, #tpu.memory_space<vmem>>, %arg8: memref<1x64xf32, #tpu.memory_space<vmem>>, %arg9: memref<1x64xf32, #tpu.memory_space<vmem>>, %arg10: memref<64x32xf32, #tpu.memory_space<vmem>>, %arg11: memref<64x32xf32, #tpu.memory_space<vmem>>, %arg12: memref<512x64xf32, #tpu.memory_space<vmem>>, %arg13: memref<512x32xf32, #tpu.memory_space<vmem>>, %arg14: memref<512x32xf32, #tpu.memory_space<vmem>>) attributes {dimension_semantics = [#tpu.dimension_semantics<arbitrary>], iteration_bounds = array<i64: 20>, scalar_prefetch = 0 : i64, scratch_operands = 0 : i64, tpu.core_type = #tpu.core_type<tc>, window_params = [{transform_indices = @transform_0, window_bounds = array<i64: 512, 64>}, {transform_indices = @transform_1, window_bounds = array<i64: 512, 32>}, {transform_indices = @transform_2, window_bounds = array<i64: 512, 32>}, {pipeline_mode = #tpu.pipeline_mode<synchronous>, transform_indices = @transform_3, window_bounds = array<i64: 64, 32>}, {pipeline_mode = #tpu.pipeline_mode<synchronous>, transform_indices = @transform_4, window_bounds = array<i64: 1, 32>}, {pipeline_mode = #tpu.pipeline_mode<synchronous>, transform_indices = @transform_5, window_bounds = array<i64: 32, 64>}, {pipeline_mode = #tpu.pipeline_mode<synchronous>, transform_indices = @transform_6, window_bounds = array<i64: 1, 64>}, {pipeline_mode = #tpu.pipeline_mode<synchronous>, transform_indices = @transform_7, window_bounds = array<i64: 1, 64>}, {pipeline_mode = #tpu.pipeline_mode<synchronous>, transform_indices = @transform_8, window_bounds = array<i64: 1, 64>}, {pipeline_mode = #tpu.pipeline_mode<synchronous>, transform_indices = @transform_9, window_bounds = array<i64: 64, 32>}, {pipeline_mode = #tpu.pipeline_mode<synchronous>, transform_indices = @transform_10, window_bounds = array<i64: 64, 32>}, {transform_indices = @transform_11, window_bounds = array<i64: 512, 64>}, {transform_indices = @transform_12, window_bounds = array<i64: 512, 32>}, {transform_indices = @transform_13, window_bounds = array<i64: 512, 32>}]} {
    %get3A = arith.constant 0 : index
    %get3A_0 = arith.constant 0 : index
    %get3A_1 = vector.load %arg1[%get3A, %get3A_0] : memref<512x64xf32, #tpu.memory_space<vmem>>, vector<512x64xf32>
    %get3A_2 = arith.constant 0 : index
    %get3A_3 = arith.constant 0 : index
    %get3A_4 = vector.load %arg4[%get3A_2, %get3A_3] : memref<64x32xf32, #tpu.memory_space<vmem>>, vector<64x32xf32>
    %dot_general3A = arith.constant dense<0.000000e+00> : vector<512x32xf32>
    %dot_general3A_5 = tpu.matmul %get3A_1, %get3A_4, %dot_general3A {dimension_numbers = #tpu.dot_dimension_numbers<[1], [0], [0], [1], [0, 0, 1, 1], [], []>, transpose_lhs_hint = false} : vector<512x64xf32>, vector<64x32xf32>, vector<512x32xf32> -> vector<512x32xf32>
    %get3A_6 = arith.constant 0 : index
    %get3A_7 = arith.constant 0 : index
    %get3A_8 = vector.load %arg2[%get3A_6, %get3A_7] : memref<512x32xf32, #tpu.memory_space<vmem>>, vector<512x32xf32>
    %add3A = arith.addf %dot_general3A_5, %get3A_8 : vector<512x32xf32>
    %get3A_9 = arith.constant 0 : index
    %get3A_10 = arith.constant 0 : index
    %get3A_11 = vector.load %arg3[%get3A_9, %get3A_10] : memref<512x32xf32, #tpu.memory_space<vmem>>, vector<512x32xf32>
    %add3A_12 = arith.addf %add3A, %get3A_11 : vector<512x32xf32>
    %get3A_13 = arith.constant 0 : index
    %get3A_14 = arith.constant 0 : index
    %get3A_15 = vector.load %arg5[%get3A_13, %get3A_14] : memref<1x32xf32, #tpu.memory_space<vmem>>, vector<1x32xf32>
    %add3A_16 = vector.broadcast %get3A_15 : vector<1x32xf32> to vector<512x32xf32>
    %add3A_17 = arith.addf %add3A_12, %add3A_16 : vector<512x32xf32>
    %max3A = arith.constant 0.000000e+00 : f32
    %max3A_18 = vector.broadcast %max3A : f32 to vector<512x32xf32>
    %max3A_19 = arith.maximumf %add3A_17, %max3A_18 : vector<512x32xf32>
    %get3A_20 = arith.constant 0 : index
    %get3A_21 = arith.constant 0 : index
    %get3A_22 = vector.load %arg6[%get3A_20, %get3A_21] : memref<32x64xf32, #tpu.memory_space<vmem>>, vector<32x64xf32>
    %dot_general3A_23 = arith.constant dense<0.000000e+00> : vector<512x64xf32>
    %dot_general3A_24 = tpu.matmul %max3A_19, %get3A_22, %dot_general3A_23 {dimension_numbers = #tpu.dot_dimension_numbers<[1], [0], [0], [1], [0, 0, 1, 1], [], []>, transpose_lhs_hint = false} : vector<512x32xf32>, vector<32x64xf32>, vector<512x64xf32> -> vector<512x64xf32>
    %get3A_25 = arith.constant 0 : index
    %get3A_26 = arith.constant 0 : index
    %get3A_27 = vector.load %arg7[%get3A_25, %get3A_26] : memref<1x64xf32, #tpu.memory_space<vmem>>, vector<1x64xf32>
    %add3A_28 = vector.broadcast %get3A_27 : vector<1x64xf32> to vector<512x64xf32>
    %add3A_29 = arith.addf %dot_general3A_24, %add3A_28 : vector<512x64xf32>
    %max3A_30 = arith.constant 0.000000e+00 : f32
    %max3A_31 = vector.broadcast %max3A_30 : f32 to vector<512x64xf32>
    %max3A_32 = arith.maximumf %add3A_29, %max3A_31 : vector<512x64xf32>
    %get3A_33 = arith.constant 0 : index
    %get3A_34 = arith.constant 0 : index
    %get3A_35 = vector.load %arg8[%get3A_33, %get3A_34] : memref<1x64xf32, #tpu.memory_space<vmem>>, vector<1x64xf32>
    %mul3A = vector.broadcast %get3A_35 : vector<1x64xf32> to vector<512x64xf32>
    %mul3A_36 = arith.mulf %max3A_32, %mul3A : vector<512x64xf32>
    %add3A_37 = arith.addf %get3A_1, %mul3A_36 : vector<512x64xf32>
    %get3A_38 = arith.constant 0 : index
    %get3A_39 = arith.constant 0 : index
    %get3A_40 = vector.load %arg9[%get3A_38, %get3A_39] : memref<1x64xf32, #tpu.memory_space<vmem>>, vector<1x64xf32>
    %add3A_41 = vector.broadcast %get3A_40 : vector<1x64xf32> to vector<512x64xf32>
    %add3A_42 = arith.addf %add3A_37, %add3A_41 : vector<512x64xf32>
    %swap3A = arith.constant 0 : index
    %swap3A_43 = arith.constant 0 : index
    %swap3A_44 = vector.load %arg12[%swap3A, %swap3A_43] : memref<512x64xf32, #tpu.memory_space<vmem>>, vector<512x64xf32>
    tpu.vector_store %arg12[%swap3A, %swap3A_43], %add3A_42 {strides = array<i32>} : memref<512x64xf32, #tpu.memory_space<vmem>>, vector<512x64xf32>,
    %get3A_45 = arith.constant 0 : index
    %get3A_46 = arith.constant 0 : index
    %get3A_47 = vector.load %arg10[%get3A_45, %get3A_46] : memref<64x32xf32, #tpu.memory_space<vmem>>, vector<64x32xf32>
    %dot_general3A_48 = arith.constant dense<0.000000e+00> : vector<512x32xf32>
    %dot_general3A_49 = tpu.matmul %add3A_42, %get3A_47, %dot_general3A_48 {dimension_numbers = #tpu.dot_dimension_numbers<[1], [0], [0], [1], [0, 0, 1, 1], [], []>, transpose_lhs_hint = false} : vector<512x64xf32>, vector<64x32xf32>, vector<512x32xf32> -> vector<512x32xf32>
    %swap3A_50 = arith.constant 0 : index
    %swap3A_51 = arith.constant 0 : index
    %swap3A_52 = vector.load %arg13[%swap3A_50, %swap3A_51] : memref<512x32xf32, #tpu.memory_space<vmem>>, vector<512x32xf32>
    tpu.vector_store %arg13[%swap3A_50, %swap3A_51], %dot_general3A_49 {strides = array<i32>} : memref<512x32xf32, #tpu.memory_space<vmem>>, vector<512x32xf32>,
    %get3A_53 = arith.constant 0 : index
    %get3A_54 = arith.constant 0 : index
    %get3A_55 = vector.load %arg11[%get3A_53, %get3A_54] : memref<64x32xf32, #tpu.memory_space<vmem>>, vector<64x32xf32>
    %dot_general3A_56 = arith.constant dense<0.000000e+00> : vector<512x32xf32>
    %dot_general3A_57 = tpu.matmul %add3A_42, %get3A_55, %dot_general3A_56 {dimension_numbers = #tpu.dot_dimension_numbers<[1], [0], [0], [1], [0, 0, 1, 1], [], []>, transpose_lhs_hint = false} : vector<512x64xf32>, vector<64x32xf32>, vector<512x32xf32> -> vector<512x32xf32>
    %swap3A_58 = arith.constant 0 : index
    %swap3A_59 = arith.constant 0 : index
    %swap3A_60 = vector.load %arg14[%swap3A_58, %swap3A_59] : memref<512x32xf32, #tpu.memory_space<vmem>>, vector<512x32xf32>
    tpu.vector_store %arg14[%swap3A_58, %swap3A_59], %dot_general3A_57 {strides = array<i32>} : memref<512x32xf32, #tpu.memory_space<vmem>>, vector<512x32xf32>,
    return
  }
  func.func @transform_0(%arg0: i32) -> (i32, i32) {
    %c0_i32 = arith.constant 0 : i32
    %c0_i32_0 = arith.constant 0 : i32
    return %arg0, %c0_i32 : i32, i32
  }
  func.func @transform_1(%arg0: i32) -> (i32, i32) {
    %c0_i32 = arith.constant 0 : i32
    %c0_i32_0 = arith.constant 0 : i32
    return %arg0, %c0_i32 : i32, i32
  }
  func.func @transform_2(%arg0: i32) -> (i32, i32) {
    %c0_i32 = arith.constant 0 : i32
    %c0_i32_0 = arith.constant 0 : i32
    return %arg0, %c0_i32 : i32, i32
  }
  func.func @transform_3(%arg0: i32) -> (i32, i32) {
    %c0_i32 = arith.constant 0 : i32
    %c0_i32_0 = arith.constant 0 : i32
    %c0_i32_1 = arith.constant 0 : i32
    return %c0_i32, %c0_i32_0 : i32, i32
  }
  func.func @transform_4(%arg0: i32) -> (i32, i32) {
    %c0_i32 = arith.constant 0 : i32
    %c0_i32_0 = arith.constant 0 : i32
    %c0_i32_1 = arith.constant 0 : i32
    return %c0_i32, %c0_i32_0 : i32, i32
  }
  func.func @transform_5(%arg0: i32) -> (i32, i32) {
    %c0_i32 = arith.constant 0 : i32
    %c0_i32_0 = arith.constant 0 : i32
    %c0_i32_1 = arith.constant 0 : i32
    return %c0_i32, %c0_i32_0 : i32, i32
  }
  func.func @transform_6(%arg0: i32) -> (i32, i32) {
    %c0_i32 = arith.constant 0 : i32
    %c0_i32_0 = arith.constant 0 : i32
    %c0_i32_1 = arith.constant 0 : i32
    return %c0_i32, %c0_i32_0 : i32, i32
  }
  func.func @transform_7(%arg0: i32) -> (i32, i32) {
    %c0_i32 = arith.constant 0 : i32
    %c0_i32_0 = arith.constant 0 : i32
    %c0_i32_1 = arith.constant 0 : i32
    return %c0_i32, %c0_i32_0 : i32, i32
  }
  func.func @transform_8(%arg0: i32) -> (i32, i32) {
    %c0_i32 = arith.constant 0 : i32
    %c0_i32_0 = arith.constant 0 : i32
    %c0_i32_1 = arith.constant 0 : i32
    return %c0_i32, %c0_i32_0 : i32, i32
  }
  func.func @transform_9(%arg0: i32) -> (i32, i32) {
    %c0_i32 = arith.constant 0 : i32
    %c0_i32_0 = arith.constant 0 : i32
    %c0_i32_1 = arith.constant 0 : i32
    return %c0_i32, %c0_i32_0 : i32, i32
  }
  func.func @transform_10(%arg0: i32) -> (i32, i32) {
    %c0_i32 = arith.constant 0 : i32
    %c0_i32_0 = arith.constant 0 : i32
    %c0_i32_1 = arith.constant 0 : i32
    return %c0_i32, %c0_i32_0 : i32, i32
  }
  func.func @transform_11(%arg0: i32) -> (i32, i32) {
    %c0_i32 = arith.constant 0 : i32
    %c0_i32_0 = arith.constant 0 : i32
    return %arg0, %c0_i32 : i32, i32
  }
  func.func @transform_12(%arg0: i32) -> (i32, i32) {
    %c0_i32 = arith.constant 0 : i32
    %c0_i32_0 = arith.constant 0 : i32
    return %arg0, %c0_i32 : i32, i32
  }
  func.func @transform_13(%arg0: i32) -> (i32, i32) {
    %c0_i32 = arith.constant 0 : i32
    %c0_i32_0 = arith.constant 0 : i32
    return %arg0, %c0_i32 : i32, i32
  }
}

module attributes {stable_mosaic.version = 14 : i64} {
  func.func @body(%arg0: i32, %arg1: memref<512x64xf32, #tpu.memory_space<vmem>>, %arg2: memref<512x32xf32, #tpu.memory_space<vmem>>, %arg3: memref<512x32xf32, #tpu.memory_space<vmem>>, %arg4: memref<64x32xf32, #tpu.memory_space<vmem>>, %arg5: memref<1x32xf32, #tpu.memory_space<vmem>>, %arg6: memref<32x64xf32, #tpu.memory_space<vmem>>, %arg7: memref<1x64xf32, #tpu.memory_space<vmem>>, %arg8: memref<1x64xf32, #tpu.memory_space<vmem>>, %arg9: memref<1x64xf32, #tpu.memory_space<vmem>>, %arg10: memref<64x32xf32, #tpu.memory_space<vmem>>, %arg11: memref<64x32xf32, #tpu.memory_space<vmem>>, %arg12: memref<512x64xf32, #tpu.memory_space<vmem>>, %arg13: memref<512x32xf32, #tpu.memory_space<vmem>>, %arg14: memref<512x32xf32, #tpu.memory_space<vmem>>) attributes {dimension_semantics = [#tpu.dimension_semantics<arbitrary>], iteration_bounds = array<i64: 20>, scalar_prefetch = 0 : i64, scratch_operands = 0 : i64, tpu.core_type = #tpu.core_type<tc>, window_params = [{transform_indices = @transform_0, window_bounds = array<i64: 512, 64>}, {transform_indices = @transform_1, window_bounds = array<i64: 512, 32>}, {transform_indices = @transform_2, window_bounds = array<i64: 512, 32>}, {pipeline_mode = #tpu.pipeline_mode<synchronous>, transform_indices = @transform_3, window_bounds = array<i64: 64, 32>}, {pipeline_mode = #tpu.pipeline_mode<synchronous>, transform_indices = @transform_4, window_bounds = array<i64: 1, 32>}, {pipeline_mode = #tpu.pipeline_mode<synchronous>, transform_indices = @transform_5, window_bounds = array<i64: 32, 64>}, {pipeline_mode = #tpu.pipeline_mode<synchronous>, transform_indices = @transform_6, window_bounds = array<i64: 1, 64>}, {pipeline_mode = #tpu.pipeline_mode<synchronous>, transform_indices = @transform_7, window_bounds = array<i64: 1, 64>}, {pipeline_mode = #tpu.pipeline_mode<synchronous>, transform_indices = @transform_8, window_bounds = array<i64: 1, 64>}, {pipeline_mode = #tpu.pipeline_mode<synchronous>, transform_indices = @transform_9, window_bounds = array<i64: 64, 32>}, {pipeline_mode = #tpu.pipeline_mode<synchronous>, transform_indices = @transform_10, window_bounds = array<i64: 64, 32>}, {transform_indices = @transform_11, window_bounds = array<i64: 512, 64>}, {transform_indices = @transform_12, window_bounds = array<i64: 512, 32>}, {transform_indices = @transform_13, window_bounds = array<i64: 512, 32>}]} {
    %get3A = arith.constant 0 : index
    %get3A_0 = arith.constant 0 : index
    %get3A_1 = vector.load %arg1[%get3A, %get3A_0] : memref<512x64xf32, #tpu.memory_space<vmem>>, vector<512x64xf32>
    %get3A_2 = arith.constant 0 : index
    %get3A_3 = arith.constant 0 : index
    %get3A_4 = vector.load %arg4[%get3A_2, %get3A_3] : memref<64x32xf32, #tpu.memory_space<vmem>>, vector<64x32xf32>
    %dot_general3A = arith.constant dense<0.000000e+00> : vector<512x32xf32>
    %dot_general3A_5 = tpu.matmul %get3A_1, %get3A_4, %dot_general3A {dimension_numbers = #tpu.dot_dimension_numbers<[1], [0], [0], [1], [0, 0, 1, 1], [], []>, transpose_lhs_hint = false} : vector<512x64xf32>, vector<64x32xf32>, vector<512x32xf32> -> vector<512x32xf32>
    %get3A_6 = arith.constant 0 : index
    %get3A_7 = arith.constant 0 : index
    %get3A_8 = vector.load %arg2[%get3A_6, %get3A_7] : memref<512x32xf32, #tpu.memory_space<vmem>>, vector<512x32xf32>
    %add3A = arith.addf %dot_general3A_5, %get3A_8 : vector<512x32xf32>
    %get3A_9 = arith.constant 0 : index
    %get3A_10 = arith.constant 0 : index
    %get3A_11 = vector.load %arg3[%get3A_9, %get3A_10] : memref<512x32xf32, #tpu.memory_space<vmem>>, vector<512x32xf32>
    %add3A_12 = arith.addf %add3A, %get3A_11 : vector<512x32xf32>
    %get3A_13 = arith.constant 0 : index
    %get3A_14 = arith.constant 0 : index
    %get3A_15 = vector.load %arg5[%get3A_13, %get3A_14] : memref<1x32xf32, #tpu.memory_space<vmem>>, vector<1x32xf32>
    %add3A_16 = vector.broadcast %get3A_15 : vector<1x32xf32> to vector<512x32xf32>
    %add3A_17 = arith.addf %add3A_12, %add3A_16 : vector<512x32xf32>
    %max3A = arith.constant 0.000000e+00 : f32
    %max3A_18 = vector.broadcast %max3A : f32 to vector<512x32xf32>
    %max3A_19 = arith.maximumf %add3A_17, %max3A_18 : vector<512x32xf32>
    %get3A_20 = arith.constant 0 : index
    %get3A_21 = arith.constant 0 : index
    %get3A_22 = vector.load %arg6[%get3A_20, %get3A_21] : memref<32x64xf32, #tpu.memory_space<vmem>>, vector<32x64xf32>
    %dot_general3A_23 = arith.constant dense<0.000000e+00> : vector<512x64xf32>
    %dot_general3A_24 = tpu.matmul %max3A_19, %get3A_22, %dot_general3A_23 {dimension_numbers = #tpu.dot_dimension_numbers<[1], [0], [0], [1], [0, 0, 1, 1], [], []>, transpose_lhs_hint = false} : vector<512x32xf32>, vector<32x64xf32>, vector<512x64xf32> -> vector<512x64xf32>
    %get3A_25 = arith.constant 0 : index
    %get3A_26 = arith.constant 0 : index
    %get3A_27 = vector.load %arg7[%get3A_25, %get3A_26] : memref<1x64xf32, #tpu.memory_space<vmem>>, vector<1x64xf32>
    %add3A_28 = vector.broadcast %get3A_27 : vector<1x64xf32> to vector<512x64xf32>
    %add3A_29 = arith.addf %dot_general3A_24, %add3A_28 : vector<512x64xf32>
    %max3A_30 = arith.constant 0.000000e+00 : f32
    %max3A_31 = vector.broadcast %max3A_30 : f32 to vector<512x64xf32>
    %max3A_32 = arith.maximumf %add3A_29, %max3A_31 : vector<512x64xf32>
    %get3A_33 = arith.constant 0 : index
    %get3A_34 = arith.constant 0 : index
    %get3A_35 = vector.load %arg8[%get3A_33, %get3A_34] : memref<1x64xf32, #tpu.memory_space<vmem>>, vector<1x64xf32>
    %mul3A = vector.broadcast %get3A_35 : vector<1x64xf32> to vector<512x64xf32>
    %mul3A_36 = arith.mulf %max3A_32, %mul3A : vector<512x64xf32>
    %add3A_37 = arith.addf %get3A_1, %mul3A_36 : vector<512x64xf32>
    %get3A_38 = arith.constant 0 : index
    %get3A_39 = arith.constant 0 : index
    %get3A_40 = vector.load %arg9[%get3A_38, %get3A_39] : memref<1x64xf32, #tpu.memory_space<vmem>>, vector<1x64xf32>
    %add3A_41 = vector.broadcast %get3A_40 : vector<1x64xf32> to vector<512x64xf32>
    %add3A_42 = arith.addf %add3A_37, %add3A_41 : vector<512x64xf32>
    %swap3A = arith.constant 0 : index
    %swap3A_43 = arith.constant 0 : index
    %swap3A_44 = vector.load %arg12[%swap3A, %swap3A_43] : memref<512x64xf32, #tpu.memory_space<vmem>>, vector<512x64xf32>
    tpu.vector_store %arg12[%swap3A, %swap3A_43], %add3A_42 {strides = array<i32>} : memref<512x64xf32, #tpu.memory_space<vmem>>, vector<512x64xf32>,
    %get3A_45 = arith.constant 0 : index
    %get3A_46 = arith.constant 0 : index
    %get3A_47 = vector.load %arg10[%get3A_45, %get3A_46] : memref<64x32xf32, #tpu.memory_space<vmem>>, vector<64x32xf32>
    %dot_general3A_48 = arith.constant dense<0.000000e+00> : vector<512x32xf32>
    %dot_general3A_49 = tpu.matmul %add3A_42, %get3A_47, %dot_general3A_48 {dimension_numbers = #tpu.dot_dimension_numbers<[1], [0], [0], [1], [0, 0, 1, 1], [], []>, transpose_lhs_hint = false} : vector<512x64xf32>, vector<64x32xf32>, vector<512x32xf32> -> vector<512x32xf32>
    %swap3A_50 = arith.constant 0 : index
    %swap3A_51 = arith.constant 0 : index
    %swap3A_52 = vector.load %arg13[%swap3A_50, %swap3A_51] : memref<512x32xf32, #tpu.memory_space<vmem>>, vector<512x32xf32>
    tpu.vector_store %arg13[%swap3A_50, %swap3A_51], %dot_general3A_49 {strides = array<i32>} : memref<512x32xf32, #tpu.memory_space<vmem>>, vector<512x32xf32>,
    %get3A_53 = arith.constant 0 : index
    %get3A_54 = arith.constant 0 : index
    %get3A_55 = vector.load %arg11[%get3A_53, %get3A_54] : memref<64x32xf32, #tpu.memory_space<vmem>>, vector<64x32xf32>
    %dot_general3A_56 = arith.constant dense<0.000000e+00> : vector<512x32xf32>
    %dot_general3A_57 = tpu.matmul %add3A_42, %get3A_55, %dot_general3A_56 {dimension_numbers = #tpu.dot_dimension_numbers<[1], [0], [0], [1], [0, 0, 1, 1], [], []>, transpose_lhs_hint = false} : vector<512x64xf32>, vector<64x32xf32>, vector<512x32xf32> -> vector<512x32xf32>
    %swap3A_58 = arith.constant 0 : index
    %swap3A_59 = arith.constant 0 : index
    %swap3A_60 = vector.load %arg14[%swap3A_58, %swap3A_59] : memref<512x32xf32, #tpu.memory_space<vmem>>, vector<512x32xf32>
    tpu.vector_store %arg14[%swap3A_58, %swap3A_59], %dot_general3A_57 {strides = array<i32>} : memref<512x32xf32, #tpu.memory_space<vmem>>, vector<512x32xf32>,
    return
  }
  func.func @transform_0(%arg0: i32) -> (i32, i32) {
    %c0_i32 = arith.constant 0 : i32
    %c0_i32_0 = arith.constant 0 : i32
    return %arg0, %c0_i32 : i32, i32
  }
  func.func @transform_1(%arg0: i32) -> (i32, i32) {
    %c0_i32 = arith.constant 0 : i32
    %c0_i32_0 = arith.constant 0 : i32
    return %arg0, %c0_i32 : i32, i32
  }
  func.func @transform_2(%arg0: i32) -> (i32, i32) {
    %c0_i32 = arith.constant 0 : i32
    %c0_i32_0 = arith.constant 0 : i32
    return %arg0, %c0_i32 : i32, i32
  }
  func.func @transform_3(%arg0: i32) -> (i32, i32) {
    %c0_i32 = arith.constant 0 : i32
    %c0_i32_0 = arith.constant 0 : i32
    %c0_i32_1 = arith.constant 0 : i32
    return %c0_i32, %c0_i32_0 : i32, i32
  }
  func.func @transform_4(%arg0: i32) -> (i32, i32) {
    %c0_i32 = arith.constant 0 : i32
    %c0_i32_0 = arith.constant 0 : i32
    %c0_i32_1 = arith.constant 0 : i32
    return %c0_i32, %c0_i32_0 : i32, i32
  }
  func.func @transform_5(%arg0: i32) -> (i32, i32) {
    %c0_i32 = arith.constant 0 : i32
    %c0_i32_0 = arith.constant 0 : i32
    %c0_i32_1 = arith.constant 0 : i32
    return %c0_i32, %c0_i32_0 : i32, i32
  }
  func.func @transform_6(%arg0: i32) -> (i32, i32) {
    %c0_i32 = arith.constant 0 : i32
    %c0_i32_0 = arith.constant 0 : i32
    %c0_i32_1 = arith.constant 0 : i32
    return %c0_i32, %c0_i32_0 : i32, i32
  }
  func.func @transform_7(%arg0: i32) -> (i32, i32) {
    %c0_i32 = arith.constant 0 : i32
    %c0_i32_0 = arith.constant 0 : i32
    %c0_i32_1 = arith.constant 0 : i32
    return %c0_i32, %c0_i32_0 : i32, i32
  }
  func.func @transform_8(%arg0: i32) -> (i32, i32) {
    %c0_i32 = arith.constant 0 : i32
    %c0_i32_0 = arith.constant 0 : i32
    %c0_i32_1 = arith.constant 0 : i32
    return %c0_i32, %c0_i32_0 : i32, i32
  }
  func.func @transform_9(%arg0: i32) -> (i32, i32) {
    %c0_i32 = arith.constant 0 : i32
    %c0_i32_0 = arith.constant 0 : i32
    %c0_i32_1 = arith.constant 0 : i32
    return %c0_i32, %c0_i32_0 : i32, i32
  }
  func.func @transform_10(%arg0: i32) -> (i32, i32) {
    %c0_i32 = arith.constant 0 : i32
    %c0_i32_0 = arith.constant 0 : i32
    %c0_i32_1 = arith.constant 0 : i32
    return %c0_i32, %c0_i32_0 : i32, i32
  }
  func.func @transform_11(%arg0: i32) -> (i32, i32) {
    %c0_i32 = arith.constant 0 : i32
    %c0_i32_0 = arith.constant 0 : i32
    return %arg0, %c0_i32 : i32, i32
  }
  func.func @transform_12(%arg0: i32) -> (i32, i32) {
    %c0_i32 = arith.constant 0 : i32
    %c0_i32_0 = arith.constant 0 : i32
    return %arg0, %c0_i32 : i32, i32
  }
  func.func @transform_13(%arg0: i32) -> (i32, i32) {
    %c0_i32 = arith.constant 0 : i32
    %c0_i32_0 = arith.constant 0 : i32
    return %arg0, %c0_i32 : i32, i32
  }
}

module attributes {stable_mosaic.version = 14 : i64} {
  func.func @body(%arg0: i32, %arg1: memref<512x64xf32, #tpu.memory_space<vmem>>, %arg2: memref<64x7xf32, #tpu.memory_space<vmem>>, %arg3: memref<1x7xf32, #tpu.memory_space<vmem>>, %arg4: memref<512x7xf32, #tpu.memory_space<vmem>>) attributes {dimension_semantics = [#tpu.dimension_semantics<arbitrary>], iteration_bounds = array<i64: 20>, scalar_prefetch = 0 : i64, scratch_operands = 0 : i64, tpu.core_type = #tpu.core_type<tc>, window_params = [{transform_indices = @transform_0, window_bounds = array<i64: 512, 64>}, {pipeline_mode = #tpu.pipeline_mode<synchronous>, transform_indices = @transform_1, window_bounds = array<i64: 64, 7>}, {pipeline_mode = #tpu.pipeline_mode<synchronous>, transform_indices = @transform_2, window_bounds = array<i64: 1, 7>}, {transform_indices = @transform_3, window_bounds = array<i64: 512, 7>}]} {
    %get3A = arith.constant 0 : index
    %get3A_0 = arith.constant 0 : index
    %get3A_1 = vector.load %arg1[%get3A, %get3A_0] : memref<512x64xf32, #tpu.memory_space<vmem>>, vector<512x64xf32>
    %get3A_2 = arith.constant 0 : index
    %get3A_3 = arith.constant 0 : index
    %get3A_4 = vector.load %arg2[%get3A_2, %get3A_3] : memref<64x7xf32, #tpu.memory_space<vmem>>, vector<64x7xf32>
    %dot_general3A = arith.constant dense<0.000000e+00> : vector<512x7xf32>
    %dot_general3A_5 = tpu.matmul %get3A_1, %get3A_4, %dot_general3A {dimension_numbers = #tpu.dot_dimension_numbers<[1], [0], [0], [1], [0, 0, 1, 1], [], []>, transpose_lhs_hint = false} : vector<512x64xf32>, vector<64x7xf32>, vector<512x7xf32> -> vector<512x7xf32>
    %get3A_6 = arith.constant 0 : index
    %get3A_7 = arith.constant 0 : index
    %get3A_8 = vector.load %arg3[%get3A_6, %get3A_7] : memref<1x7xf32, #tpu.memory_space<vmem>>, vector<1x7xf32>
    %add3A = vector.broadcast %get3A_8 : vector<1x7xf32> to vector<512x7xf32>
    %add3A_9 = arith.addf %dot_general3A_5, %add3A : vector<512x7xf32>
    %swap3A = arith.constant 0 : index
    %swap3A_10 = arith.constant 0 : index
    %swap3A_11 = vector.load %arg4[%swap3A, %swap3A_10] : memref<512x7xf32, #tpu.memory_space<vmem>>, vector<512x7xf32>
    tpu.vector_store %arg4[%swap3A, %swap3A_10], %add3A_9 {strides = array<i32>} : memref<512x7xf32, #tpu.memory_space<vmem>>, vector<512x7xf32>,
    return
  }
  func.func @transform_0(%arg0: i32) -> (i32, i32) {
    %c0_i32 = arith.constant 0 : i32
    %c0_i32_0 = arith.constant 0 : i32
    return %arg0, %c0_i32 : i32, i32
  }
  func.func @transform_1(%arg0: i32) -> (i32, i32) {
    %c0_i32 = arith.constant 0 : i32
    %c0_i32_0 = arith.constant 0 : i32
    %c0_i32_1 = arith.constant 0 : i32
    return %c0_i32, %c0_i32_0 : i32, i32
  }
  func.func @transform_2(%arg0: i32) -> (i32, i32) {
    %c0_i32 = arith.constant 0 : i32
    %c0_i32_0 = arith.constant 0 : i32
    %c0_i32_1 = arith.constant 0 : i32
    return %c0_i32, %c0_i32_0 : i32, i32
  }
  func.func @transform_3(%arg0: i32) -> (i32, i32) {
    %c0_i32 = arith.constant 0 : i32
    %c0_i32_0 = arith.constant 0 : i32
    return %arg0, %c0_i32 : i32, i32
  }
}

</mosaic_0001>

<sc_bundles>
// kernel: kernel.16.cloned.1.call-start
scs
__scs_entry_jumppad:
0x0: {  	(pc) =	sbr.rel $0x88, $3  }
0x1: {  	(tag) =	ssettag $0x0;
	lr =	simm.s32 $0x1  }
0x2: {  	[smem:$0x3F6B] =	sst lr;
	_ =	strace $0xD0000000  }
0x3: {  	_ = 	snop  }
0x4: {  	_ = 	snop  }
0x5: {  	_ = 	snop  }
0x6: {  	_ = 	snop  }
0x7: {  	_ = 	snop  }
__scs_overlays_trampoline_lowered:
0x8: {  	[smem:$0x3F7A] =	sst s0  }
0x9: {  	[smem:$0x3F7B] =	sst s1  }
0xa: {  	[smem:$0x3F7C] =	sst s2  }
0xb: {  	[smem:$0x3F7D] =	sst s3  }
0xc: {  	[smem:$0x3F7E] =	sst s4  }
0xd: {  	[smem:$0x3F7F] =	sst s5  }
0xe: {  	[smem:$0x3F80] =	sst s6  }
0xf: {  	[smem:$0x3F81] =	sst s7  }
0x10: {  	[smem:$0x3F82] =	sst s8  }
0x11: {  	[smem:$0x3F83] =	sst s9;
	s0 =	simm.s32 @!p0 $0x0  }
0x12: {  	s1 =	sld [smem:$0x3F69];
	s0 =	simm.s32 @p0 $0x1  }
0x13: {  	[smem:$0x3F84] =	sst s0;
	s0 =	simm.s32 @!p1 $0x0  }
0x14: {  	s2 =	sld [smem:$0x3F68];
	s0 =	simm.s32 @p1 $0x1  }
0x15: {  	[smem:$0x3F85] =	sst s0;
	s0 =	simm.s32 @!p2 $0x0  }
0x16: {  	s3 =	sld [smem:$0x3FDB];
	s0 =	simm.s32 @p2 $0x1  }
0x17: {  	s4 =	simm.s32 $0x1BF5;
	[smem:$0x3F87] =	sst s0  }
0x18: {  	s0 =	sld [smem:$0x3F6A];
	_ =	swait.ge [sflag:s4], $0x0  }
0x19: {  	s7 =	sld [smem:$0x3F6B]  }
0x1a: {  	s8 =	sadd.s32 $0xFFFFE003, lr  }
0x1b: {  	s9 =	sadd.s32 $0xFFFFFEF7, lr;
	s5 =	simm.s32 $0xFFFFFFFF;
	p2 =	slt.u32 s8, $0xFFFFF086  }
0x1c: {  	p1 =	slt.u32 s9, $0xF7A;
	s5 =	simm.s32 @!p2 $0x0  }
0x1d: {  	s5 =	simm.s32 @p1 $0x1;
	p0 =	seq.s32 s7, s2  }
0x1e: {  	s7 =	smul.u32 @!p0 $0xF7A, s2;
	p2 =	seq.s32 @!p0 s5, $0x0  }
0x1f: {  	s9 =	smul.u32 $0xF7A, s1;
	s8 =	simm.s32 @!p0 $0x1BF5;
	p2 =	por !p2, p0  }
0x20: {  	[sflag:s8] =	ssyncset.s32 @!p0 $0xFFFFF086;
	s6 =	sadd.s32 @!p0 s3, s7;
	s7 =	simm.s32 @!p0 $0x108  }
0x21: {  	s3 =	sadd.s32 s3, s9;
	s6 =	sadd.s32 @!p0 $0x88, s6;
	s7 =	simm.s32 @p2 $0x1082  }
0x22: {  	[simem:s7], [sflag:s8] =	dma.local @!p0 [hbm:s6], $0xF7A  }
0x23: {  	s9 =	sor.u32 $0xD0000000, s2;
	s6 =	simm.s32 $0x108;
	_ =	swait.ge @!p0 [sflag:s8], $0x0  }
0x24: {  	s3 =	sadd.s32 $0x88, s3;
	s6 =	simm.s32 @!p1 $0x1082;
	[sflag:s4] =	ssyncset.s32 $0xFFFFF086  }
0x25: {  	[simem:s6], [sflag:s4] =	dma.local [hbm:s3], $0xF7A  }
0x26: {  	[smem:$0x3F6B] =	sst s1;
	(tag) =	ssettag s2;
	_ =	strace s9  }
0x27: {  	s1 =	sld [smem:$0x3F7B]  }
0x28: {  	s2 =	sld [smem:$0x3F7C]  }
0x29: {  	s4 =	sld [smem:$0x3F7E]  }
0x2a: {  	p0 =	seq.s32 s5, $0x0;
	s5 =	sld [smem:$0x3F7F]  }
0x2b: {  	s6 =	sld [smem:$0x3F80]  }
0x2c: {  	s7 =	sld [smem:$0x3F81]  }
0x2d: {  	s3 =	simm.s32 $0x108;
	s8 =	sld [smem:$0x3F82]  }
0x2e: {  	s3 =	simm.s32 @!p0 $0x1082;
	s9 =	sld [smem:$0x3F83]  }
0x2f: {  	lr =	sadd.s32 s0, s3;
	s0 =	sld [smem:$0x3F7A]  }
0x30: {  	s3 =	sld [smem:$0x3F7D]  }
0x31: {  	[smem:$0x3F86] =	sst s10  }
0x32: {  	s10 =	sld [smem:$0x3F84];
	_ =	sdelay $0x3  }
0x33: {  	p0 =	seq.s32 s10, $0x1;
	s10 =	sld [smem:$0x3F86];
	_ =	sdelay $0x3  }
0x34: {  	[smem:$0x3F86] =	sst s10  }
0x35: {  	s10 =	sld [smem:$0x3F85];
	_ =	sdelay $0x3  }
0x36: {  	p1 =	seq.s32 s10, $0x1;
	s10 =	sld [smem:$0x3F86];
	_ =	sdelay $0x3  }
0x37: {  	[smem:$0x3F86] =	sst s10  }
0x38: {  	s10 =	sld [smem:$0x3F87]  }
0x39: {  	_ = 	snop;
	(pc) =	sbr.ind lr, $3  }
0x3a: {  	_ = 	snop  }
0x3b: {  	_ = 	snop  }
0x3c: {  	p2 =	seq.s32 s10, $0x1;
	s10 =	sld [smem:$0x3F86]  }
0x3d: {  	_ =	shalt  }
0x3e: {  	_ =	shalt  }
0x3f: {  	_ =	shalt  }
0x40: {  	_ =	shalt  }
0x41: {  	_ =	shalt  }
0x42: {  	_ =	shalt  }
0x43: {  	_ =	shalt  }
0x44: {  	_ =	shalt  }
0x45: {  	_ =	shalt  }
0x46: {  	_ =	shalt  }
0x47: {  	_ =	shalt  }
0x48: {  	_ =	shalt  }
0x49: {  	_ =	shalt  }
0x4a: {  	_ =	shalt  }
0x4b: {  	_ =	shalt  }
0x4c: {  	_ =	shalt  }
0x4d: {  	_ =	shalt  }
0x4e: {  	_ =	shalt  }
0x4f: {  	_ =	shalt  }
0x50: {  	_ =	shalt  }
0x51: {  	_ =	shalt  }
0x52: {  	_ =	shalt  }
0x53: {  	_ =	shalt  }
0x54: {  	_ =	shalt  }
0x55: {  	_ =	shalt  }
0x56: {  	_ =	shalt  }
0x57: {  	_ =	shalt  }
0x58: {  	_ =	shalt  }
0x59: {  	_ =	shalt  }
0x5a: {  	_ =	shalt  }
0x5b: {  	_ =	shalt  }
0x5c: {  	_ =	shalt  }
0x5d: {  	_ =	shalt  }
0x5e: {  	_ =	shalt  }
0x5f: {  	_ =	shalt  }
0x60: {  	_ =	shalt  }
0x61: {  	_ =	shalt  }
0x62: {  	_ =	shalt  }
0x63: {  	_ =	shalt  }
0x64: {  	_ =	shalt  }
0x65: {  	_ =	shalt  }
0x66: {  	_ =	shalt  }
0x67: {  	_ =	shalt  }
0x68: {  	_ =	shalt  }
0x69: {  	_ =	shalt  }
0x6a: {  	_ =	shalt  }
0x6b: {  	_ =	shalt  }
0x6c: {  	_ =	shalt  }
0x6d: {  	_ =	shalt  }
0x6e: {  	_ =	shalt  }
0x6f: {  	_ =	shalt  }
0x70: {  	_ =	shalt  }
0x71: {  	_ =	shalt  }
0x72: {  	_ =	shalt  }
0x73: {  	_ =	shalt  }
0x74: {  	_ =	shalt  }
0x75: {  	_ =	shalt  }
0x76: {  	_ =	shalt  }
0x77: {  	_ =	shalt  }
0x78: {  	_ =	shalt  }
0x79: {  	_ =	shalt  }
0x7a: {  	_ =	shalt  }
0x7b: {  	_ =	shalt  }
0x7c: {  	_ =	shalt  }
0x7d: {  	_ =	shalt  }
0x7e: {  	_ =	shalt  }
0x7f: {  	_ =	shalt  }
0x80: {  	_ =	shalt  }
0x81: {  	_ =	shalt  }
0x82: {  	_ =	shalt  }
0x83: {  	_ =	shalt  }
0x84: {  	_ =	shalt  }
0x85: {  	_ =	shalt  }
0x86: {  	_ =	shalt  }
0x87: {  	_ =	shalt  }
.Lfunc_end0:
.L_simem_size_0:
called_computation_lowered:
.L_overlay_start_0:
0x88: {  	s2 =	sld [smem:$0x3FD9]  }
0x89: {  	s3 =	sld [smem:$0x3FFE];
	_ =	sdelay $0x1  }
0x8a: {  	s1 =	srdreg.scid  }
0x8b: {  	s0 =	sand.u32 $0x1, s1  }
0x8c: {  	s16 =	sshll.u32 s0, $0xA;
	s2 =	sadd.s32 s3, s2  }
0x8d: {  	s2 =	sadd.s32 s2, s16  }
0x8e: {  	[smem:$0x3F92] =	sst s2  }
0x8f: {  	_ = 	snop  }
0x90: {  	(tm) =	ssettm $0x1  }
0x91: {  	s17 =	sld [smem:$0x3FFB];
	_ =	sdelay $0x3  }
0x92: {  	_ =	strace s17  }
0x93: {  	s2 =	sld [smem:$0x3FFC];
	_ =	sdelay $0x3  }
0x94: {  	_ =	strace s2  }
0x95: {  	s2 =	sld [smem:$0x3FFD];
	_ =	sdelay $0x3  }
0x96: {  	_ =	strace s2  }
0x97: {  	_ =	strace $0x8FFFFFFF  }
0x98: {  	s18 =	sld [smem:$0x3FDB];
	_ =	sdelay $0x1  }
0x99: {  	s19 =	simm.s32 $_scs_section_size  }
0x9a: {  	s4 =	simm.s32 $_size__tile_overlayer_lowered;
	s5 =	simm.s32 $_tile_overlayer_lowered  }
0x9b: {  	s22 =	simm.s32 $0x1BFF;
	s21 =	sshll.u32 s5, $0x1;
	s2 =	sadd.s32 s19, s18  }
0x9c: {  	s6 =	simm.s32 $0x0;
	s20 =	sshll.u32 s4, $0x1;
	s4 =	sadd.s32 s21, s2  }
0x9d: {  	[timem:s6], [sflag:s22] =	dma.local [hbm:s4], s20  }
0x9e: {  	_ =	swait.ge [sflag:s22], s20  }
0x9f: {  	s3 =	ssub.s32 $0x0, s20;
	[sflag:s22] =	ssyncset.done $0x0  }
0xa0: {  	[sflag:s22] =	ssyncadd.s32 s3;
	_ =	sdelay $0x1  }
0xa1: {  	s23 =	simm.s32 $0x1B8B  }
0xa2: {  	_ =	swait.ge [sflag:s23], $0x1  }
0xa3: {  	[sflag:s23] =	ssyncset.done $0x0  }
0xa4: {  	s25 =	simm.s32 $0x1B8E;
	s24 =	sld [smem:$0x3FFE];
	[sflag:s23] =	ssyncadd.s32 $0xFFFFFFFF  }
0xa5: {  	s26 =	simm.s32 $execute0_lowered;
	[smem:$0x3FD2] =	sst s25  }
0xa6: {  	s4 =	sshll.u32 s26, $0x1;
	_ =	strace $0x80000046;
	[dreg:$0x1] =	wrdreg $0xFFFFFFFF  }
0xa7: {  	s28 =	simm.s32 $_size_execute0_lowered;
	s2 =	sadd.s32 s2, s4;
	[dreg:$0x0] =	wrdreg $0x0  }
0xa8: {  	s4 =	sshll.u32 s28, $0x1;
	[dreg:$0x2] =	wrdreg s2  }
0xa9: {  	[dreg:$0x3] =	wrdreg s4  }
0xaa: {  	[dreg:$0x4] =	wrdreg $0xC0  }
0xab: {  	_ =	task [dreg:s6], $0x5FFFF  }
0xac: {  	[dreg:$0x1] =	wrdreg $0xFFFFFFFF  }
0xad: {  	[dreg:$0x0] =	wrdreg $0x60  }
0xae: {  	[dreg:$0x2] =	wrdreg s24  }
0xaf: {  	[dreg:$0x3] =	wrdreg $0x9  }
0xb0: {  	_ =	task.clear_ibuf [dreg:s6], $0x4FFFF;
	_ =	strace $0x90000046  }
0xb1: {  	s29 =	simm.s32 $0x9;
	_ =	strace $0x80000048  }
0xb2: {  	_ =	swait.ge [sflag:s29], $0x1  }
0xb3: {  	[sflag:s29] =	ssyncadd.s32 $0xFFFFFFFF  }
0xb4: {  	_ =	strace $0x90000048  }
0xb5: {  	_ =	sfence  }
0xb6: {  	s30 =	sld [smem:$0x0];
	_ =	sdelay $0x2  }
0xb7: {  	s31 =	sshll.u32 s1, $0xD;
	s1 =	sshrl.u32 s1, $0x2  }
0xb8: {  	s3 =	sand.u32 $0x4000, s31;
	s1 =	sadd.s32 s1, s30  }
0xb9: {  	s0 =	sor.u32 s3, s0;
	s1 =	sshll.u32 s1, $0x11  }
0xba: {  	s0 =	sor.u32 s1, s0  }
0xbb: {  	s0 =	sadd.s32 $0x8F2B, s0  }
0xbc: {  	[sflag:s0] =	ssyncadd.remote.s32 $0x1  }
0xbd: {  	_ =	sfence.sel $0xFFFF  }
0xbe: {  	[dreg:$0x0] =	wrdreg $0xFFFFFFFF;
	(pc) =	sbr.abs _section_cstart, $3  }
0xbf: {  	[dreg:$0x1] =	wrdreg $0xFFFFFFFF  }
0xc0: {  	_ =	task.clear_ibuf [dreg:s6], $0x2FFFF;
	_ =	strace $0x9FFFFFFF  }
0xc1: {  	(tm) =	ssettm $0x7FFFFFFF  }
tec
execute0_lowered:
.L_overlay_start_1:
0x0: {  	(tag) =	ssettag $0x1  }
0x1: {  	s5 =	rddreg [dreg:$0x0]  }
0x2: {  	s0 =	rddreg [dreg:$0x1]  }
0x3: {  	s3 =	srdreg.scid;
	s1 =	stileid.u32;
	s2 =	simm.s32 $0x0  }
0x4: {  	s11 =	simm.s32 $0x2800;
	s12 =	simm.s32 $0x80;
	s13 =	simm.s32 $0x5000  }
0x5: {  	s14 =	simm.s32 $0x6000;
	s15 =	simm.s32 $0x1;
	s16 =	simm.s32 $0x2  }
0x6: {  	s17 =	simm.s32 $0x0;
	s6 =	sand.u32 $0x1, s3;
	s30 =	sshll.u32 s1, $0x1  }
0x7: {  	[smem:$0x7FF] =	sst s2;
	s8 =	smul.u32 $0x14000, s1;
	s3 =	sor.u32 s6, s30  }
0x8: {  	s4 =	sadd.s32 $0x40C00, s5;
	_ =	strace $0x80000047;
	s7 =	smul.u32 $0x2800, s3  }
0x9: {  	s9 =	ssub.s32 $0x2, s6;
	s6 =	smul.u32 $0xA000, s6;
	s3 =	sadd.s32 $0x36C00, s5  }
0xa: {  	s8 =	sadd.s32 s8, s5;
	s31 =	sshrl.u32 s9, $0x1;
	s7 =	sshrl.u32 s7, $0x3  }
0xb: {  	s9 =	ssub.s32 s9, s31;
	s10 =	sadd.s32 s6, s8;
	s7 =	sadd.s32 s7, s5  }
0xc: {  	s8 =	sadd.s32 $0x19EC00, s10;
	s5 =	sadd.s32 $0x4AC00, s7;
	s6 =	sadd.s32 $0x54C00, s7  }
0xd: {  	s7 =	smax.u32 s9, $0x1;
	s9 =	sadd.s32 $0x5EC00, s10;
	s10 =	simm.s32 $0x3  }
.LBB2_1:
0xe: {  	[tilespmem:s2], [sflag:$0x3] =	stream.linear.gather [hbm4b:s5+s2], $0x2800, $0x38;
	[tilespmem:$0x7000] =	vst v63  }
0xf: {  	_ =	swait.ge [sflag:s10], $0x2800  }
0x10: {  	[sflag:s10] =	ssyncset.done $0x0  }
0x11: {  	[sflag:s10] =	ssyncadd.s32 $0xFFFFD800  }
0x12: {  	[tilespmem:s11], [sflag:$0x3] =	stream.linear.gather [hbm4b:s6+s2], $0x2800, $0x38;
	[tilespmem:$0x7000] =	vst v63  }
0x13: {  	_ =	swait.ge [sflag:s10], $0x2800  }
0x14: {  	[sflag:s10] =	ssyncset.done $0x0  }
0x15: {  	s18 =	simm.s32 $0x0;
	[sflag:s10] =	ssyncadd.s32 $0xFFFFD800  }
0x16: {  	[tilespmem:s13], [sflag:$0x1] =	stream.indirect.gather [hbm4b:s3+s12], $0x20, s18, s12, $0xb8;
	[tilespmem:$0x7000] =	vst v63  }
0x17: {  	s29 =	simm.s32 $0x2800  }
0x18: {  	[tilespmem:s14], [sflag:$0x2] =	stream.indirect.gather [hbm4b:s4+s12], $0x20, s29, s12, $0xb8;
	[tilespmem:$0x7000] =	vst v63  }
0x19: {  	_ =	swait.ge [sflag:s15], $0x1000  }
0x1a: {  	[sflag:s15] =	ssyncset.done $0x0  }
0x1b: {  	[sflag:s15] =	ssyncadd.s32 $0xFFFFF000  }
0x1c: {  	_ =	swait.ge [sflag:s16], $0x1000  }
0x1d: {  	[sflag:s16] =	ssyncset.done $0x0  }
0x1e: {  	s30 =	sadd.s32 $0x0, s9;
	[sflag:s16] =	ssyncadd.s32 $0xFFFFF000  }
0x1f: {  	[hbm4b:s30+s2] =	stream.linear.scatter [tilespmem:s13], [sflag:$0x3], $0x1000, $0x38;
	[tilespmem:$0x7000] =	vst v63  }
0x20: {  	_ =	swait.ge [sflag:s10], $0x1000  }
0x21: {  	[sflag:s10] =	ssyncset.done $0x0  }
0x22: {  	s31 =	sadd.s32 $0x0, s8;
	[sflag:s10] =	ssyncadd.s32 $0xFFFFF000  }
0x23: {  	[hbm4b:s31+s2] =	stream.linear.scatter [tilespmem:s14], [sflag:$0x3], $0x1000, $0x38;
	[tilespmem:$0x7000] =	vst v63  }
0x24: {  	_ =	swait.ge [sflag:s10], $0x1000  }
0x25: {  	s19 =	simm.s32 $0x400;
	s18 =	simm.s32 $0x200;
	[sflag:s10] =	ssyncset.done $0x0  }
.LBB2_2:
0x26: {  	s20 =	sshra.s32 s18, $0x2  }
0x27: {  	[sflag:s10] =	ssyncadd.s32 $0xFFFFF000;
	s21 =	smov.u32 s19;
	s22 =	sadd.s32 $0x200, s19  }
0x28: {  	[tilespmem:s13], [sflag:$0x1] =	stream.indirect.gather [hbm4b:s3+s12], $0x20, s20, s12, $0xb8;
	[tilespmem:$0x7000] =	vst v63  }
0x29: {  	p0 =	sne.s32 s19, $0x9E00;
	s19 =	sadd.s32 $0x2800, s20  }
0x2a: {  	[tilespmem:s14], [sflag:$0x2] =	stream.indirect.gather [hbm4b:s4+s12], $0x20, s19, s12, $0xb8;
	[tilespmem:$0x7000] =	vst v63  }
0x2b: {  	_ =	swait.ge [sflag:s15], $0x1000  }
0x2c: {  	[sflag:s15] =	ssyncset.done $0x0  }
0x2d: {  	[sflag:s15] =	ssyncadd.s32 $0xFFFFF000  }
0x2e: {  	_ =	swait.ge [sflag:s16], $0x1000  }
0x2f: {  	[sflag:s16] =	ssyncset.done $0x0  }
0x30: {  	s19 =	sadd.s32 s18, s9;
	[sflag:s16] =	ssyncadd.s32 $0xFFFFF000  }
0x31: {  	[hbm4b:s19+s2] =	stream.linear.scatter [tilespmem:s13], [sflag:$0x3], $0x1000, $0x38;
	[tilespmem:$0x7000] =	vst v63  }
0x32: {  	_ =	swait.ge [sflag:s10], $0x1000  }
.Ltmp0:
0x33: {  	[sflag:s10] =	ssyncset.done $0x0;
	(pc) =	sbr.rel @p0 .LBB2_2-.Ltmp0, $4  }
0x34: {  	s19 =	sadd.s32 s18, s8;
	s18 =	smov.u32 s21;
	[sflag:s10] =	ssyncadd.s32 $0xFFFFF000  }
0x35: {  	[hbm4b:s19+s2] =	stream.linear.scatter [tilespmem:s14], [sflag:$0x3], $0x1000, $0x38;
	[tilespmem:$0x7000] =	vst v63  }
0x36: {  	_ =	swait.ge [sflag:s10], $0x1000  }
0x37: {  	s19 =	smov.u32 s22;
	[sflag:s10] =	ssyncset.done $0x0  }
0x38: {  	s19 =	sshra.s32 s18, $0x2;
	[sflag:s10] =	ssyncadd.s32 $0xFFFFF000  }
0x39: {  	[tilespmem:s13], [sflag:$0x1] =	stream.indirect.gather [hbm4b:s3+s12], $0x20, s19, s12, $0xb8;
	[tilespmem:$0x7000] =	vst v63  }
0x3a: {  	s19 =	sadd.s32 $0x2800, s19  }
0x3b: {  	[tilespmem:s14], [sflag:$0x2] =	stream.indirect.gather [hbm4b:s4+s12], $0x20, s19, s12, $0xb8;
	[tilespmem:$0x7000] =	vst v63  }
0x3c: {  	_ =	swait.ge [sflag:s15], $0x1000  }
0x3d: {  	[sflag:s15] =	ssyncset.done $0x0  }
0x3e: {  	[sflag:s15] =	ssyncadd.s32 $0xFFFFF000  }
0x3f: {  	_ =	swait.ge [sflag:s16], $0x1000  }
0x40: {  	[sflag:s16] =	ssyncset.done $0x0  }
0x41: {  	s30 =	sadd.s32 s18, s9;
	[sflag:s16] =	ssyncadd.s32 $0xFFFFF000  }
0x42: {  	[hbm4b:s30+s2] =	stream.linear.scatter [tilespmem:s13], [sflag:$0x3], $0x1000, $0x38;
	[tilespmem:$0x7000] =	vst v63  }
0x43: {  	s17 =	sadd.s32 $0x1, s17;
	_ =	swait.ge [sflag:s10], $0x1000  }
0x44: {  	p0 =	sne.s32 s17, s7;
	[sflag:s10] =	ssyncset.done $0x0  }
.Ltmp1:
0x45: {  	s31 =	sadd.s32 s18, s8;
	[sflag:s10] =	ssyncadd.s32 $0xFFFFF000;
	(pc) =	sbr.rel @p0 .LBB2_1-.Ltmp1, $4  }
0x46: {  	[hbm4b:s31+s2] =	stream.linear.scatter [tilespmem:s14], [sflag:$0x3], $0x1000, $0x38;
	[tilespmem:$0x7000] =	vst v63  }
0x47: {  	_ =	swait.ge [sflag:s10], $0x1000  }
0x48: {  	[sflag:s10] =	ssyncset.done $0x0  }
0x49: {  	[sflag:s10] =	ssyncadd.s32 $0xFFFFF000  }
0x4a: {  	_ =	sfence.sel $0x180000  }
0x4b: {  	[bflag:$0x0] =	sbarrier.arrive $0xFFFF  }
0x4c: {  	p0 =	sne.s32 s1, $0x0;
	_ =	strace $0x90000047  }
0x4d: {  	s0 =	sadd.s32 @!p0 $0x100000, s0;
	[bflag:$0x2] =	sbarrier.arrive $0xFFFF  }
0x4e: {  	[sflag:s0] =	ssyncadd.tile.s32 @!p0 $0x1;
	_ =	shalt  }
.Lfunc_end2:
_tile_overlayer_lowered:
.L_overlay_start_2:
0x4f: {  	(tag) =	ssettag $0x2  }
0x50: {  	s0 =	rddreg [dreg:$0x0];
	s2 =	stileid.u32  }
0x51: {  	s1 =	rddreg [dreg:$0x1];
	p0 =	sne.s32 s2, $0x0  }
0x52: {  	s3 =	rddreg [dreg:$0x2];
	[bflag:$0x3] =	sbarrier.arrive $0xFFFF;
	s2 =	simm.s32 @!p0 $0x1C03  }
0x53: {  	[timem:s3], [sflag:s2] =	dma.local @!p0 [hbm:s0], s1  }
0x54: {  	s0 =	simm.s32 @!p0 $0x3  }
0x55: {  	_ =	swait.ge @!p0 [sflag:s0], s1  }
0x56: {  	s1 =	ssub.s32 @!p0 $0x0, s1;
	[sflag:s0] =	ssyncset.done @!p0 $0x0  }
0x57: {  	[sflag:s0] =	ssyncadd.s32 @!p0 s1  }
0x58: {  	[bflag:$0x3] =	sbarrier.arrive $0xFFFF  }
0x59: {  	_ =	shalt  }

// kernel: kernel.19.cloned.1.call-start
scs
__scs_entry_jumppad:
0x0: {  	(pc) =	sbr.rel $0x88, $3  }
0x1: {  	(tag) =	ssettag $0x0;
	lr =	simm.s32 $0x1  }
0x2: {  	[smem:$0x3F6B] =	sst lr;
	_ =	strace $0xD0000000  }
0x3: {  	_ = 	snop  }
0x4: {  	_ = 	snop  }
0x5: {  	_ = 	snop  }
0x6: {  	_ = 	snop  }
0x7: {  	_ = 	snop  }
__scs_overlays_trampoline_lowered:
0x8: {  	[smem:$0x3F7A] =	sst s0  }
0x9: {  	[smem:$0x3F7B] =	sst s1  }
0xa: {  	[smem:$0x3F7C] =	sst s2  }
0xb: {  	[smem:$0x3F7D] =	sst s3  }
0xc: {  	[smem:$0x3F7E] =	sst s4  }
0xd: {  	[smem:$0x3F7F] =	sst s5  }
0xe: {  	[smem:$0x3F80] =	sst s6  }
0xf: {  	[smem:$0x3F81] =	sst s7  }
0x10: {  	[smem:$0x3F82] =	sst s8  }
0x11: {  	[smem:$0x3F83] =	sst s9;
	s0 =	simm.s32 @!p0 $0x0  }
0x12: {  	s1 =	sld [smem:$0x3F69];
	s0 =	simm.s32 @p0 $0x1  }
0x13: {  	[smem:$0x3F84] =	sst s0;
	s0 =	simm.s32 @!p1 $0x0  }
0x14: {  	s2 =	sld [smem:$0x3F68];
	s0 =	simm.s32 @p1 $0x1  }
0x15: {  	[smem:$0x3F85] =	sst s0;
	s0 =	simm.s32 @!p2 $0x0  }
0x16: {  	s3 =	sld [smem:$0x3FDB];
	s0 =	simm.s32 @p2 $0x1  }
0x17: {  	s4 =	simm.s32 $0x1BF5;
	[smem:$0x3F87] =	sst s0  }
0x18: {  	s0 =	sld [smem:$0x3F6A];
	_ =	swait.ge [sflag:s4], $0x0  }
0x19: {  	s7 =	sld [smem:$0x3F6B]  }
0x1a: {  	s8 =	sadd.s32 $0xFFFFE003, lr  }
0x1b: {  	s9 =	sadd.s32 $0xFFFFFEF7, lr;
	s5 =	simm.s32 $0xFFFFFFFF;
	p2 =	slt.u32 s8, $0xFFFFF086  }
0x1c: {  	p1 =	slt.u32 s9, $0xF7A;
	s5 =	simm.s32 @!p2 $0x0  }
0x1d: {  	s5 =	simm.s32 @p1 $0x1;
	p0 =	seq.s32 s7, s2  }
0x1e: {  	s7 =	smul.u32 @!p0 $0xF7A, s2;
	p2 =	seq.s32 @!p0 s5, $0x0  }
0x1f: {  	s9 =	smul.u32 $0xF7A, s1;
	s8 =	simm.s32 @!p0 $0x1BF5;
	p2 =	por !p2, p0  }
0x20: {  	[sflag:s8] =	ssyncset.s32 @!p0 $0xFFFFF086;
	s6 =	sadd.s32 @!p0 s3, s7;
	s7 =	simm.s32 @!p0 $0x108  }
0x21: {  	s3 =	sadd.s32 s3, s9;
	s6 =	sadd.s32 @!p0 $0x88, s6;
	s7 =	simm.s32 @p2 $0x1082  }
0x22: {  	[simem:s7], [sflag:s8] =	dma.local @!p0 [hbm:s6], $0xF7A  }
0x23: {  	s9 =	sor.u32 $0xD0000000, s2;
	s6 =	simm.s32 $0x108;
	_ =	swait.ge @!p0 [sflag:s8], $0x0  }
0x24: {  	s3 =	sadd.s32 $0x88, s3;
	s6 =	simm.s32 @!p1 $0x1082;
	[sflag:s4] =	ssyncset.s32 $0xFFFFF086  }
0x25: {  	[simem:s6], [sflag:s4] =	dma.local [hbm:s3], $0xF7A  }
0x26: {  	[smem:$0x3F6B] =	sst s1;
	(tag) =	ssettag s2;
	_ =	strace s9  }
0x27: {  	s1 =	sld [smem:$0x3F7B]  }
0x28: {  	s2 =	sld [smem:$0x3F7C]  }
0x29: {  	s4 =	sld [smem:$0x3F7E]  }
0x2a: {  	p0 =	seq.s32 s5, $0x0;
	s5 =	sld [smem:$0x3F7F]  }
0x2b: {  	s6 =	sld [smem:$0x3F80]  }
0x2c: {  	s7 =	sld [smem:$0x3F81]  }
0x2d: {  	s3 =	simm.s32 $0x108;
	s8 =	sld [smem:$0x3F82]  }
0x2e: {  	s3 =	simm.s32 @!p0 $0x1082;
	s9 =	sld [smem:$0x3F83]  }
0x2f: {  	lr =	sadd.s32 s0, s3;
	s0 =	sld [smem:$0x3F7A]  }
0x30: {  	s3 =	sld [smem:$0x3F7D]  }
0x31: {  	[smem:$0x3F86] =	sst s10  }
0x32: {  	s10 =	sld [smem:$0x3F84];
	_ =	sdelay $0x3  }
0x33: {  	p0 =	seq.s32 s10, $0x1;
	s10 =	sld [smem:$0x3F86];
	_ =	sdelay $0x3  }
0x34: {  	[smem:$0x3F86] =	sst s10  }
0x35: {  	s10 =	sld [smem:$0x3F85];
	_ =	sdelay $0x3  }
0x36: {  	p1 =	seq.s32 s10, $0x1;
	s10 =	sld [smem:$0x3F86];
	_ =	sdelay $0x3  }
0x37: {  	[smem:$0x3F86] =	sst s10  }
0x38: {  	s10 =	sld [smem:$0x3F87]  }
0x39: {  	_ = 	snop;
	(pc) =	sbr.ind lr, $3  }
0x3a: {  	_ = 	snop  }
0x3b: {  	_ = 	snop  }
0x3c: {  	p2 =	seq.s32 s10, $0x1;
	s10 =	sld [smem:$0x3F86]  }
0x3d: {  	_ =	shalt  }
0x3e: {  	_ =	shalt  }
0x3f: {  	_ =	shalt  }
0x40: {  	_ =	shalt  }
0x41: {  	_ =	shalt  }
0x42: {  	_ =	shalt  }
0x43: {  	_ =	shalt  }
0x44: {  	_ =	shalt  }
0x45: {  	_ =	shalt  }
0x46: {  	_ =	shalt  }
0x47: {  	_ =	shalt  }
0x48: {  	_ =	shalt  }
0x49: {  	_ =	shalt  }
0x4a: {  	_ =	shalt  }
0x4b: {  	_ =	shalt  }
0x4c: {  	_ =	shalt  }
0x4d: {  	_ =	shalt  }
0x4e: {  	_ =	shalt  }
0x4f: {  	_ =	shalt  }
0x50: {  	_ =	shalt  }
0x51: {  	_ =	shalt  }
0x52: {  	_ =	shalt  }
0x53: {  	_ =	shalt  }
0x54: {  	_ =	shalt  }
0x55: {  	_ =	shalt  }
0x56: {  	_ =	shalt  }
0x57: {  	_ =	shalt  }
0x58: {  	_ =	shalt  }
0x59: {  	_ =	shalt  }
0x5a: {  	_ =	shalt  }
0x5b: {  	_ =	shalt  }
0x5c: {  	_ =	shalt  }
0x5d: {  	_ =	shalt  }
0x5e: {  	_ =	shalt  }
0x5f: {  	_ =	shalt  }
0x60: {  	_ =	shalt  }
0x61: {  	_ =	shalt  }
0x62: {  	_ =	shalt  }
0x63: {  	_ =	shalt  }
0x64: {  	_ =	shalt  }
0x65: {  	_ =	shalt  }
0x66: {  	_ =	shalt  }
0x67: {  	_ =	shalt  }
0x68: {  	_ =	shalt  }
0x69: {  	_ =	shalt  }
0x6a: {  	_ =	shalt  }
0x6b: {  	_ =	shalt  }
0x6c: {  	_ =	shalt  }
0x6d: {  	_ =	shalt  }
0x6e: {  	_ =	shalt  }
0x6f: {  	_ =	shalt  }
0x70: {  	_ =	shalt  }
0x71: {  	_ =	shalt  }
0x72: {  	_ =	shalt  }
0x73: {  	_ =	shalt  }
0x74: {  	_ =	shalt  }
0x75: {  	_ =	shalt  }
0x76: {  	_ =	shalt  }
0x77: {  	_ =	shalt  }
0x78: {  	_ =	shalt  }
0x79: {  	_ =	shalt  }
0x7a: {  	_ =	shalt  }
0x7b: {  	_ =	shalt  }
0x7c: {  	_ =	shalt  }
0x7d: {  	_ =	shalt  }
0x7e: {  	_ =	shalt  }
0x7f: {  	_ =	shalt  }
0x80: {  	_ =	shalt  }
0x81: {  	_ =	shalt  }
0x82: {  	_ =	shalt  }
0x83: {  	_ =	shalt  }
0x84: {  	_ =	shalt  }
0x85: {  	_ =	shalt  }
0x86: {  	_ =	shalt  }
0x87: {  	_ =	shalt  }
.Lfunc_end0:
.L_simem_size_0:
called_computation.1_lowered:
.L_overlay_start_0:
0x88: {  	s2 =	sld [smem:$0x3FD9]  }
0x89: {  	s3 =	sld [smem:$0x3FFE];
	_ =	sdelay $0x1  }
0x8a: {  	s1 =	srdreg.scid  }
0x8b: {  	s0 =	sand.u32 $0x1, s1  }
0x8c: {  	s16 =	sshll.u32 s0, $0xA;
	s2 =	sadd.s32 s3, s2  }
0x8d: {  	s2 =	sadd.s32 s2, s16  }
0x8e: {  	[smem:$0x3F92] =	sst s2  }
0x8f: {  	_ = 	snop  }
0x90: {  	(tm) =	ssettm $0x1  }
0x91: {  	s17 =	sld [smem:$0x3FFB];
	_ =	sdelay $0x3  }
0x92: {  	_ =	strace s17  }
0x93: {  	s2 =	sld [smem:$0x3FFC];
	_ =	sdelay $0x3  }
0x94: {  	_ =	strace s2  }
0x95: {  	s2 =	sld [smem:$0x3FFD];
	_ =	sdelay $0x3  }
0x96: {  	_ =	strace s2  }
0x97: {  	_ =	strace $0x8FFFFFFF  }
0x98: {  	s18 =	sld [smem:$0x3FDB];
	_ =	sdelay $0x1  }
0x99: {  	s19 =	simm.s32 $_scs_section_size  }
0x9a: {  	s4 =	simm.s32 $_size__tile_overlayer_lowered;
	s5 =	simm.s32 $_tile_overlayer_lowered  }
0x9b: {  	s22 =	simm.s32 $0x1BFF;
	s21 =	sshll.u32 s5, $0x1;
	s2 =	sadd.s32 s19, s18  }
0x9c: {  	s6 =	simm.s32 $0x0;
	s20 =	sshll.u32 s4, $0x1;
	s4 =	sadd.s32 s21, s2  }
0x9d: {  	[timem:s6], [sflag:s22] =	dma.local [hbm:s4], s20  }
0x9e: {  	_ =	swait.ge [sflag:s22], s20  }
0x9f: {  	s3 =	ssub.s32 $0x0, s20;
	[sflag:s22] =	ssyncset.done $0x0  }
0xa0: {  	[sflag:s22] =	ssyncadd.s32 s3;
	_ =	sdelay $0x1  }
0xa1: {  	s23 =	simm.s32 $0x1B8B  }
0xa2: {  	_ =	swait.ge [sflag:s23], $0x1  }
0xa3: {  	[sflag:s23] =	ssyncset.done $0x0  }
0xa4: {  	s25 =	simm.s32 $0x1B8E;
	s24 =	sld [smem:$0x3FFE];
	[sflag:s23] =	ssyncadd.s32 $0xFFFFFFFF  }
0xa5: {  	s26 =	simm.s32 $execute0_lowered;
	[smem:$0x3FD2] =	sst s25  }
0xa6: {  	s4 =	sshll.u32 s26, $0x1;
	_ =	strace $0x80000049;
	[dreg:$0x1] =	wrdreg $0xFFFFFFFF  }
0xa7: {  	s28 =	simm.s32 $_size_execute0_lowered;
	s2 =	sadd.s32 s2, s4;
	[dreg:$0x0] =	wrdreg $0x0  }
0xa8: {  	s4 =	sshll.u32 s28, $0x1;
	[dreg:$0x2] =	wrdreg s2  }
0xa9: {  	[dreg:$0x3] =	wrdreg s4  }
0xaa: {  	[dreg:$0x4] =	wrdreg $0xC0  }
0xab: {  	_ =	task [dreg:s6], $0x5FFFF  }
0xac: {  	[dreg:$0x1] =	wrdreg $0xFFFFFFFF  }
0xad: {  	[dreg:$0x0] =	wrdreg $0x60  }
0xae: {  	[dreg:$0x2] =	wrdreg s24  }
0xaf: {  	[dreg:$0x3] =	wrdreg $0x88000  }
0xb0: {  	[dreg:$0x4] =	wrdreg $0x9  }
0xb1: {  	_ =	task.clear_ibuf [dreg:s6], $0x5FFFF;
	_ =	strace $0x90000049  }
0xb2: {  	s29 =	simm.s32 $0x9;
	_ =	strace $0x8000004B  }
0xb3: {  	_ =	swait.ge [sflag:s29], $0x1  }
0xb4: {  	[sflag:s29] =	ssyncadd.s32 $0xFFFFFFFF  }
0xb5: {  	_ =	strace $0x9000004B  }
0xb6: {  	_ =	sfence  }
0xb7: {  	s30 =	sld [smem:$0x0];
	_ =	sdelay $0x2  }
0xb8: {  	s31 =	sshll.u32 s1, $0xD;
	s1 =	sshrl.u32 s1, $0x2  }
0xb9: {  	s3 =	sand.u32 $0x4000, s31;
	s1 =	sadd.s32 s1, s30  }
0xba: {  	s0 =	sor.u32 s3, s0;
	s1 =	sshll.u32 s1, $0x11  }
0xbb: {  	s0 =	sor.u32 s1, s0  }
0xbc: {  	s0 =	sadd.s32 $0x8F2B, s0  }
0xbd: {  	[sflag:s0] =	ssyncadd.remote.s32 $0x1  }
0xbe: {  	_ =	sfence.sel $0xFFFF  }
0xbf: {  	[dreg:$0x0] =	wrdreg $0xFFFFFFFF;
	(pc) =	sbr.abs _section_cstart, $3  }
0xc0: {  	[dreg:$0x1] =	wrdreg $0xFFFFFFFF  }
0xc1: {  	_ =	task.clear_ibuf [dreg:s6], $0x2FFFF;
	_ =	strace $0x9FFFFFFF  }
0xc2: {  	(tm) =	ssettm $0x7FFFFFFF  }
0xc3: {  	_ =	shalt  }
tec
execute0_lowered:
.L_overlay_start_1:
0x0: {  	(tag) =	ssettag $0x1  }
0x1: {  	s0 =	stileid.u32  }
0x2: {  	s1 =	srdreg.scid;
	s5 =	rddreg [dreg:$0x0]  }
0x3: {  	s2 =	rddreg [dreg:$0x1];
	s3 =	simm.s32 $0x0;
	s6 =	smul.u32 $0x14000, s0  }
0x4: {  	s13 =	simm.s32 $0x80;
	s4 =	sand.u32 $0x1, s1;
	s8 =	smul.u32 $0x5000, s0  }
0x5: {  	s14 =	simm.s32 $0x0;
	s26 =	sshll.u32 s0, $0x1;
	s9 =	smul.u32 $0x50000, s4  }
0x6: {  	[smem:$0x7FF] =	sst s3;
	s1 =	sor.u32 s4, s26;
	s30 =	smul.u32 $0xA000, s4  }
0x7: {  	s11 =	ssub.s32 $0x2, s4;
	s7 =	smul.u32 $0x2800, s1;
	s1 =	rddreg [dreg:$0x2]  }
0x8: {  	_ =	strace $0x8000004A;
	s10 =	sadd.s32 s6, s5;
	s29 =	sshrl.u32 s8, $0x3  }
0x9: {  	s12 =	sshrl.u32 s11, $0x1;
	s6 =	sadd.s32 s8, s2;
	s9 =	sadd.s32 s8, s9  }
0xa: {  	s11 =	ssub.s32 s11, s12;
	s31 =	sadd.s32 s30, s10;
	s10 =	simm.s32 $0x1  }
0xb: {  	s12 =	simm.s32 $0x2800;
	s7 =	sshrl.u32 s7, $0x3;
	s9 =	sshrl.u32 s9, $0x3  }
0xc: {  	s8 =	smax.u32 s11, $0x1;
	s11 =	simm.s32 $0x3800;
	s28 =	sadd.s32 s7, s5  }
0xd: {  	s7 =	sadd.s32 s29, s5;
	s9 =	sadd.s32 s9, s5;
	s4 =	sadd.s32 $0x4AC00, s28  }
0xe: {  	s5 =	sadd.s32 $0x36C00, s7;
	s7 =	sadd.s32 $0x19EC00, s9;
	s9 =	sadd.s32 $0x5EC00, s31  }
.LBB2_1:
0xf: {  	[tilespmem:s3], [sflag:$0x1] =	stream.linear.gather [hbm4b:s4+s3], $0x2800, $0x38;
	[tilespmem:$0xD800] =	vst v63  }
0x10: {  	_ =	swait.ge [sflag:s10], $0x2800  }
0x11: {  	[sflag:s10] =	ssyncset.done $0x0  }
0x12: {  	[sflag:s10] =	ssyncadd.s32 $0xFFFFD800  }
0x13: {  	[tilespmem:s11], [sflag:$0x1] =	stream.linear.gather [hbm4b:s5+s3], $0x5000, $0x38;
	[tilespmem:$0xD800] =	vst v63  }
0x14: {  	_ =	swait.ge [sflag:s10], $0x5000  }
0x15: {  	[sflag:s10] =	ssyncset.done $0x0  }
0x16: {  	[sflag:s10] =	ssyncadd.s32 $0xFFFFB000  }
0x17: {  	[spmem:s6] =	stream.linear.scatter [tilespmem:s11], [sflag:$0x1], $0x5000, $0x38;
	[tilespmem:$0xD800] =	vst v63  }
0x18: {  	_ =	swait.ge [sflag:s10], $0x5000  }
0x19: {  	[sflag:s10] =	ssyncset.done $0x0  }
0x1a: {  	[sflag:s10] =	ssyncadd.s32 $0xFFFFB000  }
0x1b: {  	s15 =	sadd.s32 $0x0, s9;
	[bflag:$0x0] =	sbarrier.arrive $0xFFFF  }
0x1c: {  	[tilespmem:s12], [sflag:$0x1] =	stream.linear.gather [hbm4b:s15+s3], $0x1000, $0x38;
	[tilespmem:$0xD800] =	vst v63  }
0x1d: {  	_ =	swait.ge [sflag:s10], $0x1000  }
0x1e: {  	[sflag:s10] =	ssyncset.done $0x0  }
0x1f: {  	s31 =	simm.s32 $0x0;
	[sflag:s10] =	ssyncadd.s32 $0xFFFFF000  }
0x20: {  	[spmem:s2] =	stream.indirect.scatter.add.f32 [tilespmem:s12], [sflag:$0x1], $0x20, s31, s13, $0xb8;
	[tilespmem:$0xD800] =	vst v63  }
0x21: {  	_ =	swait.ge [sflag:s10], $0x1000  }
0x22: {  	s16 =	simm.s32 $0x400;
	s15 =	simm.s32 $0x200;
	[sflag:s10] =	ssyncset.done $0x0  }
.LBB2_2:
0x23: {  	s17 =	sadd.s32 s15, s9  }
0x24: {  	[sflag:s10] =	ssyncadd.s32 $0xFFFFF000;
	s18 =	smov.u32 s16;
	s19 =	sadd.s32 $0x200, s16  }
0x25: {  	[tilespmem:s12], [sflag:$0x1] =	stream.linear.gather [hbm4b:s17+s3], $0x1000, $0x38;
	[tilespmem:$0xD800] =	vst v63  }
0x26: {  	p0 =	sne.s32 s16, $0x9E00;
	_ =	swait.ge [sflag:s10], $0x1000  }
.Ltmp0:
0x27: {  	[sflag:s10] =	ssyncset.done $0x0;
	(pc) =	sbr.rel @p0 .LBB2_2-.Ltmp0, $4  }
0x28: {  	s16 =	sshra.s32 s15, $0x2;
	s15 =	smov.u32 s18;
	[sflag:s10] =	ssyncadd.s32 $0xFFFFF000  }
0x29: {  	[spmem:s2] =	stream.indirect.scatter.add.f32 [tilespmem:s12], [sflag:$0x1], $0x20, s16, s13, $0xb8;
	[tilespmem:$0xD800] =	vst v63  }
0x2a: {  	_ =	swait.ge [sflag:s10], $0x1000  }
0x2b: {  	s16 =	smov.u32 s19;
	[sflag:s10] =	ssyncset.done $0x0  }
0x2c: {  	s16 =	sadd.s32 s15, s9;
	[sflag:s10] =	ssyncadd.s32 $0xFFFFF000  }
0x2d: {  	[tilespmem:s12], [sflag:$0x1] =	stream.linear.gather [hbm4b:s16+s3], $0x1000, $0x38;
	[tilespmem:$0xD800] =	vst v63  }
0x2e: {  	_ =	swait.ge [sflag:s10], $0x1000  }
0x2f: {  	[sflag:s10] =	ssyncset.done $0x0  }
0x30: {  	s31 =	sshra.s32 s15, $0x2;
	[sflag:s10] =	ssyncadd.s32 $0xFFFFF000  }
0x31: {  	[spmem:s2] =	stream.indirect.scatter.add.f32 [tilespmem:s12], [sflag:$0x1], $0x20, s31, s13, $0xb8;
	[tilespmem:$0xD800] =	vst v63  }
0x32: {  	_ =	swait.ge [sflag:s10], $0x1000  }
0x33: {  	[sflag:s10] =	ssyncset.done $0x0  }
0x34: {  	[sflag:s10] =	ssyncadd.s32 $0xFFFFF000  }
0x35: {  	[bflag:$0x0] =	sbarrier.arrive $0xFFFF  }
0x36: {  	[tilespmem:s11], [sflag:$0x1] =	stream.linear.gather [spmem:s6], $0x5000, $0x38;
	[tilespmem:$0xD800] =	vst v63  }
0x37: {  	s14 =	sadd.s32 $0x1, s14;
	_ =	swait.ge [sflag:s10], $0x5000  }
0x38: {  	p0 =	sne.s32 s14, s8;
	[sflag:s10] =	ssyncset.done $0x0  }
.Ltmp1:
0x39: {  	[sflag:s10] =	ssyncadd.s32 $0xFFFFB000;
	(pc) =	sbr.rel @p0 .LBB2_1-.Ltmp1, $4  }
0x3a: {  	[hbm4b:s7+s3] =	stream.linear.scatter [tilespmem:s11], [sflag:$0x1], $0x5000, $0x38;
	[tilespmem:$0xD800] =	vst v63  }
0x3b: {  	_ =	swait.ge [sflag:s10], $0x5000  }
0x3c: {  	[sflag:s10] =	ssyncset.done $0x0  }
0x3d: {  	[sflag:s10] =	ssyncadd.s32 $0xFFFFB000  }
0x3e: {  	_ =	sfence.sel $0x180000  }
0x3f: {  	[bflag:$0x0] =	sbarrier.arrive $0xFFFF  }
0x40: {  	p0 =	sne.s32 s0, $0x0;
	_ =	strace $0x9000004A  }
0x41: {  	s0 =	sadd.s32 @!p0 $0x100000, s1;
	[bflag:$0x2] =	sbarrier.arrive $0xFFFF  }
0x42: {  	[sflag:s0] =	ssyncadd.tile.s32 @!p0 $0x1;
	_ =	shalt  }
.Lfunc_end2:
_tile_overlayer_lowered:
.L_overlay_start_2:
0x43: {  	(tag) =	ssettag $0x2  }
0x44: {  	s0 =	rddreg [dreg:$0x0];
	s2 =	stileid.u32  }
0x45: {  	s1 =	rddreg [dreg:$0x1];
	p0 =	sne.s32 s2, $0x0  }
0x46: {  	s3 =	rddreg [dreg:$0x2];
	[bflag:$0x3] =	sbarrier.arrive $0xFFFF;
	s2 =	simm.s32 @!p0 $0x1C01  }
0x47: {  	[timem:s3], [sflag:s2] =	dma.local @!p0 [hbm:s0], s1  }
0x48: {  	s0 =	simm.s32 @!p0 $0x1  }
0x49: {  	_ =	swait.ge @!p0 [sflag:s0], s1  }
0x4a: {  	s1 =	ssub.s32 @!p0 $0x0, s1;
	[sflag:s0] =	ssyncset.done @!p0 $0x0  }
0x4b: {  	[sflag:s0] =	ssyncadd.s32 @!p0 s1  }
0x4c: {  	[bflag:$0x3] =	sbarrier.arrive $0xFFFF  }
0x4d: {  	_ =	shalt  }

// kernel: kernel.22.cloned.1.call-start
scs
__scs_entry_jumppad:
0x0: {  	(pc) =	sbr.rel $0x88, $3  }
0x1: {  	(tag) =	ssettag $0x0;
	lr =	simm.s32 $0x1  }
0x2: {  	[smem:$0x3F6B] =	sst lr;
	_ =	strace $0xD0000000  }
0x3: {  	_ = 	snop  }
0x4: {  	_ = 	snop  }
0x5: {  	_ = 	snop  }
0x6: {  	_ = 	snop  }
0x7: {  	_ = 	snop  }
__scs_overlays_trampoline_lowered:
0x8: {  	[smem:$0x3F7A] =	sst s0  }
0x9: {  	[smem:$0x3F7B] =	sst s1  }
0xa: {  	[smem:$0x3F7C] =	sst s2  }
0xb: {  	[smem:$0x3F7D] =	sst s3  }
0xc: {  	[smem:$0x3F7E] =	sst s4  }
0xd: {  	[smem:$0x3F7F] =	sst s5  }
0xe: {  	[smem:$0x3F80] =	sst s6  }
0xf: {  	[smem:$0x3F81] =	sst s7  }
0x10: {  	[smem:$0x3F82] =	sst s8  }
0x11: {  	[smem:$0x3F83] =	sst s9;
	s0 =	simm.s32 @!p0 $0x0  }
0x12: {  	s1 =	sld [smem:$0x3F69];
	s0 =	simm.s32 @p0 $0x1  }
0x13: {  	[smem:$0x3F84] =	sst s0;
	s0 =	simm.s32 @!p1 $0x0  }
0x14: {  	s2 =	sld [smem:$0x3F68];
	s0 =	simm.s32 @p1 $0x1  }
0x15: {  	[smem:$0x3F85] =	sst s0;
	s0 =	simm.s32 @!p2 $0x0  }
0x16: {  	s3 =	sld [smem:$0x3FDB];
	s0 =	simm.s32 @p2 $0x1  }
0x17: {  	s4 =	simm.s32 $0x1BF5;
	[smem:$0x3F87] =	sst s0  }
0x18: {  	s0 =	sld [smem:$0x3F6A];
	_ =	swait.ge [sflag:s4], $0x0  }
0x19: {  	s7 =	sld [smem:$0x3F6B]  }
0x1a: {  	s8 =	sadd.s32 $0xFFFFE003, lr  }
0x1b: {  	s9 =	sadd.s32 $0xFFFFFEF7, lr;
	s5 =	simm.s32 $0xFFFFFFFF;
	p2 =	slt.u32 s8, $0xFFFFF086  }
0x1c: {  	p1 =	slt.u32 s9, $0xF7A;
	s5 =	simm.s32 @!p2 $0x0  }
0x1d: {  	s5 =	simm.s32 @p1 $0x1;
	p0 =	seq.s32 s7, s2  }
0x1e: {  	s7 =	smul.u32 @!p0 $0xF7A, s2;
	p2 =	seq.s32 @!p0 s5, $0x0  }
0x1f: {  	s9 =	smul.u32 $0xF7A, s1;
	s8 =	simm.s32 @!p0 $0x1BF5;
	p2 =	por !p2, p0  }
0x20: {  	[sflag:s8] =	ssyncset.s32 @!p0 $0xFFFFF086;
	s6 =	sadd.s32 @!p0 s3, s7;
	s7 =	simm.s32 @!p0 $0x108  }
0x21: {  	s3 =	sadd.s32 s3, s9;
	s6 =	sadd.s32 @!p0 $0x88, s6;
	s7 =	simm.s32 @p2 $0x1082  }
0x22: {  	[simem:s7], [sflag:s8] =	dma.local @!p0 [hbm:s6], $0xF7A  }
0x23: {  	s9 =	sor.u32 $0xD0000000, s2;
	s6 =	simm.s32 $0x108;
	_ =	swait.ge @!p0 [sflag:s8], $0x0  }
0x24: {  	s3 =	sadd.s32 $0x88, s3;
	s6 =	simm.s32 @!p1 $0x1082;
	[sflag:s4] =	ssyncset.s32 $0xFFFFF086  }
0x25: {  	[simem:s6], [sflag:s4] =	dma.local [hbm:s3], $0xF7A  }
0x26: {  	[smem:$0x3F6B] =	sst s1;
	(tag) =	ssettag s2;
	_ =	strace s9  }
0x27: {  	s1 =	sld [smem:$0x3F7B]  }
0x28: {  	s2 =	sld [smem:$0x3F7C]  }
0x29: {  	s4 =	sld [smem:$0x3F7E]  }
0x2a: {  	p0 =	seq.s32 s5, $0x0;
	s5 =	sld [smem:$0x3F7F]  }
0x2b: {  	s6 =	sld [smem:$0x3F80]  }
0x2c: {  	s7 =	sld [smem:$0x3F81]  }
0x2d: {  	s3 =	simm.s32 $0x108;
	s8 =	sld [smem:$0x3F82]  }
0x2e: {  	s3 =	simm.s32 @!p0 $0x1082;
	s9 =	sld [smem:$0x3F83]  }
0x2f: {  	lr =	sadd.s32 s0, s3;
	s0 =	sld [smem:$0x3F7A]  }
0x30: {  	s3 =	sld [smem:$0x3F7D]  }
0x31: {  	[smem:$0x3F86] =	sst s10  }
0x32: {  	s10 =	sld [smem:$0x3F84];
	_ =	sdelay $0x3  }
0x33: {  	p0 =	seq.s32 s10, $0x1;
	s10 =	sld [smem:$0x3F86];
	_ =	sdelay $0x3  }
0x34: {  	[smem:$0x3F86] =	sst s10  }
0x35: {  	s10 =	sld [smem:$0x3F85];
	_ =	sdelay $0x3  }
0x36: {  	p1 =	seq.s32 s10, $0x1;
	s10 =	sld [smem:$0x3F86];
	_ =	sdelay $0x3  }
0x37: {  	[smem:$0x3F86] =	sst s10  }
0x38: {  	s10 =	sld [smem:$0x3F87]  }
0x39: {  	_ = 	snop;
	(pc) =	sbr.ind lr, $3  }
0x3a: {  	_ = 	snop  }
0x3b: {  	_ = 	snop  }
0x3c: {  	p2 =	seq.s32 s10, $0x1;
	s10 =	sld [smem:$0x3F86]  }
0x3d: {  	_ =	shalt  }
0x3e: {  	_ =	shalt  }
0x3f: {  	_ =	shalt  }
0x40: {  	_ =	shalt  }
0x41: {  	_ =	shalt  }
0x42: {  	_ =	shalt  }
0x43: {  	_ =	shalt  }
0x44: {  	_ =	shalt  }
0x45: {  	_ =	shalt  }
0x46: {  	_ =	shalt  }
0x47: {  	_ =	shalt  }
0x48: {  	_ =	shalt  }
0x49: {  	_ =	shalt  }
0x4a: {  	_ =	shalt  }
0x4b: {  	_ =	shalt  }
0x4c: {  	_ =	shalt  }
0x4d: {  	_ =	shalt  }
0x4e: {  	_ =	shalt  }
0x4f: {  	_ =	shalt  }
0x50: {  	_ =	shalt  }
0x51: {  	_ =	shalt  }
0x52: {  	_ =	shalt  }
0x53: {  	_ =	shalt  }
0x54: {  	_ =	shalt  }
0x55: {  	_ =	shalt  }
0x56: {  	_ =	shalt  }
0x57: {  	_ =	shalt  }
0x58: {  	_ =	shalt  }
0x59: {  	_ =	shalt  }
0x5a: {  	_ =	shalt  }
0x5b: {  	_ =	shalt  }
0x5c: {  	_ =	shalt  }
0x5d: {  	_ =	shalt  }
0x5e: {  	_ =	shalt  }
0x5f: {  	_ =	shalt  }
0x60: {  	_ =	shalt  }
0x61: {  	_ =	shalt  }
0x62: {  	_ =	shalt  }
0x63: {  	_ =	shalt  }
0x64: {  	_ =	shalt  }
0x65: {  	_ =	shalt  }
0x66: {  	_ =	shalt  }
0x67: {  	_ =	shalt  }
0x68: {  	_ =	shalt  }
0x69: {  	_ =	shalt  }
0x6a: {  	_ =	shalt  }
0x6b: {  	_ =	shalt  }
0x6c: {  	_ =	shalt  }
0x6d: {  	_ =	shalt  }
0x6e: {  	_ =	shalt  }
0x6f: {  	_ =	shalt  }
0x70: {  	_ =	shalt  }
0x71: {  	_ =	shalt  }
0x72: {  	_ =	shalt  }
0x73: {  	_ =	shalt  }
0x74: {  	_ =	shalt  }
0x75: {  	_ =	shalt  }
0x76: {  	_ =	shalt  }
0x77: {  	_ =	shalt  }
0x78: {  	_ =	shalt  }
0x79: {  	_ =	shalt  }
0x7a: {  	_ =	shalt  }
0x7b: {  	_ =	shalt  }
0x7c: {  	_ =	shalt  }
0x7d: {  	_ =	shalt  }
0x7e: {  	_ =	shalt  }
0x7f: {  	_ =	shalt  }
0x80: {  	_ =	shalt  }
0x81: {  	_ =	shalt  }
0x82: {  	_ =	shalt  }
0x83: {  	_ =	shalt  }
0x84: {  	_ =	shalt  }
0x85: {  	_ =	shalt  }
0x86: {  	_ =	shalt  }
0x87: {  	_ =	shalt  }
.Lfunc_end0:
.L_simem_size_0:
called_computation.2_lowered:
.L_overlay_start_0:
0x88: {  	s2 =	sld [smem:$0x3FD9]  }
0x89: {  	s3 =	sld [smem:$0x3FFE];
	_ =	sdelay $0x1  }
0x8a: {  	s1 =	srdreg.scid  }
0x8b: {  	s0 =	sand.u32 $0x1, s1  }
0x8c: {  	s16 =	sshll.u32 s0, $0xA;
	s2 =	sadd.s32 s3, s2  }
0x8d: {  	s2 =	sadd.s32 s2, s16  }
0x8e: {  	[smem:$0x3F92] =	sst s2  }
0x8f: {  	_ = 	snop  }
0x90: {  	(tm) =	ssettm $0x1  }
0x91: {  	s17 =	sld [smem:$0x3FFB];
	_ =	sdelay $0x3  }
0x92: {  	_ =	strace s17  }
0x93: {  	s2 =	sld [smem:$0x3FFC];
	_ =	sdelay $0x3  }
0x94: {  	_ =	strace s2  }
0x95: {  	s2 =	sld [smem:$0x3FFD];
	_ =	sdelay $0x3  }
0x96: {  	_ =	strace s2  }
0x97: {  	_ =	strace $0x8FFFFFFF  }
0x98: {  	s18 =	sld [smem:$0x3FDB];
	_ =	sdelay $0x1  }
0x99: {  	s19 =	simm.s32 $_scs_section_size  }
0x9a: {  	s4 =	simm.s32 $_size__tile_overlayer_lowered;
	s5 =	simm.s32 $_tile_overlayer_lowered  }
0x9b: {  	s22 =	simm.s32 $0x1BFF;
	s21 =	sshll.u32 s5, $0x1;
	s2 =	sadd.s32 s19, s18  }
0x9c: {  	s6 =	simm.s32 $0x0;
	s20 =	sshll.u32 s4, $0x1;
	s4 =	sadd.s32 s21, s2  }
0x9d: {  	[timem:s6], [sflag:s22] =	dma.local [hbm:s4], s20  }
0x9e: {  	_ =	swait.ge [sflag:s22], s20  }
0x9f: {  	s3 =	ssub.s32 $0x0, s20;
	[sflag:s22] =	ssyncset.done $0x0  }
0xa0: {  	[sflag:s22] =	ssyncadd.s32 s3;
	_ =	sdelay $0x1  }
0xa1: {  	s23 =	simm.s32 $0x1B8B  }
0xa2: {  	_ =	swait.ge [sflag:s23], $0x1  }
0xa3: {  	[sflag:s23] =	ssyncset.done $0x0  }
0xa4: {  	s25 =	simm.s32 $0x1B8E;
	s24 =	sld [smem:$0x3FFE];
	[sflag:s23] =	ssyncadd.s32 $0xFFFFFFFF  }
0xa5: {  	s26 =	simm.s32 $execute0_lowered;
	[smem:$0x3FD2] =	sst s25  }
0xa6: {  	s4 =	sshll.u32 s26, $0x1;
	_ =	strace $0x8000004C;
	[dreg:$0x1] =	wrdreg $0xFFFFFFFF  }
0xa7: {  	s28 =	simm.s32 $_size_execute0_lowered;
	s2 =	sadd.s32 s2, s4;
	[dreg:$0x0] =	wrdreg $0x0  }
0xa8: {  	s4 =	sshll.u32 s28, $0x1;
	[dreg:$0x2] =	wrdreg s2  }
0xa9: {  	[dreg:$0x3] =	wrdreg s4  }
0xaa: {  	[dreg:$0x4] =	wrdreg $0xC0  }
0xab: {  	_ =	task [dreg:s6], $0x5FFFF  }
0xac: {  	[dreg:$0x1] =	wrdreg $0xFFFFFFFF  }
0xad: {  	[dreg:$0x0] =	wrdreg $0x60  }
0xae: {  	[dreg:$0x2] =	wrdreg s24  }
0xaf: {  	[dreg:$0x3] =	wrdreg $0x9  }
0xb0: {  	_ =	task.clear_ibuf [dreg:s6], $0x4FFFF;
	_ =	strace $0x9000004C  }
0xb1: {  	s29 =	simm.s32 $0x9;
	_ =	strace $0x8000004E  }
0xb2: {  	_ =	swait.ge [sflag:s29], $0x1  }
0xb3: {  	[sflag:s29] =	ssyncadd.s32 $0xFFFFFFFF  }
0xb4: {  	_ =	strace $0x9000004E  }
0xb5: {  	_ =	sfence  }
0xb6: {  	s30 =	sld [smem:$0x0];
	_ =	sdelay $0x2  }
0xb7: {  	s31 =	sshll.u32 s1, $0xD;
	s1 =	sshrl.u32 s1, $0x2  }
0xb8: {  	s3 =	sand.u32 $0x4000, s31;
	s1 =	sadd.s32 s1, s30  }
0xb9: {  	s0 =	sor.u32 s3, s0;
	s1 =	sshll.u32 s1, $0x11  }
0xba: {  	s0 =	sor.u32 s1, s0  }
0xbb: {  	s0 =	sadd.s32 $0x8F2B, s0  }
0xbc: {  	[sflag:s0] =	ssyncadd.remote.s32 $0x1  }
0xbd: {  	_ =	sfence.sel $0xFFFF  }
0xbe: {  	[dreg:$0x0] =	wrdreg $0xFFFFFFFF;
	(pc) =	sbr.abs _section_cstart, $3  }
0xbf: {  	[dreg:$0x1] =	wrdreg $0xFFFFFFFF  }
0xc0: {  	_ =	task.clear_ibuf [dreg:s6], $0x2FFFF;
	_ =	strace $0x9FFFFFFF  }
0xc1: {  	(tm) =	ssettm $0x7FFFFFFF  }
tec
execute0_lowered:
.L_overlay_start_1:
0x0: {  	(tag) =	ssettag $0x1  }
0x1: {  	s5 =	rddreg [dreg:$0x0]  }
0x2: {  	s0 =	rddreg [dreg:$0x1]  }
0x3: {  	s3 =	srdreg.scid;
	s1 =	stileid.u32;
	s2 =	simm.s32 $0x0  }
0x4: {  	s11 =	simm.s32 $0x2800;
	s12 =	simm.s32 $0x80;
	s13 =	simm.s32 $0x5000  }
0x5: {  	s14 =	simm.s32 $0x6000;
	s15 =	simm.s32 $0x1;
	s16 =	simm.s32 $0x2  }
0x6: {  	s17 =	simm.s32 $0x0;
	s6 =	sand.u32 $0x1, s3;
	s30 =	sshll.u32 s1, $0x1  }
0x7: {  	[smem:$0x7FF] =	sst s2;
	s8 =	smul.u32 $0x14000, s1;
	s3 =	sor.u32 s6, s30  }
0x8: {  	s4 =	sadd.s32 $0x5EC00, s5;
	_ =	strace $0x8000004D;
	s7 =	smul.u32 $0x2800, s3  }
0x9: {  	s9 =	ssub.s32 $0x2, s6;
	s6 =	smul.u32 $0xA000, s6;
	s3 =	sadd.s32 $0x40C00, s5  }
0xa: {  	s8 =	sadd.s32 s8, s5;
	s31 =	sshrl.u32 s9, $0x1;
	s7 =	sshrl.u32 s7, $0x3  }
0xb: {  	s9 =	ssub.s32 s9, s31;
	s10 =	sadd.s32 s6, s8;
	s7 =	sadd.s32 s7, s5  }
0xc: {  	s8 =	sadd.s32 $0x1A8C00, s10;
	s5 =	sadd.s32 $0x4AC00, s7;
	s6 =	sadd.s32 $0x54C00, s7  }
0xd: {  	s7 =	smax.u32 s9, $0x1;
	s9 =	sadd.s32 $0x68C00, s10;
	s10 =	simm.s32 $0x3  }
.LBB2_1:
0xe: {  	[tilespmem:s2], [sflag:$0x3] =	stream.linear.gather [hbm4b:s5+s2], $0x2800, $0x38;
	[tilespmem:$0x7000] =	vst v63  }
0xf: {  	_ =	swait.ge [sflag:s10], $0x2800  }
0x10: {  	[sflag:s10] =	ssyncset.done $0x0  }
0x11: {  	[sflag:s10] =	ssyncadd.s32 $0xFFFFD800  }
0x12: {  	[tilespmem:s11], [sflag:$0x3] =	stream.linear.gather [hbm4b:s6+s2], $0x2800, $0x38;
	[tilespmem:$0x7000] =	vst v63  }
0x13: {  	_ =	swait.ge [sflag:s10], $0x2800  }
0x14: {  	[sflag:s10] =	ssyncset.done $0x0  }
0x15: {  	s18 =	simm.s32 $0x0;
	[sflag:s10] =	ssyncadd.s32 $0xFFFFD800  }
0x16: {  	[tilespmem:s13], [sflag:$0x1] =	stream.indirect.gather [hbm4b:s3+s12], $0x20, s18, s12, $0xb8;
	[tilespmem:$0x7000] =	vst v63  }
0x17: {  	s29 =	simm.s32 $0x2800  }
0x18: {  	[tilespmem:s14], [sflag:$0x2] =	stream.indirect.gather [hbm4b:s4+s12], $0x20, s29, s12, $0xb8;
	[tilespmem:$0x7000] =	vst v63  }
0x19: {  	_ =	swait.ge [sflag:s15], $0x1000  }
0x1a: {  	[sflag:s15] =	ssyncset.done $0x0  }
0x1b: {  	[sflag:s15] =	ssyncadd.s32 $0xFFFFF000  }
0x1c: {  	_ =	swait.ge [sflag:s16], $0x1000  }
0x1d: {  	[sflag:s16] =	ssyncset.done $0x0  }
0x1e: {  	s30 =	sadd.s32 $0x0, s9;
	[sflag:s16] =	ssyncadd.s32 $0xFFFFF000  }
0x1f: {  	[hbm4b:s30+s2] =	stream.linear.scatter [tilespmem:s13], [sflag:$0x3], $0x1000, $0x38;
	[tilespmem:$0x7000] =	vst v63  }
0x20: {  	_ =	swait.ge [sflag:s10], $0x1000  }
0x21: {  	[sflag:s10] =	ssyncset.done $0x0  }
0x22: {  	s31 =	sadd.s32 $0x0, s8;
	[sflag:s10] =	ssyncadd.s32 $0xFFFFF000  }
0x23: {  	[hbm4b:s31+s2] =	stream.linear.scatter [tilespmem:s14], [sflag:$0x3], $0x1000, $0x38;
	[tilespmem:$0x7000] =	vst v63  }
0x24: {  	_ =	swait.ge [sflag:s10], $0x1000  }
0x25: {  	s19 =	simm.s32 $0x400;
	s18 =	simm.s32 $0x200;
	[sflag:s10] =	ssyncset.done $0x0  }
.LBB2_2:
0x26: {  	s20 =	sshra.s32 s18, $0x2  }
0x27: {  	[sflag:s10] =	ssyncadd.s32 $0xFFFFF000;
	s21 =	smov.u32 s19;
	s22 =	sadd.s32 $0x200, s19  }
0x28: {  	[tilespmem:s13], [sflag:$0x1] =	stream.indirect.gather [hbm4b:s3+s12], $0x20, s20, s12, $0xb8;
	[tilespmem:$0x7000] =	vst v63  }
0x29: {  	p0 =	sne.s32 s19, $0x9E00;
	s19 =	sadd.s32 $0x2800, s20  }
0x2a: {  	[tilespmem:s14], [sflag:$0x2] =	stream.indirect.gather [hbm4b:s4+s12], $0x20, s19, s12, $0xb8;
	[tilespmem:$0x7000] =	vst v63  }
0x2b: {  	_ =	swait.ge [sflag:s15], $0x1000  }
0x2c: {  	[sflag:s15] =	ssyncset.done $0x0  }
0x2d: {  	[sflag:s15] =	ssyncadd.s32 $0xFFFFF000  }
0x2e: {  	_ =	swait.ge [sflag:s16], $0x1000  }
0x2f: {  	[sflag:s16] =	ssyncset.done $0x0  }
0x30: {  	s19 =	sadd.s32 s18, s9;
	[sflag:s16] =	ssyncadd.s32 $0xFFFFF000  }
0x31: {  	[hbm4b:s19+s2] =	stream.linear.scatter [tilespmem:s13], [sflag:$0x3], $0x1000, $0x38;
	[tilespmem:$0x7000] =	vst v63  }
0x32: {  	_ =	swait.ge [sflag:s10], $0x1000  }
.Ltmp0:
0x33: {  	[sflag:s10] =	ssyncset.done $0x0;
	(pc) =	sbr.rel @p0 .LBB2_2-.Ltmp0, $4  }
0x34: {  	s19 =	sadd.s32 s18, s8;
	s18 =	smov.u32 s21;
	[sflag:s10] =	ssyncadd.s32 $0xFFFFF000  }
0x35: {  	[hbm4b:s19+s2] =	stream.linear.scatter [tilespmem:s14], [sflag:$0x3], $0x1000, $0x38;
	[tilespmem:$0x7000] =	vst v63  }
0x36: {  	_ =	swait.ge [sflag:s10], $0x1000  }
0x37: {  	s19 =	smov.u32 s22;
	[sflag:s10] =	ssyncset.done $0x0  }
0x38: {  	s19 =	sshra.s32 s18, $0x2;
	[sflag:s10] =	ssyncadd.s32 $0xFFFFF000  }
0x39: {  	[tilespmem:s13], [sflag:$0x1] =	stream.indirect.gather [hbm4b:s3+s12], $0x20, s19, s12, $0xb8;
	[tilespmem:$0x7000] =	vst v63  }
0x3a: {  	s19 =	sadd.s32 $0x2800, s19  }
0x3b: {  	[tilespmem:s14], [sflag:$0x2] =	stream.indirect.gather [hbm4b:s4+s12], $0x20, s19, s12, $0xb8;
	[tilespmem:$0x7000] =	vst v63  }
0x3c: {  	_ =	swait.ge [sflag:s15], $0x1000  }
0x3d: {  	[sflag:s15] =	ssyncset.done $0x0  }
0x3e: {  	[sflag:s15] =	ssyncadd.s32 $0xFFFFF000  }
0x3f: {  	_ =	swait.ge [sflag:s16], $0x1000  }
0x40: {  	[sflag:s16] =	ssyncset.done $0x0  }
0x41: {  	s30 =	sadd.s32 s18, s9;
	[sflag:s16] =	ssyncadd.s32 $0xFFFFF000  }
0x42: {  	[hbm4b:s30+s2] =	stream.linear.scatter [tilespmem:s13], [sflag:$0x3], $0x1000, $0x38;
	[tilespmem:$0x7000] =	vst v63  }
0x43: {  	s17 =	sadd.s32 $0x1, s17;
	_ =	swait.ge [sflag:s10], $0x1000  }
0x44: {  	p0 =	sne.s32 s17, s7;
	[sflag:s10] =	ssyncset.done $0x0  }
.Ltmp1:
0x45: {  	s31 =	sadd.s32 s18, s8;
	[sflag:s10] =	ssyncadd.s32 $0xFFFFF000;
	(pc) =	sbr.rel @p0 .LBB2_1-.Ltmp1, $4  }
0x46: {  	[hbm4b:s31+s2] =	stream.linear.scatter [tilespmem:s14], [sflag:$0x3], $0x1000, $0x38;
	[tilespmem:$0x7000] =	vst v63  }
0x47: {  	_ =	swait.ge [sflag:s10], $0x1000  }
0x48: {  	[sflag:s10] =	ssyncset.done $0x0  }
0x49: {  	[sflag:s10] =	ssyncadd.s32 $0xFFFFF000  }
0x4a: {  	_ =	sfence.sel $0x180000  }
0x4b: {  	[bflag:$0x0] =	sbarrier.arrive $0xFFFF  }
0x4c: {  	p0 =	sne.s32 s1, $0x0;
	_ =	strace $0x9000004D  }
0x4d: {  	s0 =	sadd.s32 @!p0 $0x100000, s0;
	[bflag:$0x2] =	sbarrier.arrive $0xFFFF  }
0x4e: {  	[sflag:s0] =	ssyncadd.tile.s32 @!p0 $0x1;
	_ =	shalt  }
.Lfunc_end2:
_tile_overlayer_lowered:
.L_overlay_start_2:
0x4f: {  	(tag) =	ssettag $0x2  }
0x50: {  	s0 =	rddreg [dreg:$0x0];
	s2 =	stileid.u32  }
0x51: {  	s1 =	rddreg [dreg:$0x1];
	p0 =	sne.s32 s2, $0x0  }
0x52: {  	s3 =	rddreg [dreg:$0x2];
	[bflag:$0x3] =	sbarrier.arrive $0xFFFF;
	s2 =	simm.s32 @!p0 $0x1C03  }
0x53: {  	[timem:s3], [sflag:s2] =	dma.local @!p0 [hbm:s0], s1  }
0x54: {  	s0 =	simm.s32 @!p0 $0x3  }
0x55: {  	_ =	swait.ge @!p0 [sflag:s0], s1  }
0x56: {  	s1 =	ssub.s32 @!p0 $0x0, s1;
	[sflag:s0] =	ssyncset.done @!p0 $0x0  }
0x57: {  	[sflag:s0] =	ssyncadd.s32 @!p0 s1  }
0x58: {  	[bflag:$0x3] =	sbarrier.arrive $0xFFFF  }
0x59: {  	_ =	shalt  }

// kernel: kernel.25.cloned.1.call-start
scs
__scs_entry_jumppad:
0x0: {  	(pc) =	sbr.rel $0x88, $3  }
0x1: {  	(tag) =	ssettag $0x0;
	lr =	simm.s32 $0x1  }
0x2: {  	[smem:$0x3F6B] =	sst lr;
	_ =	strace $0xD0000000  }
0x3: {  	_ = 	snop  }
0x4: {  	_ = 	snop  }
0x5: {  	_ = 	snop  }
0x6: {  	_ = 	snop  }
0x7: {  	_ = 	snop  }
__scs_overlays_trampoline_lowered:
0x8: {  	[smem:$0x3F7A] =	sst s0  }
0x9: {  	[smem:$0x3F7B] =	sst s1  }
0xa: {  	[smem:$0x3F7C] =	sst s2  }
0xb: {  	[smem:$0x3F7D] =	sst s3  }
0xc: {  	[smem:$0x3F7E] =	sst s4  }
0xd: {  	[smem:$0x3F7F] =	sst s5  }
0xe: {  	[smem:$0x3F80] =	sst s6  }
0xf: {  	[smem:$0x3F81] =	sst s7  }
0x10: {  	[smem:$0x3F82] =	sst s8  }
0x11: {  	[smem:$0x3F83] =	sst s9;
	s0 =	simm.s32 @!p0 $0x0  }
0x12: {  	s1 =	sld [smem:$0x3F69];
	s0 =	simm.s32 @p0 $0x1  }
0x13: {  	[smem:$0x3F84] =	sst s0;
	s0 =	simm.s32 @!p1 $0x0  }
0x14: {  	s2 =	sld [smem:$0x3F68];
	s0 =	simm.s32 @p1 $0x1  }
0x15: {  	[smem:$0x3F85] =	sst s0;
	s0 =	simm.s32 @!p2 $0x0  }
0x16: {  	s3 =	sld [smem:$0x3FDB];
	s0 =	simm.s32 @p2 $0x1  }
0x17: {  	s4 =	simm.s32 $0x1BF5;
	[smem:$0x3F87] =	sst s0  }
0x18: {  	s0 =	sld [smem:$0x3F6A];
	_ =	swait.ge [sflag:s4], $0x0  }
0x19: {  	s7 =	sld [smem:$0x3F6B]  }
0x1a: {  	s8 =	sadd.s32 $0xFFFFE003, lr  }
0x1b: {  	s9 =	sadd.s32 $0xFFFFFEF7, lr;
	s5 =	simm.s32 $0xFFFFFFFF;
	p2 =	slt.u32 s8, $0xFFFFF086  }
0x1c: {  	p1 =	slt.u32 s9, $0xF7A;
	s5 =	simm.s32 @!p2 $0x0  }
0x1d: {  	s5 =	simm.s32 @p1 $0x1;
	p0 =	seq.s32 s7, s2  }
0x1e: {  	s7 =	smul.u32 @!p0 $0xF7A, s2;
	p2 =	seq.s32 @!p0 s5, $0x0  }
0x1f: {  	s9 =	smul.u32 $0xF7A, s1;
	s8 =	simm.s32 @!p0 $0x1BF5;
	p2 =	por !p2, p0  }
0x20: {  	[sflag:s8] =	ssyncset.s32 @!p0 $0xFFFFF086;
	s6 =	sadd.s32 @!p0 s3, s7;
	s7 =	simm.s32 @!p0 $0x108  }
0x21: {  	s3 =	sadd.s32 s3, s9;
	s6 =	sadd.s32 @!p0 $0x88, s6;
	s7 =	simm.s32 @p2 $0x1082  }
0x22: {  	[simem:s7], [sflag:s8] =	dma.local @!p0 [hbm:s6], $0xF7A  }
0x23: {  	s9 =	sor.u32 $0xD0000000, s2;
	s6 =	simm.s32 $0x108;
	_ =	swait.ge @!p0 [sflag:s8], $0x0  }
0x24: {  	s3 =	sadd.s32 $0x88, s3;
	s6 =	simm.s32 @!p1 $0x1082;
	[sflag:s4] =	ssyncset.s32 $0xFFFFF086  }
0x25: {  	[simem:s6], [sflag:s4] =	dma.local [hbm:s3], $0xF7A  }
0x26: {  	[smem:$0x3F6B] =	sst s1;
	(tag) =	ssettag s2;
	_ =	strace s9  }
0x27: {  	s1 =	sld [smem:$0x3F7B]  }
0x28: {  	s2 =	sld [smem:$0x3F7C]  }
0x29: {  	s4 =	sld [smem:$0x3F7E]  }
0x2a: {  	p0 =	seq.s32 s5, $0x0;
	s5 =	sld [smem:$0x3F7F]  }
0x2b: {  	s6 =	sld [smem:$0x3F80]  }
0x2c: {  	s7 =	sld [smem:$0x3F81]  }
0x2d: {  	s3 =	simm.s32 $0x108;
	s8 =	sld [smem:$0x3F82]  }
0x2e: {  	s3 =	simm.s32 @!p0 $0x1082;
	s9 =	sld [smem:$0x3F83]  }
0x2f: {  	lr =	sadd.s32 s0, s3;
	s0 =	sld [smem:$0x3F7A]  }
0x30: {  	s3 =	sld [smem:$0x3F7D]  }
0x31: {  	[smem:$0x3F86] =	sst s10  }
0x32: {  	s10 =	sld [smem:$0x3F84];
	_ =	sdelay $0x3  }
0x33: {  	p0 =	seq.s32 s10, $0x1;
	s10 =	sld [smem:$0x3F86];
	_ =	sdelay $0x3  }
0x34: {  	[smem:$0x3F86] =	sst s10  }
0x35: {  	s10 =	sld [smem:$0x3F85];
	_ =	sdelay $0x3  }
0x36: {  	p1 =	seq.s32 s10, $0x1;
	s10 =	sld [smem:$0x3F86];
	_ =	sdelay $0x3  }
0x37: {  	[smem:$0x3F86] =	sst s10  }
0x38: {  	s10 =	sld [smem:$0x3F87]  }
0x39: {  	_ = 	snop;
	(pc) =	sbr.ind lr, $3  }
0x3a: {  	_ = 	snop  }
0x3b: {  	_ = 	snop  }
0x3c: {  	p2 =	seq.s32 s10, $0x1;
	s10 =	sld [smem:$0x3F86]  }
0x3d: {  	_ =	shalt  }
0x3e: {  	_ =	shalt  }
0x3f: {  	_ =	shalt  }
0x40: {  	_ =	shalt  }
0x41: {  	_ =	shalt  }
0x42: {  	_ =	shalt  }
0x43: {  	_ =	shalt  }
0x44: {  	_ =	shalt  }
0x45: {  	_ =	shalt  }
0x46: {  	_ =	shalt  }
0x47: {  	_ =	shalt  }
0x48: {  	_ =	shalt  }
0x49: {  	_ =	shalt  }
0x4a: {  	_ =	shalt  }
0x4b: {  	_ =	shalt  }
0x4c: {  	_ =	shalt  }
0x4d: {  	_ =	shalt  }
0x4e: {  	_ =	shalt  }
0x4f: {  	_ =	shalt  }
0x50: {  	_ =	shalt  }
0x51: {  	_ =	shalt  }
0x52: {  	_ =	shalt  }
0x53: {  	_ =	shalt  }
0x54: {  	_ =	shalt  }
0x55: {  	_ =	shalt  }
0x56: {  	_ =	shalt  }
0x57: {  	_ =	shalt  }
0x58: {  	_ =	shalt  }
0x59: {  	_ =	shalt  }
0x5a: {  	_ =	shalt  }
0x5b: {  	_ =	shalt  }
0x5c: {  	_ =	shalt  }
0x5d: {  	_ =	shalt  }
0x5e: {  	_ =	shalt  }
0x5f: {  	_ =	shalt  }
0x60: {  	_ =	shalt  }
0x61: {  	_ =	shalt  }
0x62: {  	_ =	shalt  }
0x63: {  	_ =	shalt  }
0x64: {  	_ =	shalt  }
0x65: {  	_ =	shalt  }
0x66: {  	_ =	shalt  }
0x67: {  	_ =	shalt  }
0x68: {  	_ =	shalt  }
0x69: {  	_ =	shalt  }
0x6a: {  	_ =	shalt  }
0x6b: {  	_ =	shalt  }
0x6c: {  	_ =	shalt  }
0x6d: {  	_ =	shalt  }
0x6e: {  	_ =	shalt  }
0x6f: {  	_ =	shalt  }
0x70: {  	_ =	shalt  }
0x71: {  	_ =	shalt  }
0x72: {  	_ =	shalt  }
0x73: {  	_ =	shalt  }
0x74: {  	_ =	shalt  }
0x75: {  	_ =	shalt  }
0x76: {  	_ =	shalt  }
0x77: {  	_ =	shalt  }
0x78: {  	_ =	shalt  }
0x79: {  	_ =	shalt  }
0x7a: {  	_ =	shalt  }
0x7b: {  	_ =	shalt  }
0x7c: {  	_ =	shalt  }
0x7d: {  	_ =	shalt  }
0x7e: {  	_ =	shalt  }
0x7f: {  	_ =	shalt  }
0x80: {  	_ =	shalt  }
0x81: {  	_ =	shalt  }
0x82: {  	_ =	shalt  }
0x83: {  	_ =	shalt  }
0x84: {  	_ =	shalt  }
0x85: {  	_ =	shalt  }
0x86: {  	_ =	shalt  }
0x87: {  	_ =	shalt  }
.Lfunc_end0:
.L_simem_size_0:
called_computation.3_lowered:
.L_overlay_start_0:
0x88: {  	s2 =	sld [smem:$0x3FD9]  }
0x89: {  	s3 =	sld [smem:$0x3FFE];
	_ =	sdelay $0x1  }
0x8a: {  	s1 =	srdreg.scid  }
0x8b: {  	s0 =	sand.u32 $0x1, s1  }
0x8c: {  	s16 =	sshll.u32 s0, $0xA;
	s2 =	sadd.s32 s3, s2  }
0x8d: {  	s2 =	sadd.s32 s2, s16  }
0x8e: {  	[smem:$0x3F92] =	sst s2  }
0x8f: {  	_ = 	snop  }
0x90: {  	(tm) =	ssettm $0x1  }
0x91: {  	s17 =	sld [smem:$0x3FFB];
	_ =	sdelay $0x3  }
0x92: {  	_ =	strace s17  }
0x93: {  	s2 =	sld [smem:$0x3FFC];
	_ =	sdelay $0x3  }
0x94: {  	_ =	strace s2  }
0x95: {  	s2 =	sld [smem:$0x3FFD];
	_ =	sdelay $0x3  }
0x96: {  	_ =	strace s2  }
0x97: {  	_ =	strace $0x8FFFFFFF  }
0x98: {  	s18 =	sld [smem:$0x3FDB];
	_ =	sdelay $0x1  }
0x99: {  	s19 =	simm.s32 $_scs_section_size  }
0x9a: {  	s4 =	simm.s32 $_size__tile_overlayer_lowered;
	s5 =	simm.s32 $_tile_overlayer_lowered  }
0x9b: {  	s22 =	simm.s32 $0x1BFF;
	s21 =	sshll.u32 s5, $0x1;
	s2 =	sadd.s32 s19, s18  }
0x9c: {  	s6 =	simm.s32 $0x0;
	s20 =	sshll.u32 s4, $0x1;
	s4 =	sadd.s32 s21, s2  }
0x9d: {  	[timem:s6], [sflag:s22] =	dma.local [hbm:s4], s20  }
0x9e: {  	_ =	swait.ge [sflag:s22], s20  }
0x9f: {  	s3 =	ssub.s32 $0x0, s20;
	[sflag:s22] =	ssyncset.done $0x0  }
0xa0: {  	[sflag:s22] =	ssyncadd.s32 s3;
	_ =	sdelay $0x1  }
0xa1: {  	s23 =	simm.s32 $0x1B8B  }
0xa2: {  	_ =	swait.ge [sflag:s23], $0x1  }
0xa3: {  	[sflag:s23] =	ssyncset.done $0x0  }
0xa4: {  	s25 =	simm.s32 $0x1B8E;
	s24 =	sld [smem:$0x3FFE];
	[sflag:s23] =	ssyncadd.s32 $0xFFFFFFFF  }
0xa5: {  	s26 =	simm.s32 $execute0_lowered;
	[smem:$0x3FD2] =	sst s25  }
0xa6: {  	s4 =	sshll.u32 s26, $0x1;
	_ =	strace $0x8000004F;
	[dreg:$0x1] =	wrdreg $0xFFFFFFFF  }
0xa7: {  	s28 =	simm.s32 $_size_execute0_lowered;
	s2 =	sadd.s32 s2, s4;
	[dreg:$0x0] =	wrdreg $0x0  }
0xa8: {  	s4 =	sshll.u32 s28, $0x1;
	[dreg:$0x2] =	wrdreg s2  }
0xa9: {  	[dreg:$0x3] =	wrdreg s4  }
0xaa: {  	[dreg:$0x4] =	wrdreg $0xC0  }
0xab: {  	_ =	task [dreg:s6], $0x5FFFF  }
0xac: {  	[dreg:$0x1] =	wrdreg $0xFFFFFFFF  }
0xad: {  	[dreg:$0x0] =	wrdreg $0x60  }
0xae: {  	[dreg:$0x2] =	wrdreg s24  }
0xaf: {  	[dreg:$0x3] =	wrdreg $0x88000  }
0xb0: {  	[dreg:$0x4] =	wrdreg $0x9  }
0xb1: {  	_ =	task.clear_ibuf [dreg:s6], $0x5FFFF;
	_ =	strace $0x9000004F  }
0xb2: {  	s29 =	simm.s32 $0x9;
	_ =	strace $0x80000051  }
0xb3: {  	_ =	swait.ge [sflag:s29], $0x1  }
0xb4: {  	[sflag:s29] =	ssyncadd.s32 $0xFFFFFFFF  }
0xb5: {  	_ =	strace $0x90000051  }
0xb6: {  	_ =	sfence  }
0xb7: {  	s30 =	sld [smem:$0x0];
	_ =	sdelay $0x2  }
0xb8: {  	s31 =	sshll.u32 s1, $0xD;
	s1 =	sshrl.u32 s1, $0x2  }
0xb9: {  	s3 =	sand.u32 $0x4000, s31;
	s1 =	sadd.s32 s1, s30  }
0xba: {  	s0 =	sor.u32 s3, s0;
	s1 =	sshll.u32 s1, $0x11  }
0xbb: {  	s0 =	sor.u32 s1, s0  }
0xbc: {  	s0 =	sadd.s32 $0x8F2B, s0  }
0xbd: {  	[sflag:s0] =	ssyncadd.remote.s32 $0x1  }
0xbe: {  	_ =	sfence.sel $0xFFFF  }
0xbf: {  	[dreg:$0x0] =	wrdreg $0xFFFFFFFF;
	(pc) =	sbr.abs _section_cstart, $3  }
0xc0: {  	[dreg:$0x1] =	wrdreg $0xFFFFFFFF  }
0xc1: {  	_ =	task.clear_ibuf [dreg:s6], $0x2FFFF;
	_ =	strace $0x9FFFFFFF  }
0xc2: {  	(tm) =	ssettm $0x7FFFFFFF  }
0xc3: {  	_ =	shalt  }
tec
execute0_lowered:
.L_overlay_start_1:
0x0: {  	(tag) =	ssettag $0x1  }
0x1: {  	s0 =	stileid.u32  }
0x2: {  	s1 =	srdreg.scid;
	s5 =	rddreg [dreg:$0x0]  }
0x3: {  	s2 =	rddreg [dreg:$0x1];
	s3 =	simm.s32 $0x0;
	s6 =	smul.u32 $0x14000, s0  }
0x4: {  	s13 =	simm.s32 $0x80;
	s4 =	sand.u32 $0x1, s1;
	s8 =	smul.u32 $0x5000, s0  }
0x5: {  	s14 =	simm.s32 $0x0;
	s26 =	sshll.u32 s0, $0x1;
	s9 =	smul.u32 $0x50000, s4  }
0x6: {  	[smem:$0x7FF] =	sst s3;
	s1 =	sor.u32 s4, s26;
	s30 =	smul.u32 $0xA000, s4  }
0x7: {  	s11 =	ssub.s32 $0x2, s4;
	s7 =	smul.u32 $0x2800, s1;
	s1 =	rddreg [dreg:$0x2]  }
0x8: {  	_ =	strace $0x80000050;
	s10 =	sadd.s32 s6, s5;
	s29 =	sshrl.u32 s8, $0x3  }
0x9: {  	s12 =	sshrl.u32 s11, $0x1;
	s6 =	sadd.s32 s8, s2;
	s9 =	sadd.s32 s8, s9  }
0xa: {  	s11 =	ssub.s32 s11, s12;
	s31 =	sadd.s32 s30, s10;
	s10 =	simm.s32 $0x1  }
0xb: {  	s12 =	simm.s32 $0x2800;
	s7 =	sshrl.u32 s7, $0x3;
	s9 =	sshrl.u32 s9, $0x3  }
0xc: {  	s8 =	smax.u32 s11, $0x1;
	s11 =	simm.s32 $0x3800;
	s28 =	sadd.s32 s7, s5  }
0xd: {  	s7 =	sadd.s32 s29, s5;
	s9 =	sadd.s32 s9, s5;
	s4 =	sadd.s32 $0x4AC00, s28  }
0xe: {  	s5 =	sadd.s32 $0x36C00, s7;
	s7 =	sadd.s32 $0x19EC00, s9;
	s9 =	sadd.s32 $0x5EC00, s31  }
.LBB2_1:
0xf: {  	[tilespmem:s3], [sflag:$0x1] =	stream.linear.gather [hbm4b:s4+s3], $0x2800, $0x38;
	[tilespmem:$0xD800] =	vst v63  }
0x10: {  	_ =	swait.ge [sflag:s10], $0x2800  }
0x11: {  	[sflag:s10] =	ssyncset.done $0x0  }
0x12: {  	[sflag:s10] =	ssyncadd.s32 $0xFFFFD800  }
0x13: {  	[tilespmem:s11], [sflag:$0x1] =	stream.linear.gather [hbm4b:s5+s3], $0x5000, $0x38;
	[tilespmem:$0xD800] =	vst v63  }
0x14: {  	_ =	swait.ge [sflag:s10], $0x5000  }
0x15: {  	[sflag:s10] =	ssyncset.done $0x0  }
0x16: {  	[sflag:s10] =	ssyncadd.s32 $0xFFFFB000  }
0x17: {  	[spmem:s6] =	stream.linear.scatter [tilespmem:s11], [sflag:$0x1], $0x5000, $0x38;
	[tilespmem:$0xD800] =	vst v63  }
0x18: {  	_ =	swait.ge [sflag:s10], $0x5000  }
0x19: {  	[sflag:s10] =	ssyncset.done $0x0  }
0x1a: {  	[sflag:s10] =	ssyncadd.s32 $0xFFFFB000  }
0x1b: {  	s15 =	sadd.s32 $0x0, s9;
	[bflag:$0x0] =	sbarrier.arrive $0xFFFF  }
0x1c: {  	[tilespmem:s12], [sflag:$0x1] =	stream.linear.gather [hbm4b:s15+s3], $0x1000, $0x38;
	[tilespmem:$0xD800] =	vst v63  }
0x1d: {  	_ =	swait.ge [sflag:s10], $0x1000  }
0x1e: {  	[sflag:s10] =	ssyncset.done $0x0  }
0x1f: {  	s31 =	simm.s32 $0x0;
	[sflag:s10] =	ssyncadd.s32 $0xFFFFF000  }
0x20: {  	[spmem:s2] =	stream.indirect.scatter.add.f32 [tilespmem:s12], [sflag:$0x1], $0x20, s31, s13, $0xb8;
	[tilespmem:$0xD800] =	vst v63  }
0x21: {  	_ =	swait.ge [sflag:s10], $0x1000  }
0x22: {  	s16 =	simm.s32 $0x400;
	s15 =	simm.s32 $0x200;
	[sflag:s10] =	ssyncset.done $0x0  }
.LBB2_2:
0x23: {  	s17 =	sadd.s32 s15, s9  }
0x24: {  	[sflag:s10] =	ssyncadd.s32 $0xFFFFF000;
	s18 =	smov.u32 s16;
	s19 =	sadd.s32 $0x200, s16  }
0x25: {  	[tilespmem:s12], [sflag:$0x1] =	stream.linear.gather [hbm4b:s17+s3], $0x1000, $0x38;
	[tilespmem:$0xD800] =	vst v63  }
0x26: {  	p0 =	sne.s32 s16, $0x9E00;
	_ =	swait.ge [sflag:s10], $0x1000  }
.Ltmp0:
0x27: {  	[sflag:s10] =	ssyncset.done $0x0;
	(pc) =	sbr.rel @p0 .LBB2_2-.Ltmp0, $4  }
0x28: {  	s16 =	sshra.s32 s15, $0x2;
	s15 =	smov.u32 s18;
	[sflag:s10] =	ssyncadd.s32 $0xFFFFF000  }
0x29: {  	[spmem:s2] =	stream.indirect.scatter.add.f32 [tilespmem:s12], [sflag:$0x1], $0x20, s16, s13, $0xb8;
	[tilespmem:$0xD800] =	vst v63  }
0x2a: {  	_ =	swait.ge [sflag:s10], $0x1000  }
0x2b: {  	s16 =	smov.u32 s19;
	[sflag:s10] =	ssyncset.done $0x0  }
0x2c: {  	s16 =	sadd.s32 s15, s9;
	[sflag:s10] =	ssyncadd.s32 $0xFFFFF000  }
0x2d: {  	[tilespmem:s12], [sflag:$0x1] =	stream.linear.gather [hbm4b:s16+s3], $0x1000, $0x38;
	[tilespmem:$0xD800] =	vst v63  }
0x2e: {  	_ =	swait.ge [sflag:s10], $0x1000  }
0x2f: {  	[sflag:s10] =	ssyncset.done $0x0  }
0x30: {  	s31 =	sshra.s32 s15, $0x2;
	[sflag:s10] =	ssyncadd.s32 $0xFFFFF000  }
0x31: {  	[spmem:s2] =	stream.indirect.scatter.add.f32 [tilespmem:s12], [sflag:$0x1], $0x20, s31, s13, $0xb8;
	[tilespmem:$0xD800] =	vst v63  }
0x32: {  	_ =	swait.ge [sflag:s10], $0x1000  }
0x33: {  	[sflag:s10] =	ssyncset.done $0x0  }
0x34: {  	[sflag:s10] =	ssyncadd.s32 $0xFFFFF000  }
0x35: {  	[bflag:$0x0] =	sbarrier.arrive $0xFFFF  }
0x36: {  	[tilespmem:s11], [sflag:$0x1] =	stream.linear.gather [spmem:s6], $0x5000, $0x38;
	[tilespmem:$0xD800] =	vst v63  }
0x37: {  	s14 =	sadd.s32 $0x1, s14;
	_ =	swait.ge [sflag:s10], $0x5000  }
0x38: {  	p0 =	sne.s32 s14, s8;
	[sflag:s10] =	ssyncset.done $0x0  }
.Ltmp1:
0x39: {  	[sflag:s10] =	ssyncadd.s32 $0xFFFFB000;
	(pc) =	sbr.rel @p0 .LBB2_1-.Ltmp1, $4  }
0x3a: {  	[hbm4b:s7+s3] =	stream.linear.scatter [tilespmem:s11], [sflag:$0x1], $0x5000, $0x38;
	[tilespmem:$0xD800] =	vst v63  }
0x3b: {  	_ =	swait.ge [sflag:s10], $0x5000  }
0x3c: {  	[sflag:s10] =	ssyncset.done $0x0  }
0x3d: {  	[sflag:s10] =	ssyncadd.s32 $0xFFFFB000  }
0x3e: {  	_ =	sfence.sel $0x180000  }
0x3f: {  	[bflag:$0x0] =	sbarrier.arrive $0xFFFF  }
0x40: {  	p0 =	sne.s32 s0, $0x0;
	_ =	strace $0x90000050  }
0x41: {  	s0 =	sadd.s32 @!p0 $0x100000, s1;
	[bflag:$0x2] =	sbarrier.arrive $0xFFFF  }
0x42: {  	[sflag:s0] =	ssyncadd.tile.s32 @!p0 $0x1;
	_ =	shalt  }
.Lfunc_end2:
_tile_overlayer_lowered:
.L_overlay_start_2:
0x43: {  	(tag) =	ssettag $0x2  }
0x44: {  	s0 =	rddreg [dreg:$0x0];
	s2 =	stileid.u32  }
0x45: {  	s1 =	rddreg [dreg:$0x1];
	p0 =	sne.s32 s2, $0x0  }
0x46: {  	s3 =	rddreg [dreg:$0x2];
	[bflag:$0x3] =	sbarrier.arrive $0xFFFF;
	s2 =	simm.s32 @!p0 $0x1C01  }
0x47: {  	[timem:s3], [sflag:s2] =	dma.local @!p0 [hbm:s0], s1  }
0x48: {  	s0 =	simm.s32 @!p0 $0x1  }
0x49: {  	_ =	swait.ge @!p0 [sflag:s0], s1  }
0x4a: {  	s1 =	ssub.s32 @!p0 $0x0, s1;
	[sflag:s0] =	ssyncset.done @!p0 $0x0  }
0x4b: {  	[sflag:s0] =	ssyncadd.s32 @!p0 s1  }
0x4c: {  	[bflag:$0x3] =	sbarrier.arrive $0xFFFF  }
0x4d: {  	_ =	shalt  }

// kernel: kernel.28.cloned.1.call-start
scs
__scs_entry_jumppad:
0x0: {  	(pc) =	sbr.rel $0x88, $3  }
0x1: {  	(tag) =	ssettag $0x0;
	lr =	simm.s32 $0x1  }
0x2: {  	[smem:$0x3F6B] =	sst lr;
	_ =	strace $0xD0000000  }
0x3: {  	_ = 	snop  }
0x4: {  	_ = 	snop  }
0x5: {  	_ = 	snop  }
0x6: {  	_ = 	snop  }
0x7: {  	_ = 	snop  }
__scs_overlays_trampoline_lowered:
0x8: {  	[smem:$0x3F7A] =	sst s0  }
0x9: {  	[smem:$0x3F7B] =	sst s1  }
0xa: {  	[smem:$0x3F7C] =	sst s2  }
0xb: {  	[smem:$0x3F7D] =	sst s3  }
0xc: {  	[smem:$0x3F7E] =	sst s4  }
0xd: {  	[smem:$0x3F7F] =	sst s5  }
0xe: {  	[smem:$0x3F80] =	sst s6  }
0xf: {  	[smem:$0x3F81] =	sst s7  }
0x10: {  	[smem:$0x3F82] =	sst s8  }
0x11: {  	[smem:$0x3F83] =	sst s9;
	s0 =	simm.s32 @!p0 $0x0  }
0x12: {  	s1 =	sld [smem:$0x3F69];
	s0 =	simm.s32 @p0 $0x1  }
0x13: {  	[smem:$0x3F84] =	sst s0;
	s0 =	simm.s32 @!p1 $0x0  }
0x14: {  	s2 =	sld [smem:$0x3F68];
	s0 =	simm.s32 @p1 $0x1  }
0x15: {  	[smem:$0x3F85] =	sst s0;
	s0 =	simm.s32 @!p2 $0x0  }
0x16: {  	s3 =	sld [smem:$0x3FDB];
	s0 =	simm.s32 @p2 $0x1  }
0x17: {  	s4 =	simm.s32 $0x1BF5;
	[smem:$0x3F87] =	sst s0  }
0x18: {  	s0 =	sld [smem:$0x3F6A];
	_ =	swait.ge [sflag:s4], $0x0  }
0x19: {  	s7 =	sld [smem:$0x3F6B]  }
0x1a: {  	s8 =	sadd.s32 $0xFFFFE003, lr  }
0x1b: {  	s9 =	sadd.s32 $0xFFFFFEF7, lr;
	s5 =	simm.s32 $0xFFFFFFFF;
	p2 =	slt.u32 s8, $0xFFFFF086  }
0x1c: {  	p1 =	slt.u32 s9, $0xF7A;
	s5 =	simm.s32 @!p2 $0x0  }
0x1d: {  	s5 =	simm.s32 @p1 $0x1;
	p0 =	seq.s32 s7, s2  }
0x1e: {  	s7 =	smul.u32 @!p0 $0xF7A, s2;
	p2 =	seq.s32 @!p0 s5, $0x0  }
0x1f: {  	s9 =	smul.u32 $0xF7A, s1;
	s8 =	simm.s32 @!p0 $0x1BF5;
	p2 =	por !p2, p0  }
0x20: {  	[sflag:s8] =	ssyncset.s32 @!p0 $0xFFFFF086;
	s6 =	sadd.s32 @!p0 s3, s7;
	s7 =	simm.s32 @!p0 $0x108  }
0x21: {  	s3 =	sadd.s32 s3, s9;
	s6 =	sadd.s32 @!p0 $0x88, s6;
	s7 =	simm.s32 @p2 $0x1082  }
0x22: {  	[simem:s7], [sflag:s8] =	dma.local @!p0 [hbm:s6], $0xF7A  }
0x23: {  	s9 =	sor.u32 $0xD0000000, s2;
	s6 =	simm.s32 $0x108;
	_ =	swait.ge @!p0 [sflag:s8], $0x0  }
0x24: {  	s3 =	sadd.s32 $0x88, s3;
	s6 =	simm.s32 @!p1 $0x1082;
	[sflag:s4] =	ssyncset.s32 $0xFFFFF086  }
0x25: {  	[simem:s6], [sflag:s4] =	dma.local [hbm:s3], $0xF7A  }
0x26: {  	[smem:$0x3F6B] =	sst s1;
	(tag) =	ssettag s2;
	_ =	strace s9  }
0x27: {  	s1 =	sld [smem:$0x3F7B]  }
0x28: {  	s2 =	sld [smem:$0x3F7C]  }
0x29: {  	s4 =	sld [smem:$0x3F7E]  }
0x2a: {  	p0 =	seq.s32 s5, $0x0;
	s5 =	sld [smem:$0x3F7F]  }
0x2b: {  	s6 =	sld [smem:$0x3F80]  }
0x2c: {  	s7 =	sld [smem:$0x3F81]  }
0x2d: {  	s3 =	simm.s32 $0x108;
	s8 =	sld [smem:$0x3F82]  }
0x2e: {  	s3 =	simm.s32 @!p0 $0x1082;
	s9 =	sld [smem:$0x3F83]  }
0x2f: {  	lr =	sadd.s32 s0, s3;
	s0 =	sld [smem:$0x3F7A]  }
0x30: {  	s3 =	sld [smem:$0x3F7D]  }
0x31: {  	[smem:$0x3F86] =	sst s10  }
0x32: {  	s10 =	sld [smem:$0x3F84];
	_ =	sdelay $0x3  }
0x33: {  	p0 =	seq.s32 s10, $0x1;
	s10 =	sld [smem:$0x3F86];
	_ =	sdelay $0x3  }
0x34: {  	[smem:$0x3F86] =	sst s10  }
0x35: {  	s10 =	sld [smem:$0x3F85];
	_ =	sdelay $0x3  }
0x36: {  	p1 =	seq.s32 s10, $0x1;
	s10 =	sld [smem:$0x3F86];
	_ =	sdelay $0x3  }
0x37: {  	[smem:$0x3F86] =	sst s10  }
0x38: {  	s10 =	sld [smem:$0x3F87]  }
0x39: {  	_ = 	snop;
	(pc) =	sbr.ind lr, $3  }
0x3a: {  	_ = 	snop  }
0x3b: {  	_ = 	snop  }
0x3c: {  	p2 =	seq.s32 s10, $0x1;
	s10 =	sld [smem:$0x3F86]  }
0x3d: {  	_ =	shalt  }
0x3e: {  	_ =	shalt  }
0x3f: {  	_ =	shalt  }
0x40: {  	_ =	shalt  }
0x41: {  	_ =	shalt  }
0x42: {  	_ =	shalt  }
0x43: {  	_ =	shalt  }
0x44: {  	_ =	shalt  }
0x45: {  	_ =	shalt  }
0x46: {  	_ =	shalt  }
0x47: {  	_ =	shalt  }
0x48: {  	_ =	shalt  }
0x49: {  	_ =	shalt  }
0x4a: {  	_ =	shalt  }
0x4b: {  	_ =	shalt  }
0x4c: {  	_ =	shalt  }
0x4d: {  	_ =	shalt  }
0x4e: {  	_ =	shalt  }
0x4f: {  	_ =	shalt  }
0x50: {  	_ =	shalt  }
0x51: {  	_ =	shalt  }
0x52: {  	_ =	shalt  }
0x53: {  	_ =	shalt  }
0x54: {  	_ =	shalt  }
0x55: {  	_ =	shalt  }
0x56: {  	_ =	shalt  }
0x57: {  	_ =	shalt  }
0x58: {  	_ =	shalt  }
0x59: {  	_ =	shalt  }
0x5a: {  	_ =	shalt  }
0x5b: {  	_ =	shalt  }
0x5c: {  	_ =	shalt  }
0x5d: {  	_ =	shalt  }
0x5e: {  	_ =	shalt  }
0x5f: {  	_ =	shalt  }
0x60: {  	_ =	shalt  }
0x61: {  	_ =	shalt  }
0x62: {  	_ =	shalt  }
0x63: {  	_ =	shalt  }
0x64: {  	_ =	shalt  }
0x65: {  	_ =	shalt  }
0x66: {  	_ =	shalt  }
0x67: {  	_ =	shalt  }
0x68: {  	_ =	shalt  }
0x69: {  	_ =	shalt  }
0x6a: {  	_ =	shalt  }
0x6b: {  	_ =	shalt  }
0x6c: {  	_ =	shalt  }
0x6d: {  	_ =	shalt  }
0x6e: {  	_ =	shalt  }
0x6f: {  	_ =	shalt  }
0x70: {  	_ =	shalt  }
0x71: {  	_ =	shalt  }
0x72: {  	_ =	shalt  }
0x73: {  	_ =	shalt  }
0x74: {  	_ =	shalt  }
0x75: {  	_ =	shalt  }
0x76: {  	_ =	shalt  }
0x77: {  	_ =	shalt  }
0x78: {  	_ =	shalt  }
0x79: {  	_ =	shalt  }
0x7a: {  	_ =	shalt  }
0x7b: {  	_ =	shalt  }
0x7c: {  	_ =	shalt  }
0x7d: {  	_ =	shalt  }
0x7e: {  	_ =	shalt  }
0x7f: {  	_ =	shalt  }
0x80: {  	_ =	shalt  }
0x81: {  	_ =	shalt  }
0x82: {  	_ =	shalt  }
0x83: {  	_ =	shalt  }
0x84: {  	_ =	shalt  }
0x85: {  	_ =	shalt  }
0x86: {  	_ =	shalt  }
0x87: {  	_ =	shalt  }
.Lfunc_end0:
.L_simem_size_0:
called_computation.4_lowered:
.L_overlay_start_0:
0x88: {  	s2 =	sld [smem:$0x3FD9]  }
0x89: {  	s3 =	sld [smem:$0x3FFE];
	_ =	sdelay $0x1  }
0x8a: {  	s1 =	srdreg.scid  }
0x8b: {  	s0 =	sand.u32 $0x1, s1  }
0x8c: {  	s16 =	sshll.u32 s0, $0xA;
	s2 =	sadd.s32 s3, s2  }
0x8d: {  	s2 =	sadd.s32 s2, s16  }
0x8e: {  	[smem:$0x3F92] =	sst s2  }
0x8f: {  	_ = 	snop  }
0x90: {  	(tm) =	ssettm $0x1  }
0x91: {  	s17 =	sld [smem:$0x3FFB];
	_ =	sdelay $0x3  }
0x92: {  	_ =	strace s17  }
0x93: {  	s2 =	sld [smem:$0x3FFC];
	_ =	sdelay $0x3  }
0x94: {  	_ =	strace s2  }
0x95: {  	s2 =	sld [smem:$0x3FFD];
	_ =	sdelay $0x3  }
0x96: {  	_ =	strace s2  }
0x97: {  	_ =	strace $0x8FFFFFFF  }
0x98: {  	s18 =	sld [smem:$0x3FDB];
	_ =	sdelay $0x1  }
0x99: {  	s19 =	simm.s32 $_scs_section_size  }
0x9a: {  	s4 =	simm.s32 $_size__tile_overlayer_lowered;
	s5 =	simm.s32 $_tile_overlayer_lowered  }
0x9b: {  	s22 =	simm.s32 $0x1BFF;
	s21 =	sshll.u32 s5, $0x1;
	s2 =	sadd.s32 s19, s18  }
0x9c: {  	s6 =	simm.s32 $0x0;
	s20 =	sshll.u32 s4, $0x1;
	s4 =	sadd.s32 s21, s2  }
0x9d: {  	[timem:s6], [sflag:s22] =	dma.local [hbm:s4], s20  }
0x9e: {  	_ =	swait.ge [sflag:s22], s20  }
0x9f: {  	s3 =	ssub.s32 $0x0, s20;
	[sflag:s22] =	ssyncset.done $0x0  }
0xa0: {  	[sflag:s22] =	ssyncadd.s32 s3;
	_ =	sdelay $0x1  }
0xa1: {  	s23 =	simm.s32 $0x1B8B  }
0xa2: {  	_ =	swait.ge [sflag:s23], $0x1  }
0xa3: {  	[sflag:s23] =	ssyncset.done $0x0  }
0xa4: {  	s25 =	simm.s32 $0x1B8E;
	s24 =	sld [smem:$0x3FFE];
	[sflag:s23] =	ssyncadd.s32 $0xFFFFFFFF  }
0xa5: {  	s26 =	simm.s32 $execute0_lowered;
	[smem:$0x3FD2] =	sst s25  }
0xa6: {  	s4 =	sshll.u32 s26, $0x1;
	_ =	strace $0x80000052;
	[dreg:$0x1] =	wrdreg $0xFFFFFFFF  }
0xa7: {  	s28 =	simm.s32 $_size_execute0_lowered;
	s2 =	sadd.s32 s2, s4;
	[dreg:$0x0] =	wrdreg $0x0  }
0xa8: {  	s4 =	sshll.u32 s28, $0x1;
	[dreg:$0x2] =	wrdreg s2  }
0xa9: {  	[dreg:$0x3] =	wrdreg s4  }
0xaa: {  	[dreg:$0x4] =	wrdreg $0xC0  }
0xab: {  	_ =	task [dreg:s6], $0x5FFFF  }
0xac: {  	[dreg:$0x1] =	wrdreg $0xFFFFFFFF  }
0xad: {  	[dreg:$0x0] =	wrdreg $0x60  }
0xae: {  	[dreg:$0x2] =	wrdreg s24  }
0xaf: {  	[dreg:$0x3] =	wrdreg $0x9  }
0xb0: {  	_ =	task.clear_ibuf [dreg:s6], $0x4FFFF;
	_ =	strace $0x90000052  }
0xb1: {  	s29 =	simm.s32 $0x9;
	_ =	strace $0x80000054  }
0xb2: {  	_ =	swait.ge [sflag:s29], $0x1  }
0xb3: {  	[sflag:s29] =	ssyncadd.s32 $0xFFFFFFFF  }
0xb4: {  	_ =	strace $0x90000054  }
0xb5: {  	_ =	sfence  }
0xb6: {  	s30 =	sld [smem:$0x0];
	_ =	sdelay $0x2  }
0xb7: {  	s31 =	sshll.u32 s1, $0xD;
	s1 =	sshrl.u32 s1, $0x2  }
0xb8: {  	s3 =	sand.u32 $0x4000, s31;
	s1 =	sadd.s32 s1, s30  }
0xb9: {  	s0 =	sor.u32 s3, s0;
	s1 =	sshll.u32 s1, $0x11  }
0xba: {  	s0 =	sor.u32 s1, s0  }
0xbb: {  	s0 =	sadd.s32 $0x8F2B, s0  }
0xbc: {  	[sflag:s0] =	ssyncadd.remote.s32 $0x1  }
0xbd: {  	_ =	sfence.sel $0xFFFF  }
0xbe: {  	[dreg:$0x0] =	wrdreg $0xFFFFFFFF;
	(pc) =	sbr.abs _section_cstart, $3  }
0xbf: {  	[dreg:$0x1] =	wrdreg $0xFFFFFFFF  }
0xc0: {  	_ =	task.clear_ibuf [dreg:s6], $0x2FFFF;
	_ =	strace $0x9FFFFFFF  }
0xc1: {  	(tm) =	ssettm $0x7FFFFFFF  }
tec
execute0_lowered:
.L_overlay_start_1:
0x0: {  	(tag) =	ssettag $0x1  }
0x1: {  	s5 =	rddreg [dreg:$0x0]  }
0x2: {  	s0 =	rddreg [dreg:$0x1]  }
0x3: {  	s3 =	srdreg.scid;
	s1 =	stileid.u32;
	s2 =	simm.s32 $0x0  }
0x4: {  	s11 =	simm.s32 $0x2800;
	s12 =	simm.s32 $0x80;
	s13 =	simm.s32 $0x5000  }
0x5: {  	s14 =	simm.s32 $0x6000;
	s15 =	simm.s32 $0x1;
	s16 =	simm.s32 $0x2  }
0x6: {  	s17 =	simm.s32 $0x0;
	s6 =	sand.u32 $0x1, s3;
	s30 =	sshll.u32 s1, $0x1  }
0x7: {  	[smem:$0x7FF] =	sst s2;
	s8 =	smul.u32 $0x14000, s1;
	s3 =	sor.u32 s6, s30  }
0x8: {  	s4 =	sadd.s32 $0x68C00, s5;
	_ =	strace $0x80000053;
	s7 =	smul.u32 $0x2800, s3  }
0x9: {  	s9 =	ssub.s32 $0x2, s6;
	s6 =	smul.u32 $0xA000, s6;
	s3 =	sadd.s32 $0x5EC00, s5  }
0xa: {  	s8 =	sadd.s32 s8, s5;
	s31 =	sshrl.u32 s9, $0x1;
	s7 =	sshrl.u32 s7, $0x3  }
0xb: {  	s9 =	ssub.s32 s9, s31;
	s10 =	sadd.s32 s6, s8;
	s7 =	sadd.s32 s7, s5  }
0xc: {  	s8 =	sadd.s32 $0x1B2C00, s10;
	s5 =	sadd.s32 $0x4AC00, s7;
	s6 =	sadd.s32 $0x54C00, s7  }
0xd: {  	s7 =	smax.u32 s9, $0x1;
	s9 =	sadd.s32 $0x72C00, s10;
	s10 =	simm.s32 $0x3  }
.LBB2_1:
0xe: {  	[tilespmem:s2], [sflag:$0x3] =	stream.linear.gather [hbm4b:s5+s2], $0x2800, $0x38;
	[tilespmem:$0x7000] =	vst v63  }
0xf: {  	_ =	swait.ge [sflag:s10], $0x2800  }
0x10: {  	[sflag:s10] =	ssyncset.done $0x0  }
0x11: {  	[sflag:s10] =	ssyncadd.s32 $0xFFFFD800  }
0x12: {  	[tilespmem:s11], [sflag:$0x3] =	stream.linear.gather [hbm4b:s6+s2], $0x2800, $0x38;
	[tilespmem:$0x7000] =	vst v63  }
0x13: {  	_ =	swait.ge [sflag:s10], $0x2800  }
0x14: {  	[sflag:s10] =	ssyncset.done $0x0  }
0x15: {  	s18 =	simm.s32 $0x0;
	[sflag:s10] =	ssyncadd.s32 $0xFFFFD800  }
0x16: {  	[tilespmem:s13], [sflag:$0x1] =	stream.indirect.gather [hbm4b:s3+s12], $0x20, s18, s12, $0xb8;
	[tilespmem:$0x7000] =	vst v63  }
0x17: {  	s29 =	simm.s32 $0x2800  }
0x18: {  	[tilespmem:s14], [sflag:$0x2] =	stream.indirect.gather [hbm4b:s4+s12], $0x20, s29, s12, $0xb8;
	[tilespmem:$0x7000] =	vst v63  }
0x19: {  	_ =	swait.ge [sflag:s15], $0x1000  }
0x1a: {  	[sflag:s15] =	ssyncset.done $0x0  }
0x1b: {  	[sflag:s15] =	ssyncadd.s32 $0xFFFFF000  }
0x1c: {  	_ =	swait.ge [sflag:s16], $0x1000  }
0x1d: {  	[sflag:s16] =	ssyncset.done $0x0  }
0x1e: {  	s30 =	sadd.s32 $0x0, s9;
	[sflag:s16] =	ssyncadd.s32 $0xFFFFF000  }
0x1f: {  	[hbm4b:s30+s2] =	stream.linear.scatter [tilespmem:s13], [sflag:$0x3], $0x1000, $0x38;
	[tilespmem:$0x7000] =	vst v63  }
0x20: {  	_ =	swait.ge [sflag:s10], $0x1000  }
0x21: {  	[sflag:s10] =	ssyncset.done $0x0  }
0x22: {  	s31 =	sadd.s32 $0x0, s8;
	[sflag:s10] =	ssyncadd.s32 $0xFFFFF000  }
0x23: {  	[hbm4b:s31+s2] =	stream.linear.scatter [tilespmem:s14], [sflag:$0x3], $0x1000, $0x38;
	[tilespmem:$0x7000] =	vst v63  }
0x24: {  	_ =	swait.ge [sflag:s10], $0x1000  }
0x25: {  	s19 =	simm.s32 $0x400;
	s18 =	simm.s32 $0x200;
	[sflag:s10] =	ssyncset.done $0x0  }
.LBB2_2:
0x26: {  	s20 =	sshra.s32 s18, $0x2  }
0x27: {  	[sflag:s10] =	ssyncadd.s32 $0xFFFFF000;
	s21 =	smov.u32 s19;
	s22 =	sadd.s32 $0x200, s19  }
0x28: {  	[tilespmem:s13], [sflag:$0x1] =	stream.indirect.gather [hbm4b:s3+s12], $0x20, s20, s12, $0xb8;
	[tilespmem:$0x7000] =	vst v63  }
0x29: {  	p0 =	sne.s32 s19, $0x9E00;
	s19 =	sadd.s32 $0x2800, s20  }
0x2a: {  	[tilespmem:s14], [sflag:$0x2] =	stream.indirect.gather [hbm4b:s4+s12], $0x20, s19, s12, $0xb8;
	[tilespmem:$0x7000] =	vst v63  }
0x2b: {  	_ =	swait.ge [sflag:s15], $0x1000  }
0x2c: {  	[sflag:s15] =	ssyncset.done $0x0  }
0x2d: {  	[sflag:s15] =	ssyncadd.s32 $0xFFFFF000  }
0x2e: {  	_ =	swait.ge [sflag:s16], $0x1000  }
0x2f: {  	[sflag:s16] =	ssyncset.done $0x0  }
0x30: {  	s19 =	sadd.s32 s18, s9;
	[sflag:s16] =	ssyncadd.s32 $0xFFFFF000  }
0x31: {  	[hbm4b:s19+s2] =	stream.linear.scatter [tilespmem:s13], [sflag:$0x3], $0x1000, $0x38;
	[tilespmem:$0x7000] =	vst v63  }
0x32: {  	_ =	swait.ge [sflag:s10], $0x1000  }
.Ltmp0:
0x33: {  	[sflag:s10] =	ssyncset.done $0x0;
	(pc) =	sbr.rel @p0 .LBB2_2-.Ltmp0, $4  }
0x34: {  	s19 =	sadd.s32 s18, s8;
	s18 =	smov.u32 s21;
	[sflag:s10] =	ssyncadd.s32 $0xFFFFF000  }
0x35: {  	[hbm4b:s19+s2] =	stream.linear.scatter [tilespmem:s14], [sflag:$0x3], $0x1000, $0x38;
	[tilespmem:$0x7000] =	vst v63  }
0x36: {  	_ =	swait.ge [sflag:s10], $0x1000  }
0x37: {  	s19 =	smov.u32 s22;
	[sflag:s10] =	ssyncset.done $0x0  }
0x38: {  	s19 =	sshra.s32 s18, $0x2;
	[sflag:s10] =	ssyncadd.s32 $0xFFFFF000  }
0x39: {  	[tilespmem:s13], [sflag:$0x1] =	stream.indirect.gather [hbm4b:s3+s12], $0x20, s19, s12, $0xb8;
	[tilespmem:$0x7000] =	vst v63  }
0x3a: {  	s19 =	sadd.s32 $0x2800, s19  }
0x3b: {  	[tilespmem:s14], [sflag:$0x2] =	stream.indirect.gather [hbm4b:s4+s12], $0x20, s19, s12, $0xb8;
	[tilespmem:$0x7000] =	vst v63  }
0x3c: {  	_ =	swait.ge [sflag:s15], $0x1000  }
0x3d: {  	[sflag:s15] =	ssyncset.done $0x0  }
0x3e: {  	[sflag:s15] =	ssyncadd.s32 $0xFFFFF000  }
0x3f: {  	_ =	swait.ge [sflag:s16], $0x1000  }
0x40: {  	[sflag:s16] =	ssyncset.done $0x0  }
0x41: {  	s30 =	sadd.s32 s18, s9;
	[sflag:s16] =	ssyncadd.s32 $0xFFFFF000  }
0x42: {  	[hbm4b:s30+s2] =	stream.linear.scatter [tilespmem:s13], [sflag:$0x3], $0x1000, $0x38;
	[tilespmem:$0x7000] =	vst v63  }
0x43: {  	s17 =	sadd.s32 $0x1, s17;
	_ =	swait.ge [sflag:s10], $0x1000  }
0x44: {  	p0 =	sne.s32 s17, s7;
	[sflag:s10] =	ssyncset.done $0x0  }
.Ltmp1:
0x45: {  	s31 =	sadd.s32 s18, s8;
	[sflag:s10] =	ssyncadd.s32 $0xFFFFF000;
	(pc) =	sbr.rel @p0 .LBB2_1-.Ltmp1, $4  }
0x46: {  	[hbm4b:s31+s2] =	stream.linear.scatter [tilespmem:s14], [sflag:$0x3], $0x1000, $0x38;
	[tilespmem:$0x7000] =	vst v63  }
0x47: {  	_ =	swait.ge [sflag:s10], $0x1000  }
0x48: {  	[sflag:s10] =	ssyncset.done $0x0  }
0x49: {  	[sflag:s10] =	ssyncadd.s32 $0xFFFFF000  }
0x4a: {  	_ =	sfence.sel $0x180000  }
0x4b: {  	[bflag:$0x0] =	sbarrier.arrive $0xFFFF  }
0x4c: {  	p0 =	sne.s32 s1, $0x0;
	_ =	strace $0x90000053  }
0x4d: {  	s0 =	sadd.s32 @!p0 $0x100000, s0;
	[bflag:$0x2] =	sbarrier.arrive $0xFFFF  }
0x4e: {  	[sflag:s0] =	ssyncadd.tile.s32 @!p0 $0x1;
	_ =	shalt  }
.Lfunc_end2:
_tile_overlayer_lowered:
.L_overlay_start_2:
0x4f: {  	(tag) =	ssettag $0x2  }
0x50: {  	s0 =	rddreg [dreg:$0x0];
	s2 =	stileid.u32  }
0x51: {  	s1 =	rddreg [dreg:$0x1];
	p0 =	sne.s32 s2, $0x0  }
0x52: {  	s3 =	rddreg [dreg:$0x2];
	[bflag:$0x3] =	sbarrier.arrive $0xFFFF;
	s2 =	simm.s32 @!p0 $0x1C03  }
0x53: {  	[timem:s3], [sflag:s2] =	dma.local @!p0 [hbm:s0], s1  }
0x54: {  	s0 =	simm.s32 @!p0 $0x3  }
0x55: {  	_ =	swait.ge @!p0 [sflag:s0], s1  }
0x56: {  	s1 =	ssub.s32 @!p0 $0x0, s1;
	[sflag:s0] =	ssyncset.done @!p0 $0x0  }
0x57: {  	[sflag:s0] =	ssyncadd.s32 @!p0 s1  }
0x58: {  	[bflag:$0x3] =	sbarrier.arrive $0xFFFF  }
0x59: {  	_ =	shalt  }

// kernel: kernel.31.cloned.1.call-start
scs
__scs_entry_jumppad:
0x0: {  	(pc) =	sbr.rel $0x88, $3  }
0x1: {  	(tag) =	ssettag $0x0;
	lr =	simm.s32 $0x1  }
0x2: {  	[smem:$0x3F6B] =	sst lr;
	_ =	strace $0xD0000000  }
0x3: {  	_ = 	snop  }
0x4: {  	_ = 	snop  }
0x5: {  	_ = 	snop  }
0x6: {  	_ = 	snop  }
0x7: {  	_ = 	snop  }
__scs_overlays_trampoline_lowered:
0x8: {  	[smem:$0x3F7A] =	sst s0  }
0x9: {  	[smem:$0x3F7B] =	sst s1  }
0xa: {  	[smem:$0x3F7C] =	sst s2  }
0xb: {  	[smem:$0x3F7D] =	sst s3  }
0xc: {  	[smem:$0x3F7E] =	sst s4  }
0xd: {  	[smem:$0x3F7F] =	sst s5  }
0xe: {  	[smem:$0x3F80] =	sst s6  }
0xf: {  	[smem:$0x3F81] =	sst s7  }
0x10: {  	[smem:$0x3F82] =	sst s8  }
0x11: {  	[smem:$0x3F83] =	sst s9;
	s0 =	simm.s32 @!p0 $0x0  }
0x12: {  	s1 =	sld [smem:$0x3F69];
	s0 =	simm.s32 @p0 $0x1  }
0x13: {  	[smem:$0x3F84] =	sst s0;
	s0 =	simm.s32 @!p1 $0x0  }
0x14: {  	s2 =	sld [smem:$0x3F68];
	s0 =	simm.s32 @p1 $0x1  }
0x15: {  	[smem:$0x3F85] =	sst s0;
	s0 =	simm.s32 @!p2 $0x0  }
0x16: {  	s3 =	sld [smem:$0x3FDB];
	s0 =	simm.s32 @p2 $0x1  }
0x17: {  	s4 =	simm.s32 $0x1BF5;
	[smem:$0x3F87] =	sst s0  }
0x18: {  	s0 =	sld [smem:$0x3F6A];
	_ =	swait.ge [sflag:s4], $0x0  }
0x19: {  	s7 =	sld [smem:$0x3F6B]  }
0x1a: {  	s8 =	sadd.s32 $0xFFFFE003, lr  }
0x1b: {  	s9 =	sadd.s32 $0xFFFFFEF7, lr;
	s5 =	simm.s32 $0xFFFFFFFF;
	p2 =	slt.u32 s8, $0xFFFFF086  }
0x1c: {  	p1 =	slt.u32 s9, $0xF7A;
	s5 =	simm.s32 @!p2 $0x0  }
0x1d: {  	s5 =	simm.s32 @p1 $0x1;
	p0 =	seq.s32 s7, s2  }
0x1e: {  	s7 =	smul.u32 @!p0 $0xF7A, s2;
	p2 =	seq.s32 @!p0 s5, $0x0  }
0x1f: {  	s9 =	smul.u32 $0xF7A, s1;
	s8 =	simm.s32 @!p0 $0x1BF5;
	p2 =	por !p2, p0  }
0x20: {  	[sflag:s8] =	ssyncset.s32 @!p0 $0xFFFFF086;
	s6 =	sadd.s32 @!p0 s3, s7;
	s7 =	simm.s32 @!p0 $0x108  }
0x21: {  	s3 =	sadd.s32 s3, s9;
	s6 =	sadd.s32 @!p0 $0x88, s6;
	s7 =	simm.s32 @p2 $0x1082  }
0x22: {  	[simem:s7], [sflag:s8] =	dma.local @!p0 [hbm:s6], $0xF7A  }
0x23: {  	s9 =	sor.u32 $0xD0000000, s2;
	s6 =	simm.s32 $0x108;
	_ =	swait.ge @!p0 [sflag:s8], $0x0  }
0x24: {  	s3 =	sadd.s32 $0x88, s3;
	s6 =	simm.s32 @!p1 $0x1082;
	[sflag:s4] =	ssyncset.s32 $0xFFFFF086  }
0x25: {  	[simem:s6], [sflag:s4] =	dma.local [hbm:s3], $0xF7A  }
0x26: {  	[smem:$0x3F6B] =	sst s1;
	(tag) =	ssettag s2;
	_ =	strace s9  }
0x27: {  	s1 =	sld [smem:$0x3F7B]  }
0x28: {  	s2 =	sld [smem:$0x3F7C]  }
0x29: {  	s4 =	sld [smem:$0x3F7E]  }
0x2a: {  	p0 =	seq.s32 s5, $0x0;
	s5 =	sld [smem:$0x3F7F]  }
0x2b: {  	s6 =	sld [smem:$0x3F80]  }
0x2c: {  	s7 =	sld [smem:$0x3F81]  }
0x2d: {  	s3 =	simm.s32 $0x108;
	s8 =	sld [smem:$0x3F82]  }
0x2e: {  	s3 =	simm.s32 @!p0 $0x1082;
	s9 =	sld [smem:$0x3F83]  }
0x2f: {  	lr =	sadd.s32 s0, s3;
	s0 =	sld [smem:$0x3F7A]  }
0x30: {  	s3 =	sld [smem:$0x3F7D]  }
0x31: {  	[smem:$0x3F86] =	sst s10  }
0x32: {  	s10 =	sld [smem:$0x3F84];
	_ =	sdelay $0x3  }
0x33: {  	p0 =	seq.s32 s10, $0x1;
	s10 =	sld [smem:$0x3F86];
	_ =	sdelay $0x3  }
0x34: {  	[smem:$0x3F86] =	sst s10  }
0x35: {  	s10 =	sld [smem:$0x3F85];
	_ =	sdelay $0x3  }
0x36: {  	p1 =	seq.s32 s10, $0x1;
	s10 =	sld [smem:$0x3F86];
	_ =	sdelay $0x3  }
0x37: {  	[smem:$0x3F86] =	sst s10  }
0x38: {  	s10 =	sld [smem:$0x3F87]  }
0x39: {  	_ = 	snop;
	(pc) =	sbr.ind lr, $3  }
0x3a: {  	_ = 	snop  }
0x3b: {  	_ = 	snop  }
0x3c: {  	p2 =	seq.s32 s10, $0x1;
	s10 =	sld [smem:$0x3F86]  }
0x3d: {  	_ =	shalt  }
0x3e: {  	_ =	shalt  }
0x3f: {  	_ =	shalt  }
0x40: {  	_ =	shalt  }
0x41: {  	_ =	shalt  }
0x42: {  	_ =	shalt  }
0x43: {  	_ =	shalt  }
0x44: {  	_ =	shalt  }
0x45: {  	_ =	shalt  }
0x46: {  	_ =	shalt  }
0x47: {  	_ =	shalt  }
0x48: {  	_ =	shalt  }
0x49: {  	_ =	shalt  }
0x4a: {  	_ =	shalt  }
0x4b: {  	_ =	shalt  }
0x4c: {  	_ =	shalt  }
0x4d: {  	_ =	shalt  }
0x4e: {  	_ =	shalt  }
0x4f: {  	_ =	shalt  }
0x50: {  	_ =	shalt  }
0x51: {  	_ =	shalt  }
0x52: {  	_ =	shalt  }
0x53: {  	_ =	shalt  }
0x54: {  	_ =	shalt  }
0x55: {  	_ =	shalt  }
0x56: {  	_ =	shalt  }
0x57: {  	_ =	shalt  }
0x58: {  	_ =	shalt  }
0x59: {  	_ =	shalt  }
0x5a: {  	_ =	shalt  }
0x5b: {  	_ =	shalt  }
0x5c: {  	_ =	shalt  }
0x5d: {  	_ =	shalt  }
0x5e: {  	_ =	shalt  }
0x5f: {  	_ =	shalt  }
0x60: {  	_ =	shalt  }
0x61: {  	_ =	shalt  }
0x62: {  	_ =	shalt  }
0x63: {  	_ =	shalt  }
0x64: {  	_ =	shalt  }
0x65: {  	_ =	shalt  }
0x66: {  	_ =	shalt  }
0x67: {  	_ =	shalt  }
0x68: {  	_ =	shalt  }
0x69: {  	_ =	shalt  }
0x6a: {  	_ =	shalt  }
0x6b: {  	_ =	shalt  }
0x6c: {  	_ =	shalt  }
0x6d: {  	_ =	shalt  }
0x6e: {  	_ =	shalt  }
0x6f: {  	_ =	shalt  }
0x70: {  	_ =	shalt  }
0x71: {  	_ =	shalt  }
0x72: {  	_ =	shalt  }
0x73: {  	_ =	shalt  }
0x74: {  	_ =	shalt  }
0x75: {  	_ =	shalt  }
0x76: {  	_ =	shalt  }
0x77: {  	_ =	shalt  }
0x78: {  	_ =	shalt  }
0x79: {  	_ =	shalt  }
0x7a: {  	_ =	shalt  }
0x7b: {  	_ =	shalt  }
0x7c: {  	_ =	shalt  }
0x7d: {  	_ =	shalt  }
0x7e: {  	_ =	shalt  }
0x7f: {  	_ =	shalt  }
0x80: {  	_ =	shalt  }
0x81: {  	_ =	shalt  }
0x82: {  	_ =	shalt  }
0x83: {  	_ =	shalt  }
0x84: {  	_ =	shalt  }
0x85: {  	_ =	shalt  }
0x86: {  	_ =	shalt  }
0x87: {  	_ =	shalt  }
.Lfunc_end0:
.L_simem_size_0:
called_computation.5_lowered:
.L_overlay_start_0:
0x88: {  	s2 =	sld [smem:$0x3FD9]  }
0x89: {  	s3 =	sld [smem:$0x3FFE];
	_ =	sdelay $0x1  }
0x8a: {  	s1 =	srdreg.scid  }
0x8b: {  	s0 =	sand.u32 $0x1, s1  }
0x8c: {  	s16 =	sshll.u32 s0, $0xA;
	s2 =	sadd.s32 s3, s2  }
0x8d: {  	s2 =	sadd.s32 s2, s16  }
0x8e: {  	[smem:$0x3F92] =	sst s2  }
0x8f: {  	_ = 	snop  }
0x90: {  	(tm) =	ssettm $0x1  }
0x91: {  	s17 =	sld [smem:$0x3FFB];
	_ =	sdelay $0x3  }
0x92: {  	_ =	strace s17  }
0x93: {  	s2 =	sld [smem:$0x3FFC];
	_ =	sdelay $0x3  }
0x94: {  	_ =	strace s2  }
0x95: {  	s2 =	sld [smem:$0x3FFD];
	_ =	sdelay $0x3  }
0x96: {  	_ =	strace s2  }
0x97: {  	_ =	strace $0x8FFFFFFF  }
0x98: {  	s18 =	sld [smem:$0x3FDB];
	_ =	sdelay $0x1  }
0x99: {  	s19 =	simm.s32 $_scs_section_size  }
0x9a: {  	s4 =	simm.s32 $_size__tile_overlayer_lowered;
	s5 =	simm.s32 $_tile_overlayer_lowered  }
0x9b: {  	s22 =	simm.s32 $0x1BFF;
	s21 =	sshll.u32 s5, $0x1;
	s2 =	sadd.s32 s19, s18  }
0x9c: {  	s6 =	simm.s32 $0x0;
	s20 =	sshll.u32 s4, $0x1;
	s4 =	sadd.s32 s21, s2  }
0x9d: {  	[timem:s6], [sflag:s22] =	dma.local [hbm:s4], s20  }
0x9e: {  	_ =	swait.ge [sflag:s22], s20  }
0x9f: {  	s3 =	ssub.s32 $0x0, s20;
	[sflag:s22] =	ssyncset.done $0x0  }
0xa0: {  	[sflag:s22] =	ssyncadd.s32 s3;
	_ =	sdelay $0x1  }
0xa1: {  	s23 =	simm.s32 $0x1B8B  }
0xa2: {  	_ =	swait.ge [sflag:s23], $0x1  }
0xa3: {  	[sflag:s23] =	ssyncset.done $0x0  }
0xa4: {  	s25 =	simm.s32 $0x1B8E;
	s24 =	sld [smem:$0x3FFE];
	[sflag:s23] =	ssyncadd.s32 $0xFFFFFFFF  }
0xa5: {  	s26 =	simm.s32 $execute0_lowered;
	[smem:$0x3FD2] =	sst s25  }
0xa6: {  	s4 =	sshll.u32 s26, $0x1;
	_ =	strace $0x80000055;
	[dreg:$0x1] =	wrdreg $0xFFFFFFFF  }
0xa7: {  	s28 =	simm.s32 $_size_execute0_lowered;
	s2 =	sadd.s32 s2, s4;
	[dreg:$0x0] =	wrdreg $0x0  }
0xa8: {  	s4 =	sshll.u32 s28, $0x1;
	[dreg:$0x2] =	wrdreg s2  }
0xa9: {  	[dreg:$0x3] =	wrdreg s4  }
0xaa: {  	[dreg:$0x4] =	wrdreg $0xC0  }
0xab: {  	_ =	task [dreg:s6], $0x5FFFF  }
0xac: {  	[dreg:$0x1] =	wrdreg $0xFFFFFFFF  }
0xad: {  	[dreg:$0x0] =	wrdreg $0x60  }
0xae: {  	[dreg:$0x2] =	wrdreg s24  }
0xaf: {  	[dreg:$0x3] =	wrdreg $0x88000  }
0xb0: {  	[dreg:$0x4] =	wrdreg $0x9  }
0xb1: {  	_ =	task.clear_ibuf [dreg:s6], $0x5FFFF;
	_ =	strace $0x90000055  }
0xb2: {  	s29 =	simm.s32 $0x9;
	_ =	strace $0x80000057  }
0xb3: {  	_ =	swait.ge [sflag:s29], $0x1  }
0xb4: {  	[sflag:s29] =	ssyncadd.s32 $0xFFFFFFFF  }
0xb5: {  	_ =	strace $0x90000057  }
0xb6: {  	_ =	sfence  }
0xb7: {  	s30 =	sld [smem:$0x0];
	_ =	sdelay $0x2  }
0xb8: {  	s31 =	sshll.u32 s1, $0xD;
	s1 =	sshrl.u32 s1, $0x2  }
0xb9: {  	s3 =	sand.u32 $0x4000, s31;
	s1 =	sadd.s32 s1, s30  }
0xba: {  	s0 =	sor.u32 s3, s0;
	s1 =	sshll.u32 s1, $0x11  }
0xbb: {  	s0 =	sor.u32 s1, s0  }
0xbc: {  	s0 =	sadd.s32 $0x8F2B, s0  }
0xbd: {  	[sflag:s0] =	ssyncadd.remote.s32 $0x1  }
0xbe: {  	_ =	sfence.sel $0xFFFF  }
0xbf: {  	[dreg:$0x0] =	wrdreg $0xFFFFFFFF;
	(pc) =	sbr.abs _section_cstart, $3  }
0xc0: {  	[dreg:$0x1] =	wrdreg $0xFFFFFFFF  }
0xc1: {  	_ =	task.clear_ibuf [dreg:s6], $0x2FFFF;
	_ =	strace $0x9FFFFFFF  }
0xc2: {  	(tm) =	ssettm $0x7FFFFFFF  }
0xc3: {  	_ =	shalt  }
tec
execute0_lowered:
.L_overlay_start_1:
0x0: {  	(tag) =	ssettag $0x1  }
0x1: {  	s0 =	stileid.u32  }
0x2: {  	s1 =	srdreg.scid;
	s5 =	rddreg [dreg:$0x0]  }
0x3: {  	s2 =	rddreg [dreg:$0x1];
	s3 =	simm.s32 $0x0;
	s6 =	smul.u32 $0x14000, s0  }
0x4: {  	s13 =	simm.s32 $0x80;
	s4 =	sand.u32 $0x1, s1;
	s8 =	smul.u32 $0x5000, s0  }
0x5: {  	s14 =	simm.s32 $0x0;
	s26 =	sshll.u32 s0, $0x1;
	s9 =	smul.u32 $0x50000, s4  }
0x6: {  	[smem:$0x7FF] =	sst s3;
	s1 =	sor.u32 s4, s26;
	s30 =	smul.u32 $0xA000, s4  }
0x7: {  	s11 =	ssub.s32 $0x2, s4;
	s7 =	smul.u32 $0x2800, s1;
	s1 =	rddreg [dreg:$0x2]  }
0x8: {  	_ =	strace $0x80000056;
	s10 =	sadd.s32 s6, s5;
	s29 =	sshrl.u32 s8, $0x3  }
0x9: {  	s12 =	sshrl.u32 s11, $0x1;
	s6 =	sadd.s32 s8, s2;
	s9 =	sadd.s32 s8, s9  }
0xa: {  	s11 =	ssub.s32 s11, s12;
	s31 =	sadd.s32 s30, s10;
	s10 =	simm.s32 $0x1  }
0xb: {  	s12 =	simm.s32 $0x2800;
	s7 =	sshrl.u32 s7, $0x3;
	s9 =	sshrl.u32 s9, $0x3  }
0xc: {  	s8 =	smax.u32 s11, $0x1;
	s11 =	simm.s32 $0x3800;
	s28 =	sadd.s32 s7, s5  }
0xd: {  	s7 =	sadd.s32 s29, s5;
	s9 =	sadd.s32 s9, s5;
	s4 =	sadd.s32 $0x4AC00, s28  }
0xe: {  	s5 =	sadd.s32 $0x36C00, s7;
	s7 =	sadd.s32 $0x194C00, s9;
	s9 =	sadd.s32 $0x54C00, s31  }
.LBB2_1:
0xf: {  	[tilespmem:s3], [sflag:$0x1] =	stream.linear.gather [hbm4b:s4+s3], $0x2800, $0x38;
	[tilespmem:$0xD800] =	vst v63  }
0x10: {  	_ =	swait.ge [sflag:s10], $0x2800  }
0x11: {  	[sflag:s10] =	ssyncset.done $0x0  }
0x12: {  	[sflag:s10] =	ssyncadd.s32 $0xFFFFD800  }
0x13: {  	[tilespmem:s11], [sflag:$0x1] =	stream.linear.gather [hbm4b:s5+s3], $0x5000, $0x38;
	[tilespmem:$0xD800] =	vst v63  }
0x14: {  	_ =	swait.ge [sflag:s10], $0x5000  }
0x15: {  	[sflag:s10] =	ssyncset.done $0x0  }
0x16: {  	[sflag:s10] =	ssyncadd.s32 $0xFFFFB000  }
0x17: {  	[spmem:s6] =	stream.linear.scatter [tilespmem:s11], [sflag:$0x1], $0x5000, $0x38;
	[tilespmem:$0xD800] =	vst v63  }
0x18: {  	_ =	swait.ge [sflag:s10], $0x5000  }
0x19: {  	[sflag:s10] =	ssyncset.done $0x0  }
0x1a: {  	[sflag:s10] =	ssyncadd.s32 $0xFFFFB000  }
0x1b: {  	s15 =	sadd.s32 $0x0, s9;
	[bflag:$0x0] =	sbarrier.arrive $0xFFFF  }
0x1c: {  	[tilespmem:s12], [sflag:$0x1] =	stream.linear.gather [hbm4b:s15+s3], $0x1000, $0x38;
	[tilespmem:$0xD800] =	vst v63  }
0x1d: {  	_ =	swait.ge [sflag:s10], $0x1000  }
0x1e: {  	[sflag:s10] =	ssyncset.done $0x0  }
0x1f: {  	s31 =	simm.s32 $0x0;
	[sflag:s10] =	ssyncadd.s32 $0xFFFFF000  }
0x20: {  	[spmem:s2] =	stream.indirect.scatter.add.f32 [tilespmem:s12], [sflag:$0x1], $0x20, s31, s13, $0xb8;
	[tilespmem:$0xD800] =	vst v63  }
0x21: {  	_ =	swait.ge [sflag:s10], $0x1000  }
0x22: {  	s16 =	simm.s32 $0x400;
	s15 =	simm.s32 $0x200;
	[sflag:s10] =	ssyncset.done $0x0  }
.LBB2_2:
0x23: {  	s17 =	sadd.s32 s15, s9  }
0x24: {  	[sflag:s10] =	ssyncadd.s32 $0xFFFFF000;
	s18 =	smov.u32 s16;
	s19 =	sadd.s32 $0x200, s16  }
0x25: {  	[tilespmem:s12], [sflag:$0x1] =	stream.linear.gather [hbm4b:s17+s3], $0x1000, $0x38;
	[tilespmem:$0xD800] =	vst v63  }
0x26: {  	p0 =	sne.s32 s16, $0x9E00;
	_ =	swait.ge [sflag:s10], $0x1000  }
.Ltmp0:
0x27: {  	[sflag:s10] =	ssyncset.done $0x0;
	(pc) =	sbr.rel @p0 .LBB2_2-.Ltmp0, $4  }
0x28: {  	s16 =	sshra.s32 s15, $0x2;
	s15 =	smov.u32 s18;
	[sflag:s10] =	ssyncadd.s32 $0xFFFFF000  }
0x29: {  	[spmem:s2] =	stream.indirect.scatter.add.f32 [tilespmem:s12], [sflag:$0x1], $0x20, s16, s13, $0xb8;
	[tilespmem:$0xD800] =	vst v63  }
0x2a: {  	_ =	swait.ge [sflag:s10], $0x1000  }
0x2b: {  	s16 =	smov.u32 s19;
	[sflag:s10] =	ssyncset.done $0x0  }
0x2c: {  	s16 =	sadd.s32 s15, s9;
	[sflag:s10] =	ssyncadd.s32 $0xFFFFF000  }
0x2d: {  	[tilespmem:s12], [sflag:$0x1] =	stream.linear.gather [hbm4b:s16+s3], $0x1000, $0x38;
	[tilespmem:$0xD800] =	vst v63  }
0x2e: {  	_ =	swait.ge [sflag:s10], $0x1000  }
0x2f: {  	[sflag:s10] =	ssyncset.done $0x0  }
0x30: {  	s31 =	sshra.s32 s15, $0x2;
	[sflag:s10] =	ssyncadd.s32 $0xFFFFF000  }
0x31: {  	[spmem:s2] =	stream.indirect.scatter.add.f32 [tilespmem:s12], [sflag:$0x1], $0x20, s31, s13, $0xb8;
	[tilespmem:$0xD800] =	vst v63  }
0x32: {  	_ =	swait.ge [sflag:s10], $0x1000  }
0x33: {  	[sflag:s10] =	ssyncset.done $0x0  }
0x34: {  	[sflag:s10] =	ssyncadd.s32 $0xFFFFF000  }
0x35: {  	[bflag:$0x0] =	sbarrier.arrive $0xFFFF  }
0x36: {  	[tilespmem:s11], [sflag:$0x1] =	stream.linear.gather [spmem:s6], $0x5000, $0x38;
	[tilespmem:$0xD800] =	vst v63  }
0x37: {  	s14 =	sadd.s32 $0x1, s14;
	_ =	swait.ge [sflag:s10], $0x5000  }
0x38: {  	p0 =	sne.s32 s14, s8;
	[sflag:s10] =	ssyncset.done $0x0  }
.Ltmp1:
0x39: {  	[sflag:s10] =	ssyncadd.s32 $0xFFFFB000;
	(pc) =	sbr.rel @p0 .LBB2_1-.Ltmp1, $4  }
0x3a: {  	[hbm4b:s7+s3] =	stream.linear.scatter [tilespmem:s11], [sflag:$0x1], $0x5000, $0x38;
	[tilespmem:$0xD800] =	vst v63  }
0x3b: {  	_ =	swait.ge [sflag:s10], $0x5000  }
0x3c: {  	[sflag:s10] =	ssyncset.done $0x0  }
0x3d: {  	[sflag:s10] =	ssyncadd.s32 $0xFFFFB000  }
0x3e: {  	_ =	sfence.sel $0x180000  }
0x3f: {  	[bflag:$0x0] =	sbarrier.arrive $0xFFFF  }
0x40: {  	p0 =	sne.s32 s0, $0x0;
	_ =	strace $0x90000056  }
0x41: {  	s0 =	sadd.s32 @!p0 $0x100000, s1;
	[bflag:$0x2] =	sbarrier.arrive $0xFFFF  }
0x42: {  	[sflag:s0] =	ssyncadd.tile.s32 @!p0 $0x1;
	_ =	shalt  }
.Lfunc_end2:
_tile_overlayer_lowered:
.L_overlay_start_2:
0x43: {  	(tag) =	ssettag $0x2  }
0x44: {  	s0 =	rddreg [dreg:$0x0];
	s2 =	stileid.u32  }
0x45: {  	s1 =	rddreg [dreg:$0x1];
	p0 =	sne.s32 s2, $0x0  }
0x46: {  	s3 =	rddreg [dreg:$0x2];
	[bflag:$0x3] =	sbarrier.arrive $0xFFFF;
	s2 =	simm.s32 @!p0 $0x1C01  }
0x47: {  	[timem:s3], [sflag:s2] =	dma.local @!p0 [hbm:s0], s1  }
0x48: {  	s0 =	simm.s32 @!p0 $0x1  }
0x49: {  	_ =	swait.ge @!p0 [sflag:s0], s1  }
0x4a: {  	s1 =	ssub.s32 @!p0 $0x0, s1;
	[sflag:s0] =	ssyncset.done @!p0 $0x0  }
0x4b: {  	[sflag:s0] =	ssyncadd.s32 @!p0 s1  }
0x4c: {  	[bflag:$0x3] =	sbarrier.arrive $0xFFFF  }
0x4d: {  	_ =	shalt  }

</sc_bundles>
